<compile_context>
chip_gen: v7x
topology: tpu7x:2x2x1
jax: 0.10.2.dev20260603
libtpu: 0.0.44.dev20260713+nightly
codegen_flags: <defaults>
</compile_context>

<pallas_src>
import functools

import jax
import jax.numpy as jnp
from jax.experimental import pallas as pl
from jax.experimental.pallas import tpu as pltpu
from jax.experimental.pallas import tpu_sc as plsc

K = 12
LOG2 = 0.6931471805599453
LOG2E = 1.4426950408889634


def _span_body(cur_ref, nxt_ref, out_ref, *, bl: int, length: int):
    i = pl.program_id(0)
    base = i * bl
    a = cur_ref[...]
    tail = nxt_ref[: K + 4, :]
    row = base + bl + jax.lax.broadcasted_iota(jnp.int32, tail.shape, 0)
    tail = jnp.where(row < length, tail, 0.0)
    w = jnp.concatenate([a, tail], axis=0)
    out_ref[0, :, :] = a + LOG2
    ew = jnp.exp2(w * LOG2E)
    ea = jax.lax.slice_in_dim(ew, 0, bl, axis=0)
    for k in range(1, K):
        eb = jax.lax.slice_in_dim(ew, k, k + bl, axis=0)
        out_ref[k, :, :] = jnp.log2(ea + eb) * LOG2


def _span_reps(x2, L, D):
    bl = 256
    n = L // bl
    return pl.pallas_call(
        functools.partial(_span_body, bl=bl, length=L),
        grid=(n,),
        in_specs=[
            pl.BlockSpec((bl, D), lambda i: (i, 0)),
            pl.BlockSpec((bl, D), lambda i: (jnp.minimum(i + 1, n - 1), 0)),
        ],
        out_specs=pl.BlockSpec((K, bl, D), lambda i: (0, i, 0)),
        out_shape=jax.ShapeDtypeStruct((K, L, D), x2.dtype),
    )(x2, x2)


def _span_idx_planes(L):
    info = plsc.get_sparse_core_info()
    nw = info.num_cores * info.num_subcores
    chunk = L // nw
    mesh = plsc.VectorSubcoreMesh(core_axis_name="c", subcore_axis_name="s")

    @functools.partial(
        pl.kernel,
        mesh=mesh,
        out_type=jax.ShapeDtypeStruct((K, 2, L), jnp.int32),
        scratch_types=[pltpu.VMEM((2 * K, chunk), jnp.int32)],
    )
    def idx_kernel(out_hbm, vm):
        wid = jax.lax.axis_index("s") * info.num_cores + jax.lax.axis_index("c")
        base = wid * chunk
        lane = jax.lax.iota(jnp.int32, 16)
        for k in range(K):
            for p in range(2):
                off = k if p else 0
                for j in range(0, chunk, 16):
                    vm[2 * k + p, pl.ds(j, 16)] = lane + (base + j + off)
        for k in range(K):
            for p in range(2):
                pltpu.sync_copy(
                    vm.at[2 * k + p], out_hbm.at[k, p, pl.ds(base, chunk)]
                )

    return idx_kernel()


def kernel(x):
    B, L, D = x.shape
    x2 = x.reshape(L, D)
    reps_kld = _span_reps(x2, L, D)
    span_reps = jnp.transpose(reps_kld, (1, 0, 2))[None]
    idx_planes = _span_idx_planes(L)
    span_idx = jnp.transpose(idx_planes, (2, 0, 1)).astype(jnp.int64)
    return span_reps, span_idx

# --- scband reference (transcript-rebuilt; emitter-appended) ---
"""Pipeline reference for scband-span-endpoints-v2-90099823935817 (READ-ONLY COPY).

The authoritative reference and input builder live on the scoring server;
editing this copy changes nothing except your own understanding.
"""

import jax, jax.numpy as jnp
import numpy as np
from jax.scipy.special import logsumexp

K = 12  # max_width

def setup_inputs(seed: int = 0) -> dict:
    key = jax.random.key(seed)
    x = jax.random.normal(key, (1, 2048, 768), dtype=jnp.float32)
    return {"x": x}

def reference(x):
    B, L, D = x.shape
    # pad sequence dim with K-1 zeros at the end (matches F.pad per-kernel padding)
    xp = jnp.pad(x, ((0, 0), (0, K - 1), (0, 0)), mode='constant', constant_values=0.0)
    starts = jnp.arange(L)  # [L]
    ends = starts[:, None] + jnp.arange(K)[None, :]  # [L, K], end = i + k - 1 for k=1..K
    # start representation: xp[:, i, :] == x[:, i, :]; broadcast across K
    start_rep = jnp.take(xp, starts, axis=1)  # [B, L, D]
    start_rep = jnp.broadcast_to(start_rep[:, :, None, :], (B, L, K, D))
    # end representation: gather xp at i + k - 1
    end_rep = jnp.take(xp, ends.reshape(-1), axis=1).reshape(B, L, K, D)
    span_reps = jnp.stack([start_rep, end_rep], axis=-2)  # [B, L, K, 2, D]
    # endpoints_logsumexp over the (start, end) pair dim
    span_reps = logsumexp(span_reps, axis=-2)  # [B, L, K, D]
    span_idx = jnp.stack([jnp.broadcast_to(starts[:, None], (L, K)), ends], axis=-1)  # [L, K, 2]
    return (span_reps, span_idx.astype(jnp.int64) if span_idx.dtype != jnp.int64 else span_idx)

if __name__ == "__main__":
    import jax
    _d = setup_inputs()
    print(jax.jit(kernel)(*tuple(_d.values())))

</pallas_src>

<mosaic_0001>
#map = affine_map<(d0, d1) -> (0, 0, 0)>
module attributes {stable_mosaic.version = 14 : i64} {
  func.func @idx_kernel(%arg0: i32, %arg1: i32, %arg2: memref<12x2x2048xi32, #tpu.memory_space<hbm>>, %arg3: memref<24x64xi32, #tpu.memory_space<vmem>>) attributes {dimension_semantics = [#tpu.dimension_semantics<core_parallel>, #tpu.dimension_semantics<subcore_parallel>], iteration_bounds = array<i64: 2, 16>, scalar_prefetch = 0 : i64, scratch_operands = 1 : i64, tpu.core_type = #tpu.core_type<sc_vector_subcore>, window_params = [{transform_indices = #map}]} {
    %mul3A = arith.constant 2 : i32
    %mul3A_0 = arith.muli %arg1, %mul3A : i32
    %add3A = arith.addi %mul3A_0, %arg0 : i32
    %mul3A_1 = arith.constant 64 : i32
    %mul3A_2 = arith.muli %add3A, %mul3A_1 : i32
    %iota3A = tpu.iota {dimensions = array<i32: 0>} : vector<16xi32>
    %add3A_3 = arith.constant 0 : i32
    %add3A_4 = arith.addi %mul3A_2, %add3A_3 : i32
    %add3A_5 = arith.constant 0 : i32
    %add3A_6 = arith.addi %add3A_4, %add3A_5 : i32
    %add3A_7 = vector.broadcast %add3A_6 : i32 to vector<16xi32>
    %add3A_8 = arith.addi %iota3A, %add3A_7 : vector<16xi32>
    %swap3A = arith.constant 0 : i32
    %swap3A_9 = arith.index_cast %swap3A : i32 to index
    %swap3A_10 = arith.constant 0 : index
    %swap3A_11 = tpu.vector_load %arg3[%swap3A_9, %swap3A_10] {strides = array<i32>} : memref<24x64xi32, #tpu.memory_space<vmem>>, vector<1x16xi32>,
    %swap3A_12 = vector.shape_cast %swap3A_11 : vector<1x16xi32> to vector<16xi32>
    %swap3A_13 = vector.shape_cast %add3A_8 : vector<16xi32> to vector<1x16xi32>
    tpu.vector_store %arg3[%swap3A_9, %swap3A_10], %swap3A_13 {strides = array<i32>} : memref<24x64xi32, #tpu.memory_space<vmem>>, vector<1x16xi32>,
    %add3A_14 = arith.constant 16 : i32
    %add3A_15 = arith.addi %mul3A_2, %add3A_14 : i32
    %add3A_16 = arith.constant 0 : i32
    %add3A_17 = arith.addi %add3A_15, %add3A_16 : i32
    %add3A_18 = vector.broadcast %add3A_17 : i32 to vector<16xi32>
    %add3A_19 = arith.addi %iota3A, %add3A_18 : vector<16xi32>
    %swap3A_20 = arith.constant 0 : i32
    %swap3A_21 = arith.index_cast %swap3A_20 : i32 to index
    %swap3A_22 = arith.constant 16 : index
    %swap3A_23 = tpu.vector_load %arg3[%swap3A_21, %swap3A_22] {strides = array<i32>} : memref<24x64xi32, #tpu.memory_space<vmem>>, vector<1x16xi32>,
    %swap3A_24 = vector.shape_cast %swap3A_23 : vector<1x16xi32> to vector<16xi32>
    %swap3A_25 = vector.shape_cast %add3A_19 : vector<16xi32> to vector<1x16xi32>
    tpu.vector_store %arg3[%swap3A_21, %swap3A_22], %swap3A_25 {strides = array<i32>} : memref<24x64xi32, #tpu.memory_space<vmem>>, vector<1x16xi32>,
    %add3A_26 = arith.constant 32 : i32
    %add3A_27 = arith.addi %mul3A_2, %add3A_26 : i32
    %add3A_28 = arith.constant 0 : i32
    %add3A_29 = arith.addi %add3A_27, %add3A_28 : i32
    %add3A_30 = vector.broadcast %add3A_29 : i32 to vector<16xi32>
    %add3A_31 = arith.addi %iota3A, %add3A_30 : vector<16xi32>
    %swap3A_32 = arith.constant 0 : i32
    %swap3A_33 = arith.index_cast %swap3A_32 : i32 to index
    %swap3A_34 = arith.constant 32 : index
    %swap3A_35 = tpu.vector_load %arg3[%swap3A_33, %swap3A_34] {strides = array<i32>} : memref<24x64xi32, #tpu.memory_space<vmem>>, vector<1x16xi32>,
    %swap3A_36 = vector.shape_cast %swap3A_35 : vector<1x16xi32> to vector<16xi32>
    %swap3A_37 = vector.shape_cast %add3A_31 : vector<16xi32> to vector<1x16xi32>
    tpu.vector_store %arg3[%swap3A_33, %swap3A_34], %swap3A_37 {strides = array<i32>} : memref<24x64xi32, #tpu.memory_space<vmem>>, vector<1x16xi32>,
    %add3A_38 = arith.constant 48 : i32
    %add3A_39 = arith.addi %mul3A_2, %add3A_38 : i32
    %add3A_40 = arith.constant 0 : i32
    %add3A_41 = arith.addi %add3A_39, %add3A_40 : i32
    %add3A_42 = vector.broadcast %add3A_41 : i32 to vector<16xi32>
    %add3A_43 = arith.addi %iota3A, %add3A_42 : vector<16xi32>
    %swap3A_44 = arith.constant 0 : i32
    %swap3A_45 = arith.index_cast %swap3A_44 : i32 to index
    %swap3A_46 = arith.constant 48 : index
    %swap3A_47 = tpu.vector_load %arg3[%swap3A_45, %swap3A_46] {strides = array<i32>} : memref<24x64xi32, #tpu.memory_space<vmem>>, vector<1x16xi32>,
    %swap3A_48 = vector.shape_cast %swap3A_47 : vector<1x16xi32> to vector<16xi32>
    %swap3A_49 = vector.shape_cast %add3A_43 : vector<16xi32> to vector<1x16xi32>
    tpu.vector_store %arg3[%swap3A_45, %swap3A_46], %swap3A_49 {strides = array<i32>} : memref<24x64xi32, #tpu.memory_space<vmem>>, vector<1x16xi32>,
    %add3A_50 = arith.constant 0 : i32
    %add3A_51 = arith.addi %mul3A_2, %add3A_50 : i32
    %add3A_52 = arith.constant 0 : i32
    %add3A_53 = arith.addi %add3A_51, %add3A_52 : i32
    %add3A_54 = vector.broadcast %add3A_53 : i32 to vector<16xi32>
    %add3A_55 = arith.addi %iota3A, %add3A_54 : vector<16xi32>
    %swap3A_56 = arith.constant 1 : i32
    %swap3A_57 = arith.index_cast %swap3A_56 : i32 to index
    %swap3A_58 = arith.constant 0 : index
    %swap3A_59 = tpu.vector_load %arg3[%swap3A_57, %swap3A_58] {strides = array<i32>} : memref<24x64xi32, #tpu.memory_space<vmem>>, vector<1x16xi32>,
    %swap3A_60 = vector.shape_cast %swap3A_59 : vector<1x16xi32> to vector<16xi32>
    %swap3A_61 = vector.shape_cast %add3A_55 : vector<16xi32> to vector<1x16xi32>
    tpu.vector_store %arg3[%swap3A_57, %swap3A_58], %swap3A_61 {strides = array<i32>} : memref<24x64xi32, #tpu.memory_space<vmem>>, vector<1x16xi32>,
    %add3A_62 = arith.constant 16 : i32
    %add3A_63 = arith.addi %mul3A_2, %add3A_62 : i32
    %add3A_64 = arith.constant 0 : i32
    %add3A_65 = arith.addi %add3A_63, %add3A_64 : i32
    %add3A_66 = vector.broadcast %add3A_65 : i32 to vector<16xi32>
    %add3A_67 = arith.addi %iota3A, %add3A_66 : vector<16xi32>
    %swap3A_68 = arith.constant 1 : i32
    %swap3A_69 = arith.index_cast %swap3A_68 : i32 to index
    %swap3A_70 = arith.constant 16 : index
    %swap3A_71 = tpu.vector_load %arg3[%swap3A_69, %swap3A_70] {strides = array<i32>} : memref<24x64xi32, #tpu.memory_space<vmem>>, vector<1x16xi32>,
    %swap3A_72 = vector.shape_cast %swap3A_71 : vector<1x16xi32> to vector<16xi32>
    %swap3A_73 = vector.shape_cast %add3A_67 : vector<16xi32> to vector<1x16xi32>
    tpu.vector_store %arg3[%swap3A_69, %swap3A_70], %swap3A_73 {strides = array<i32>} : memref<24x64xi32, #tpu.memory_space<vmem>>, vector<1x16xi32>,
    %add3A_74 = arith.constant 32 : i32
    %add3A_75 = arith.addi %mul3A_2, %add3A_74 : i32
    %add3A_76 = arith.constant 0 : i32
    %add3A_77 = arith.addi %add3A_75, %add3A_76 : i32
    %add3A_78 = vector.broadcast %add3A_77 : i32 to vector<16xi32>
    %add3A_79 = arith.addi %iota3A, %add3A_78 : vector<16xi32>
    %swap3A_80 = arith.constant 1 : i32
    %swap3A_81 = arith.index_cast %swap3A_80 : i32 to index
    %swap3A_82 = arith.constant 32 : index
    %swap3A_83 = tpu.vector_load %arg3[%swap3A_81, %swap3A_82] {strides = array<i32>} : memref<24x64xi32, #tpu.memory_space<vmem>>, vector<1x16xi32>,
    %swap3A_84 = vector.shape_cast %swap3A_83 : vector<1x16xi32> to vector<16xi32>
    %swap3A_85 = vector.shape_cast %add3A_79 : vector<16xi32> to vector<1x16xi32>
    tpu.vector_store %arg3[%swap3A_81, %swap3A_82], %swap3A_85 {strides = array<i32>} : memref<24x64xi32, #tpu.memory_space<vmem>>, vector<1x16xi32>,
    %add3A_86 = arith.constant 48 : i32
    %add3A_87 = arith.addi %mul3A_2, %add3A_86 : i32
    %add3A_88 = arith.constant 0 : i32
    %add3A_89 = arith.addi %add3A_87, %add3A_88 : i32
    %add3A_90 = vector.broadcast %add3A_89 : i32 to vector<16xi32>
    %add3A_91 = arith.addi %iota3A, %add3A_90 : vector<16xi32>
    %swap3A_92 = arith.constant 1 : i32
    %swap3A_93 = arith.index_cast %swap3A_92 : i32 to index
    %swap3A_94 = arith.constant 48 : index
    %swap3A_95 = tpu.vector_load %arg3[%swap3A_93, %swap3A_94] {strides = array<i32>} : memref<24x64xi32, #tpu.memory_space<vmem>>, vector<1x16xi32>,
    %swap3A_96 = vector.shape_cast %swap3A_95 : vector<1x16xi32> to vector<16xi32>
    %swap3A_97 = vector.shape_cast %add3A_91 : vector<16xi32> to vector<1x16xi32>
    tpu.vector_store %arg3[%swap3A_93, %swap3A_94], %swap3A_97 {strides = array<i32>} : memref<24x64xi32, #tpu.memory_space<vmem>>, vector<1x16xi32>,
    %add3A_98 = arith.constant 0 : i32
    %add3A_99 = arith.addi %mul3A_2, %add3A_98 : i32
    %add3A_100 = arith.constant 0 : i32
    %add3A_101 = arith.addi %add3A_99, %add3A_100 : i32
    %add3A_102 = vector.broadcast %add3A_101 : i32 to vector<16xi32>
    %add3A_103 = arith.addi %iota3A, %add3A_102 : vector<16xi32>
    %swap3A_104 = arith.constant 2 : i32
    %swap3A_105 = arith.index_cast %swap3A_104 : i32 to index
    %swap3A_106 = arith.constant 0 : index
    %swap3A_107 = tpu.vector_load %arg3[%swap3A_105, %swap3A_106] {strides = array<i32>} : memref<24x64xi32, #tpu.memory_space<vmem>>, vector<1x16xi32>,
    %swap3A_108 = vector.shape_cast %swap3A_107 : vector<1x16xi32> to vector<16xi32>
    %swap3A_109 = vector.shape_cast %add3A_103 : vector<16xi32> to vector<1x16xi32>
    tpu.vector_store %arg3[%swap3A_105, %swap3A_106], %swap3A_109 {strides = array<i32>} : memref<24x64xi32, #tpu.memory_space<vmem>>, vector<1x16xi32>,
    %add3A_110 = arith.constant 16 : i32
    %add3A_111 = arith.addi %mul3A_2, %add3A_110 : i32
    %add3A_112 = arith.constant 0 : i32
    %add3A_113 = arith.addi %add3A_111, %add3A_112 : i32
    %add3A_114 = vector.broadcast %add3A_113 : i32 to vector<16xi32>
    %add3A_115 = arith.addi %iota3A, %add3A_114 : vector<16xi32>
    %swap3A_116 = arith.constant 2 : i32
    %swap3A_117 = arith.index_cast %swap3A_116 : i32 to index
    %swap3A_118 = arith.constant 16 : index
    %swap3A_119 = tpu.vector_load %arg3[%swap3A_117, %swap3A_118] {strides = array<i32>} : memref<24x64xi32, #tpu.memory_space<vmem>>, vector<1x16xi32>,
    %swap3A_120 = vector.shape_cast %swap3A_119 : vector<1x16xi32> to vector<16xi32>
    %swap3A_121 = vector.shape_cast %add3A_115 : vector<16xi32> to vector<1x16xi32>
    tpu.vector_store %arg3[%swap3A_117, %swap3A_118], %swap3A_121 {strides = array<i32>} : memref<24x64xi32, #tpu.memory_space<vmem>>, vector<1x16xi32>,
    %add3A_122 = arith.constant 32 : i32
    %add3A_123 = arith.addi %mul3A_2, %add3A_122 : i32
    %add3A_124 = arith.constant 0 : i32
    %add3A_125 = arith.addi %add3A_123, %add3A_124 : i32
    %add3A_126 = vector.broadcast %add3A_125 : i32 to vector<16xi32>
    %add3A_127 = arith.addi %iota3A, %add3A_126 : vector<16xi32>
    %swap3A_128 = arith.constant 2 : i32
    %swap3A_129 = arith.index_cast %swap3A_128 : i32 to index
    %swap3A_130 = arith.constant 32 : index
    %swap3A_131 = tpu.vector_load %arg3[%swap3A_129, %swap3A_130] {strides = array<i32>} : memref<24x64xi32, #tpu.memory_space<vmem>>, vector<1x16xi32>,
    %swap3A_132 = vector.shape_cast %swap3A_131 : vector<1x16xi32> to vector<16xi32>
    %swap3A_133 = vector.shape_cast %add3A_127 : vector<16xi32> to vector<1x16xi32>
    tpu.vector_store %arg3[%swap3A_129, %swap3A_130], %swap3A_133 {strides = array<i32>} : memref<24x64xi32, #tpu.memory_space<vmem>>, vector<1x16xi32>,
    %add3A_134 = arith.constant 48 : i32
    %add3A_135 = arith.addi %mul3A_2, %add3A_134 : i32
    %add3A_136 = arith.constant 0 : i32
    %add3A_137 = arith.addi %add3A_135, %add3A_136 : i32
    %add3A_138 = vector.broadcast %add3A_137 : i32 to vector<16xi32>
    %add3A_139 = arith.addi %iota3A, %add3A_138 : vector<16xi32>
    %swap3A_140 = arith.constant 2 : i32
    %swap3A_141 = arith.index_cast %swap3A_140 : i32 to index
    %swap3A_142 = arith.constant 48 : index
    %swap3A_143 = tpu.vector_load %arg3[%swap3A_141, %swap3A_142] {strides = array<i32>} : memref<24x64xi32, #tpu.memory_space<vmem>>, vector<1x16xi32>,
    %swap3A_144 = vector.shape_cast %swap3A_143 : vector<1x16xi32> to vector<16xi32>
    %swap3A_145 = vector.shape_cast %add3A_139 : vector<16xi32> to vector<1x16xi32>
    tpu.vector_store %arg3[%swap3A_141, %swap3A_142], %swap3A_145 {strides = array<i32>} : memref<24x64xi32, #tpu.memory_space<vmem>>, vector<1x16xi32>,
    %add3A_146 = arith.constant 0 : i32
    %add3A_147 = arith.addi %mul3A_2, %add3A_146 : i32
    %add3A_148 = arith.constant 1 : i32
    %add3A_149 = arith.addi %add3A_147, %add3A_148 : i32
    %add3A_150 = vector.broadcast %add3A_149 : i32 to vector<16xi32>
    %add3A_151 = arith.addi %iota3A, %add3A_150 : vector<16xi32>
    %swap3A_152 = arith.constant 3 : i32
    %swap3A_153 = arith.index_cast %swap3A_152 : i32 to index
    %swap3A_154 = arith.constant 0 : index
    %swap3A_155 = tpu.vector_load %arg3[%swap3A_153, %swap3A_154] {strides = array<i32>} : memref<24x64xi32, #tpu.memory_space<vmem>>, vector<1x16xi32>,
    %swap3A_156 = vector.shape_cast %swap3A_155 : vector<1x16xi32> to vector<16xi32>
    %swap3A_157 = vector.shape_cast %add3A_151 : vector<16xi32> to vector<1x16xi32>
    tpu.vector_store %arg3[%swap3A_153, %swap3A_154], %swap3A_157 {strides = array<i32>} : memref<24x64xi32, #tpu.memory_space<vmem>>, vector<1x16xi32>,
    %add3A_158 = arith.constant 16 : i32
    %add3A_159 = arith.addi %mul3A_2, %add3A_158 : i32
    %add3A_160 = arith.constant 1 : i32
    %add3A_161 = arith.addi %add3A_159, %add3A_160 : i32
    %add3A_162 = vector.broadcast %add3A_161 : i32 to vector<16xi32>
    %add3A_163 = arith.addi %iota3A, %add3A_162 : vector<16xi32>
    %swap3A_164 = arith.constant 3 : i32
    %swap3A_165 = arith.index_cast %swap3A_164 : i32 to index
    %swap3A_166 = arith.constant 16 : index
    %swap3A_167 = tpu.vector_load %arg3[%swap3A_165, %swap3A_166] {strides = array<i32>} : memref<24x64xi32, #tpu.memory_space<vmem>>, vector<1x16xi32>,
    %swap3A_168 = vector.shape_cast %swap3A_167 : vector<1x16xi32> to vector<16xi32>
    %swap3A_169 = vector.shape_cast %add3A_163 : vector<16xi32> to vector<1x16xi32>
    tpu.vector_store %arg3[%swap3A_165, %swap3A_166], %swap3A_169 {strides = array<i32>} : memref<24x64xi32, #tpu.memory_space<vmem>>, vector<1x16xi32>,
    %add3A_170 = arith.constant 32 : i32
    %add3A_171 = arith.addi %mul3A_2, %add3A_170 : i32
    %add3A_172 = arith.constant 1 : i32
    %add3A_173 = arith.addi %add3A_171, %add3A_172 : i32
    %add3A_174 = vector.broadcast %add3A_173 : i32 to vector<16xi32>
    %add3A_175 = arith.addi %iota3A, %add3A_174 : vector<16xi32>
    %swap3A_176 = arith.constant 3 : i32
    %swap3A_177 = arith.index_cast %swap3A_176 : i32 to index
    %swap3A_178 = arith.constant 32 : index
    %swap3A_179 = tpu.vector_load %arg3[%swap3A_177, %swap3A_178] {strides = array<i32>} : memref<24x64xi32, #tpu.memory_space<vmem>>, vector<1x16xi32>,
    %swap3A_180 = vector.shape_cast %swap3A_179 : vector<1x16xi32> to vector<16xi32>
    %swap3A_181 = vector.shape_cast %add3A_175 : vector<16xi32> to vector<1x16xi32>
    tpu.vector_store %arg3[%swap3A_177, %swap3A_178], %swap3A_181 {strides = array<i32>} : memref<24x64xi32, #tpu.memory_space<vmem>>, vector<1x16xi32>,
    %add3A_182 = arith.constant 48 : i32
    %add3A_183 = arith.addi %mul3A_2, %add3A_182 : i32
    %add3A_184 = arith.constant 1 : i32
    %add3A_185 = arith.addi %add3A_183, %add3A_184 : i32
    %add3A_186 = vector.broadcast %add3A_185 : i32 to vector<16xi32>
    %add3A_187 = arith.addi %iota3A, %add3A_186 : vector<16xi32>
    %swap3A_188 = arith.constant 3 : i32
    %swap3A_189 = arith.index_cast %swap3A_188 : i32 to index
    %swap3A_190 = arith.constant 48 : index
    %swap3A_191 = tpu.vector_load %arg3[%swap3A_189, %swap3A_190] {strides = array<i32>} : memref<24x64xi32, #tpu.memory_space<vmem>>, vector<1x16xi32>,
    %swap3A_192 = vector.shape_cast %swap3A_191 : vector<1x16xi32> to vector<16xi32>
    %swap3A_193 = vector.shape_cast %add3A_187 : vector<16xi32> to vector<1x16xi32>
    tpu.vector_store %arg3[%swap3A_189, %swap3A_190], %swap3A_193 {strides = array<i32>} : memref<24x64xi32, #tpu.memory_space<vmem>>, vector<1x16xi32>,
    %add3A_194 = arith.constant 0 : i32
    %add3A_195 = arith.addi %mul3A_2, %add3A_194 : i32
    %add3A_196 = arith.constant 0 : i32
    %add3A_197 = arith.addi %add3A_195, %add3A_196 : i32
    %add3A_198 = vector.broadcast %add3A_197 : i32 to vector<16xi32>
    %add3A_199 = arith.addi %iota3A, %add3A_198 : vector<16xi32>
    %swap3A_200 = arith.constant 4 : i32
    %swap3A_201 = arith.index_cast %swap3A_200 : i32 to index
    %swap3A_202 = arith.constant 0 : index
    %swap3A_203 = tpu.vector_load %arg3[%swap3A_201, %swap3A_202] {strides = array<i32>} : memref<24x64xi32, #tpu.memory_space<vmem>>, vector<1x16xi32>,
    %swap3A_204 = vector.shape_cast %swap3A_203 : vector<1x16xi32> to vector<16xi32>
    %swap3A_205 = vector.shape_cast %add3A_199 : vector<16xi32> to vector<1x16xi32>
    tpu.vector_store %arg3[%swap3A_201, %swap3A_202], %swap3A_205 {strides = array<i32>} : memref<24x64xi32, #tpu.memory_space<vmem>>, vector<1x16xi32>,
    %add3A_206 = arith.constant 16 : i32
    %add3A_207 = arith.addi %mul3A_2, %add3A_206 : i32
    %add3A_208 = arith.constant 0 : i32
    %add3A_209 = arith.addi %add3A_207, %add3A_208 : i32
    %add3A_210 = vector.broadcast %add3A_209 : i32 to vector<16xi32>
    %add3A_211 = arith.addi %iota3A, %add3A_210 : vector<16xi32>
    %swap3A_212 = arith.constant 4 : i32
    %swap3A_213 = arith.index_cast %swap3A_212 : i32 to index
    %swap3A_214 = arith.constant 16 : index
    %swap3A_215 = tpu.vector_load %arg3[%swap3A_213, %swap3A_214] {strides = array<i32>} : memref<24x64xi32, #tpu.memory_space<vmem>>, vector<1x16xi32>,
    %swap3A_216 = vector.shape_cast %swap3A_215 : vector<1x16xi32> to vector<16xi32>
    %swap3A_217 = vector.shape_cast %add3A_211 : vector<16xi32> to vector<1x16xi32>
    tpu.vector_store %arg3[%swap3A_213, %swap3A_214], %swap3A_217 {strides = array<i32>} : memref<24x64xi32, #tpu.memory_space<vmem>>, vector<1x16xi32>,
    %add3A_218 = arith.constant 32 : i32
    %add3A_219 = arith.addi %mul3A_2, %add3A_218 : i32
    %add3A_220 = arith.constant 0 : i32
    %add3A_221 = arith.addi %add3A_219, %add3A_220 : i32
    %add3A_222 = vector.broadcast %add3A_221 : i32 to vector<16xi32>
    %add3A_223 = arith.addi %iota3A, %add3A_222 : vector<16xi32>
    %swap3A_224 = arith.constant 4 : i32
    %swap3A_225 = arith.index_cast %swap3A_224 : i32 to index
    %swap3A_226 = arith.constant 32 : index
    %swap3A_227 = tpu.vector_load %arg3[%swap3A_225, %swap3A_226] {strides = array<i32>} : memref<24x64xi32, #tpu.memory_space<vmem>>, vector<1x16xi32>,
    %swap3A_228 = vector.shape_cast %swap3A_227 : vector<1x16xi32> to vector<16xi32>
    %swap3A_229 = vector.shape_cast %add3A_223 : vector<16xi32> to vector<1x16xi32>
    tpu.vector_store %arg3[%swap3A_225, %swap3A_226], %swap3A_229 {strides = array<i32>} : memref<24x64xi32, #tpu.memory_space<vmem>>, vector<1x16xi32>,
    %add3A_230 = arith.constant 48 : i32
    %add3A_231 = arith.addi %mul3A_2, %add3A_230 : i32
    %add3A_232 = arith.constant 0 : i32
    %add3A_233 = arith.addi %add3A_231, %add3A_232 : i32
    %add3A_234 = vector.broadcast %add3A_233 : i32 to vector<16xi32>
    %add3A_235 = arith.addi %iota3A, %add3A_234 : vector<16xi32>
    %swap3A_236 = arith.constant 4 : i32
    %swap3A_237 = arith.index_cast %swap3A_236 : i32 to index
    %swap3A_238 = arith.constant 48 : index
    %swap3A_239 = tpu.vector_load %arg3[%swap3A_237, %swap3A_238] {strides = array<i32>} : memref<24x64xi32, #tpu.memory_space<vmem>>, vector<1x16xi32>,
    %swap3A_240 = vector.shape_cast %swap3A_239 : vector<1x16xi32> to vector<16xi32>
    %swap3A_241 = vector.shape_cast %add3A_235 : vector<16xi32> to vector<1x16xi32>
    tpu.vector_store %arg3[%swap3A_237, %swap3A_238], %swap3A_241 {strides = array<i32>} : memref<24x64xi32, #tpu.memory_space<vmem>>, vector<1x16xi32>,
    %add3A_242 = arith.constant 0 : i32
    %add3A_243 = arith.addi %mul3A_2, %add3A_242 : i32
    %add3A_244 = arith.constant 2 : i32
    %add3A_245 = arith.addi %add3A_243, %add3A_244 : i32
    %add3A_246 = vector.broadcast %add3A_245 : i32 to vector<16xi32>
    %add3A_247 = arith.addi %iota3A, %add3A_246 : vector<16xi32>
    %swap3A_248 = arith.constant 5 : i32
    %swap3A_249 = arith.index_cast %swap3A_248 : i32 to index
    %swap3A_250 = arith.constant 0 : index
    %swap3A_251 = tpu.vector_load %arg3[%swap3A_249, %swap3A_250] {strides = array<i32>} : memref<24x64xi32, #tpu.memory_space<vmem>>, vector<1x16xi32>,
    %swap3A_252 = vector.shape_cast %swap3A_251 : vector<1x16xi32> to vector<16xi32>
    %swap3A_253 = vector.shape_cast %add3A_247 : vector<16xi32> to vector<1x16xi32>
    tpu.vector_store %arg3[%swap3A_249, %swap3A_250], %swap3A_253 {strides = array<i32>} : memref<24x64xi32, #tpu.memory_space<vmem>>, vector<1x16xi32>,
    %add3A_254 = arith.constant 16 : i32
    %add3A_255 = arith.addi %mul3A_2, %add3A_254 : i32
    %add3A_256 = arith.constant 2 : i32
    %add3A_257 = arith.addi %add3A_255, %add3A_256 : i32
    %add3A_258 = vector.broadcast %add3A_257 : i32 to vector<16xi32>
    %add3A_259 = arith.addi %iota3A, %add3A_258 : vector<16xi32>
    %swap3A_260 = arith.constant 5 : i32
    %swap3A_261 = arith.index_cast %swap3A_260 : i32 to index
    %swap3A_262 = arith.constant 16 : index
    %swap3A_263 = tpu.vector_load %arg3[%swap3A_261, %swap3A_262] {strides = array<i32>} : memref<24x64xi32, #tpu.memory_space<vmem>>, vector<1x16xi32>,
    %swap3A_264 = vector.shape_cast %swap3A_263 : vector<1x16xi32> to vector<16xi32>
    %swap3A_265 = vector.shape_cast %add3A_259 : vector<16xi32> to vector<1x16xi32>
    tpu.vector_store %arg3[%swap3A_261, %swap3A_262], %swap3A_265 {strides = array<i32>} : memref<24x64xi32, #tpu.memory_space<vmem>>, vector<1x16xi32>,
    %add3A_266 = arith.constant 32 : i32
    %add3A_267 = arith.addi %mul3A_2, %add3A_266 : i32
    %add3A_268 = arith.constant 2 : i32
    %add3A_269 = arith.addi %add3A_267, %add3A_268 : i32
    %add3A_270 = vector.broadcast %add3A_269 : i32 to vector<16xi32>
    %add3A_271 = arith.addi %iota3A, %add3A_270 : vector<16xi32>
    %swap3A_272 = arith.constant 5 : i32
    %swap3A_273 = arith.index_cast %swap3A_272 : i32 to index
    %swap3A_274 = arith.constant 32 : index
    %swap3A_275 = tpu.vector_load %arg3[%swap3A_273, %swap3A_274] {strides = array<i32>} : memref<24x64xi32, #tpu.memory_space<vmem>>, vector<1x16xi32>,
    %swap3A_276 = vector.shape_cast %swap3A_275 : vector<1x16xi32> to vector<16xi32>
    %swap3A_277 = vector.shape_cast %add3A_271 : vector<16xi32> to vector<1x16xi32>
    tpu.vector_store %arg3[%swap3A_273, %swap3A_274], %swap3A_277 {strides = array<i32>} : memref<24x64xi32, #tpu.memory_space<vmem>>, vector<1x16xi32>,
    %add3A_278 = arith.constant 48 : i32
    %add3A_279 = arith.addi %mul3A_2, %add3A_278 : i32
    %add3A_280 = arith.constant 2 : i32
    %add3A_281 = arith.addi %add3A_279, %add3A_280 : i32
    %add3A_282 = vector.broadcast %add3A_281 : i32 to vector<16xi32>
    %add3A_283 = arith.addi %iota3A, %add3A_282 : vector<16xi32>
    %swap3A_284 = arith.constant 5 : i32
    %swap3A_285 = arith.index_cast %swap3A_284 : i32 to index
    %swap3A_286 = arith.constant 48 : index
    %swap3A_287 = tpu.vector_load %arg3[%swap3A_285, %swap3A_286] {strides = array<i32>} : memref<24x64xi32, #tpu.memory_space<vmem>>, vector<1x16xi32>,
    %swap3A_288 = vector.shape_cast %swap3A_287 : vector<1x16xi32> to vector<16xi32>
    %swap3A_289 = vector.shape_cast %add3A_283 : vector<16xi32> to vector<1x16xi32>
    tpu.vector_store %arg3[%swap3A_285, %swap3A_286], %swap3A_289 {strides = array<i32>} : memref<24x64xi32, #tpu.memory_space<vmem>>, vector<1x16xi32>,
    %add3A_290 = arith.constant 0 : i32
    %add3A_291 = arith.addi %mul3A_2, %add3A_290 : i32
    %add3A_292 = arith.constant 0 : i32
    %add3A_293 = arith.addi %add3A_291, %add3A_292 : i32
    %add3A_294 = vector.broadcast %add3A_293 : i32 to vector<16xi32>
    %add3A_295 = arith.addi %iota3A, %add3A_294 : vector<16xi32>
    %swap3A_296 = arith.constant 6 : i32
    %swap3A_297 = arith.index_cast %swap3A_296 : i32 to index
    %swap3A_298 = arith.constant 0 : index
    %swap3A_299 = tpu.vector_load %arg3[%swap3A_297, %swap3A_298] {strides = array<i32>} : memref<24x64xi32, #tpu.memory_space<vmem>>, vector<1x16xi32>,
    %swap3A_300 = vector.shape_cast %swap3A_299 : vector<1x16xi32> to vector<16xi32>
    %swap3A_301 = vector.shape_cast %add3A_295 : vector<16xi32> to vector<1x16xi32>
    tpu.vector_store %arg3[%swap3A_297, %swap3A_298], %swap3A_301 {strides = array<i32>} : memref<24x64xi32, #tpu.memory_space<vmem>>, vector<1x16xi32>,
    %add3A_302 = arith.constant 16 : i32
    %add3A_303 = arith.addi %mul3A_2, %add3A_302 : i32
    %add3A_304 = arith.constant 0 : i32
    %add3A_305 = arith.addi %add3A_303, %add3A_304 : i32
    %add3A_306 = vector.broadcast %add3A_305 : i32 to vector<16xi32>
    %add3A_307 = arith.addi %iota3A, %add3A_306 : vector<16xi32>
    %swap3A_308 = arith.constant 6 : i32
    %swap3A_309 = arith.index_cast %swap3A_308 : i32 to index
    %swap3A_310 = arith.constant 16 : index
    %swap3A_311 = tpu.vector_load %arg3[%swap3A_309, %swap3A_310] {strides = array<i32>} : memref<24x64xi32, #tpu.memory_space<vmem>>, vector<1x16xi32>,
    %swap3A_312 = vector.shape_cast %swap3A_311 : vector<1x16xi32> to vector<16xi32>
    %swap3A_313 = vector.shape_cast %add3A_307 : vector<16xi32> to vector<1x16xi32>
    tpu.vector_store %arg3[%swap3A_309, %swap3A_310], %swap3A_313 {strides = array<i32>} : memref<24x64xi32, #tpu.memory_space<vmem>>, vector<1x16xi32>,
    %add3A_314 = arith.constant 32 : i32
    %add3A_315 = arith.addi %mul3A_2, %add3A_314 : i32
    %add3A_316 = arith.constant 0 : i32
    %add3A_317 = arith.addi %add3A_315, %add3A_316 : i32
    %add3A_318 = vector.broadcast %add3A_317 : i32 to vector<16xi32>
    %add3A_319 = arith.addi %iota3A, %add3A_318 : vector<16xi32>
    %swap3A_320 = arith.constant 6 : i32
    %swap3A_321 = arith.index_cast %swap3A_320 : i32 to index
    %swap3A_322 = arith.constant 32 : index
    %swap3A_323 = tpu.vector_load %arg3[%swap3A_321, %swap3A_322] {strides = array<i32>} : memref<24x64xi32, #tpu.memory_space<vmem>>, vector<1x16xi32>,
    %swap3A_324 = vector.shape_cast %swap3A_323 : vector<1x16xi32> to vector<16xi32>
    %swap3A_325 = vector.shape_cast %add3A_319 : vector<16xi32> to vector<1x16xi32>
    tpu.vector_store %arg3[%swap3A_321, %swap3A_322], %swap3A_325 {strides = array<i32>} : memref<24x64xi32, #tpu.memory_space<vmem>>, vector<1x16xi32>,
    %add3A_326 = arith.constant 48 : i32
    %add3A_327 = arith.addi %mul3A_2, %add3A_326 : i32
    %add3A_328 = arith.constant 0 : i32
    %add3A_329 = arith.addi %add3A_327, %add3A_328 : i32
    %add3A_330 = vector.broadcast %add3A_329 : i32 to vector<16xi32>
    %add3A_331 = arith.addi %iota3A, %add3A_330 : vector<16xi32>
    %swap3A_332 = arith.constant 6 : i32
    %swap3A_333 = arith.index_cast %swap3A_332 : i32 to index
    %swap3A_334 = arith.constant 48 : index
    %swap3A_335 = tpu.vector_load %arg3[%swap3A_333, %swap3A_334] {strides = array<i32>} : memref<24x64xi32, #tpu.memory_space<vmem>>, vector<1x16xi32>,
    %swap3A_336 = vector.shape_cast %swap3A_335 : vector<1x16xi32> to vector<16xi32>
    %swap3A_337 = vector.shape_cast %add3A_331 : vector<16xi32> to vector<1x16xi32>
    tpu.vector_store %arg3[%swap3A_333, %swap3A_334], %swap3A_337 {strides = array<i32>} : memref<24x64xi32, #tpu.memory_space<vmem>>, vector<1x16xi32>,
    %add3A_338 = arith.constant 0 : i32
    %add3A_339 = arith.addi %mul3A_2, %add3A_338 : i32
    %add3A_340 = arith.constant 3 : i32
    %add3A_341 = arith.addi %add3A_339, %add3A_340 : i32
    %add3A_342 = vector.broadcast %add3A_341 : i32 to vector<16xi32>
    %add3A_343 = arith.addi %iota3A, %add3A_342 : vector<16xi32>
    %swap3A_344 = arith.constant 7 : i32
    %swap3A_345 = arith.index_cast %swap3A_344 : i32 to index
    %swap3A_346 = arith.constant 0 : index
    %swap3A_347 = tpu.vector_load %arg3[%swap3A_345, %swap3A_346] {strides = array<i32>} : memref<24x64xi32, #tpu.memory_space<vmem>>, vector<1x16xi32>,
    %swap3A_348 = vector.shape_cast %swap3A_347 : vector<1x16xi32> to vector<16xi32>
    %swap3A_349 = vector.shape_cast %add3A_343 : vector<16xi32> to vector<1x16xi32>
    tpu.vector_store %arg3[%swap3A_345, %swap3A_346], %swap3A_349 {strides = array<i32>} : memref<24x64xi32, #tpu.memory_space<vmem>>, vector<1x16xi32>,
    %add3A_350 = arith.constant 16 : i32
    %add3A_351 = arith.addi %mul3A_2, %add3A_350 : i32
    %add3A_352 = arith.constant 3 : i32
    %add3A_353 = arith.addi %add3A_351, %add3A_352 : i32
    %add3A_354 = vector.broadcast %add3A_353 : i32 to vector<16xi32>
    %add3A_355 = arith.addi %iota3A, %add3A_354 : vector<16xi32>
    %swap3A_356 = arith.constant 7 : i32
    %swap3A_357 = arith.index_cast %swap3A_356 : i32 to index
    %swap3A_358 = arith.constant 16 : index
    %swap3A_359 = tpu.vector_load %arg3[%swap3A_357, %swap3A_358] {strides = array<i32>} : memref<24x64xi32, #tpu.memory_space<vmem>>, vector<1x16xi32>,
    %swap3A_360 = vector.shape_cast %swap3A_359 : vector<1x16xi32> to vector<16xi32>
    %swap3A_361 = vector.shape_cast %add3A_355 : vector<16xi32> to vector<1x16xi32>
    tpu.vector_store %arg3[%swap3A_357, %swap3A_358], %swap3A_361 {strides = array<i32>} : memref<24x64xi32, #tpu.memory_space<vmem>>, vector<1x16xi32>,
    %add3A_362 = arith.constant 32 : i32
    %add3A_363 = arith.addi %mul3A_2, %add3A_362 : i32
    %add3A_364 = arith.constant 3 : i32
    %add3A_365 = arith.addi %add3A_363, %add3A_364 : i32
    %add3A_366 = vector.broadcast %add3A_365 : i32 to vector<16xi32>
    %add3A_367 = arith.addi %iota3A, %add3A_366 : vector<16xi32>
    %swap3A_368 = arith.constant 7 : i32
    %swap3A_369 = arith.index_cast %swap3A_368 : i32 to index
    %swap3A_370 = arith.constant 32 : index
    %swap3A_371 = tpu.vector_load %arg3[%swap3A_369, %swap3A_370] {strides = array<i32>} : memref<24x64xi32, #tpu.memory_space<vmem>>, vector<1x16xi32>,
    %swap3A_372 = vector.shape_cast %swap3A_371 : vector<1x16xi32> to vector<16xi32>
    %swap3A_373 = vector.shape_cast %add3A_367 : vector<16xi32> to vector<1x16xi32>
    tpu.vector_store %arg3[%swap3A_369, %swap3A_370], %swap3A_373 {strides = array<i32>} : memref<24x64xi32, #tpu.memory_space<vmem>>, vector<1x16xi32>,
    %add3A_374 = arith.constant 48 : i32
    %add3A_375 = arith.addi %mul3A_2, %add3A_374 : i32
    %add3A_376 = arith.constant 3 : i32
    %add3A_377 = arith.addi %add3A_375, %add3A_376 : i32
    %add3A_378 = vector.broadcast %add3A_377 : i32 to vector<16xi32>
    %add3A_379 = arith.addi %iota3A, %add3A_378 : vector<16xi32>
    %swap3A_380 = arith.constant 7 : i32
    %swap3A_381 = arith.index_cast %swap3A_380 : i32 to index
    %swap3A_382 = arith.constant 48 : index
    %swap3A_383 = tpu.vector_load %arg3[%swap3A_381, %swap3A_382] {strides = array<i32>} : memref<24x64xi32, #tpu.memory_space<vmem>>, vector<1x16xi32>,
    %swap3A_384 = vector.shape_cast %swap3A_383 : vector<1x16xi32> to vector<16xi32>
    %swap3A_385 = vector.shape_cast %add3A_379 : vector<16xi32> to vector<1x16xi32>
    tpu.vector_store %arg3[%swap3A_381, %swap3A_382], %swap3A_385 {strides = array<i32>} : memref<24x64xi32, #tpu.memory_space<vmem>>, vector<1x16xi32>,
    %add3A_386 = arith.constant 0 : i32
    %add3A_387 = arith.addi %mul3A_2, %add3A_386 : i32
    %add3A_388 = arith.constant 0 : i32
    %add3A_389 = arith.addi %add3A_387, %add3A_388 : i32
    %add3A_390 = vector.broadcast %add3A_389 : i32 to vector<16xi32>
    %add3A_391 = arith.addi %iota3A, %add3A_390 : vector<16xi32>
    %swap3A_392 = arith.constant 8 : i32
    %swap3A_393 = arith.index_cast %swap3A_392 : i32 to index
    %swap3A_394 = arith.constant 0 : index
    %swap3A_395 = tpu.vector_load %arg3[%swap3A_393, %swap3A_394] {strides = array<i32>} : memref<24x64xi32, #tpu.memory_space<vmem>>, vector<1x16xi32>,
    %swap3A_396 = vector.shape_cast %swap3A_395 : vector<1x16xi32> to vector<16xi32>
    %swap3A_397 = vector.shape_cast %add3A_391 : vector<16xi32> to vector<1x16xi32>
    tpu.vector_store %arg3[%swap3A_393, %swap3A_394], %swap3A_397 {strides = array<i32>} : memref<24x64xi32, #tpu.memory_space<vmem>>, vector<1x16xi32>,
    %add3A_398 = arith.constant 16 : i32
    %add3A_399 = arith.addi %mul3A_2, %add3A_398 : i32
    %add3A_400 = arith.constant 0 : i32
    %add3A_401 = arith.addi %add3A_399, %add3A_400 : i32
    %add3A_402 = vector.broadcast %add3A_401 : i32 to vector<16xi32>
    %add3A_403 = arith.addi %iota3A, %add3A_402 : vector<16xi32>
    %swap3A_404 = arith.constant 8 : i32
    %swap3A_405 = arith.index_cast %swap3A_404 : i32 to index
    %swap3A_406 = arith.constant 16 : index
    %swap3A_407 = tpu.vector_load %arg3[%swap3A_405, %swap3A_406] {strides = array<i32>} : memref<24x64xi32, #tpu.memory_space<vmem>>, vector<1x16xi32>,
    %swap3A_408 = vector.shape_cast %swap3A_407 : vector<1x16xi32> to vector<16xi32>
    %swap3A_409 = vector.shape_cast %add3A_403 : vector<16xi32> to vector<1x16xi32>
    tpu.vector_store %arg3[%swap3A_405, %swap3A_406], %swap3A_409 {strides = array<i32>} : memref<24x64xi32, #tpu.memory_space<vmem>>, vector<1x16xi32>,
    %add3A_410 = arith.constant 32 : i32
    %add3A_411 = arith.addi %mul3A_2, %add3A_410 : i32
    %add3A_412 = arith.constant 0 : i32
    %add3A_413 = arith.addi %add3A_411, %add3A_412 : i32
    %add3A_414 = vector.broadcast %add3A_413 : i32 to vector<16xi32>
    %add3A_415 = arith.addi %iota3A, %add3A_414 : vector<16xi32>
    %swap3A_416 = arith.constant 8 : i32
    %swap3A_417 = arith.index_cast %swap3A_416 : i32 to index
    %swap3A_418 = arith.constant 32 : index
    %swap3A_419 = tpu.vector_load %arg3[%swap3A_417, %swap3A_418] {strides = array<i32>} : memref<24x64xi32, #tpu.memory_space<vmem>>, vector<1x16xi32>,
    %swap3A_420 = vector.shape_cast %swap3A_419 : vector<1x16xi32> to vector<16xi32>
    %swap3A_421 = vector.shape_cast %add3A_415 : vector<16xi32> to vector<1x16xi32>
    tpu.vector_store %arg3[%swap3A_417, %swap3A_418], %swap3A_421 {strides = array<i32>} : memref<24x64xi32, #tpu.memory_space<vmem>>, vector<1x16xi32>,
    %add3A_422 = arith.constant 48 : i32
    %add3A_423 = arith.addi %mul3A_2, %add3A_422 : i32
    %add3A_424 = arith.constant 0 : i32
    %add3A_425 = arith.addi %add3A_423, %add3A_424 : i32
    %add3A_426 = vector.broadcast %add3A_425 : i32 to vector<16xi32>
    %add3A_427 = arith.addi %iota3A, %add3A_426 : vector<16xi32>
    %swap3A_428 = arith.constant 8 : i32
    %swap3A_429 = arith.index_cast %swap3A_428 : i32 to index
    %swap3A_430 = arith.constant 48 : index
    %swap3A_431 = tpu.vector_load %arg3[%swap3A_429, %swap3A_430] {strides = array<i32>} : memref<24x64xi32, #tpu.memory_space<vmem>>, vector<1x16xi32>,
    %swap3A_432 = vector.shape_cast %swap3A_431 : vector<1x16xi32> to vector<16xi32>
    %swap3A_433 = vector.shape_cast %add3A_427 : vector<16xi32> to vector<1x16xi32>
    tpu.vector_store %arg3[%swap3A_429, %swap3A_430], %swap3A_433 {strides = array<i32>} : memref<24x64xi32, #tpu.memory_space<vmem>>, vector<1x16xi32>,
    %add3A_434 = arith.constant 0 : i32
    %add3A_435 = arith.addi %mul3A_2, %add3A_434 : i32
    %add3A_436 = arith.constant 4 : i32
    %add3A_437 = arith.addi %add3A_435, %add3A_436 : i32
    %add3A_438 = vector.broadcast %add3A_437 : i32 to vector<16xi32>
    %add3A_439 = arith.addi %iota3A, %add3A_438 : vector<16xi32>
    %swap3A_440 = arith.constant 9 : i32
    %swap3A_441 = arith.index_cast %swap3A_440 : i32 to index
    %swap3A_442 = arith.constant 0 : index
    %swap3A_443 = tpu.vector_load %arg3[%swap3A_441, %swap3A_442] {strides = array<i32>} : memref<24x64xi32, #tpu.memory_space<vmem>>, vector<1x16xi32>,
    %swap3A_444 = vector.shape_cast %swap3A_443 : vector<1x16xi32> to vector<16xi32>
    %swap3A_445 = vector.shape_cast %add3A_439 : vector<16xi32> to vector<1x16xi32>
    tpu.vector_store %arg3[%swap3A_441, %swap3A_442], %swap3A_445 {strides = array<i32>} : memref<24x64xi32, #tpu.memory_space<vmem>>, vector<1x16xi32>,
    %add3A_446 = arith.constant 16 : i32
    %add3A_447 = arith.addi %mul3A_2, %add3A_446 : i32
    %add3A_448 = arith.constant 4 : i32
    %add3A_449 = arith.addi %add3A_447, %add3A_448 : i32
    %add3A_450 = vector.broadcast %add3A_449 : i32 to vector<16xi32>
    %add3A_451 = arith.addi %iota3A, %add3A_450 : vector<16xi32>
    %swap3A_452 = arith.constant 9 : i32
    %swap3A_453 = arith.index_cast %swap3A_452 : i32 to index
    %swap3A_454 = arith.constant 16 : index
    %swap3A_455 = tpu.vector_load %arg3[%swap3A_453, %swap3A_454] {strides = array<i32>} : memref<24x64xi32, #tpu.memory_space<vmem>>, vector<1x16xi32>,
    %swap3A_456 = vector.shape_cast %swap3A_455 : vector<1x16xi32> to vector<16xi32>
    %swap3A_457 = vector.shape_cast %add3A_451 : vector<16xi32> to vector<1x16xi32>
    tpu.vector_store %arg3[%swap3A_453, %swap3A_454], %swap3A_457 {strides = array<i32>} : memref<24x64xi32, #tpu.memory_space<vmem>>, vector<1x16xi32>,
    %add3A_458 = arith.constant 32 : i32
    %add3A_459 = arith.addi %mul3A_2, %add3A_458 : i32
    %add3A_460 = arith.constant 4 : i32
    %add3A_461 = arith.addi %add3A_459, %add3A_460 : i32
    %add3A_462 = vector.broadcast %add3A_461 : i32 to vector<16xi32>
    %add3A_463 = arith.addi %iota3A, %add3A_462 : vector<16xi32>
    %swap3A_464 = arith.constant 9 : i32
    %swap3A_465 = arith.index_cast %swap3A_464 : i32 to index
    %swap3A_466 = arith.constant 32 : index
    %swap3A_467 = tpu.vector_load %arg3[%swap3A_465, %swap3A_466] {strides = array<i32>} : memref<24x64xi32, #tpu.memory_space<vmem>>, vector<1x16xi32>,
    %swap3A_468 = vector.shape_cast %swap3A_467 : vector<1x16xi32> to vector<16xi32>
    %swap3A_469 = vector.shape_cast %add3A_463 : vector<16xi32> to vector<1x16xi32>
    tpu.vector_store %arg3[%swap3A_465, %swap3A_466], %swap3A_469 {strides = array<i32>} : memref<24x64xi32, #tpu.memory_space<vmem>>, vector<1x16xi32>,
    %add3A_470 = arith.constant 48 : i32
    %add3A_471 = arith.addi %mul3A_2, %add3A_470 : i32
    %add3A_472 = arith.constant 4 : i32
    %add3A_473 = arith.addi %add3A_471, %add3A_472 : i32
    %add3A_474 = vector.broadcast %add3A_473 : i32 to vector<16xi32>
    %add3A_475 = arith.addi %iota3A, %add3A_474 : vector<16xi32>
    %swap3A_476 = arith.constant 9 : i32
    %swap3A_477 = arith.index_cast %swap3A_476 : i32 to index
    %swap3A_478 = arith.constant 48 : index
    %swap3A_479 = tpu.vector_load %arg3[%swap3A_477, %swap3A_478] {strides = array<i32>} : memref<24x64xi32, #tpu.memory_space<vmem>>, vector<1x16xi32>,
    %swap3A_480 = vector.shape_cast %swap3A_479 : vector<1x16xi32> to vector<16xi32>
    %swap3A_481 = vector.shape_cast %add3A_475 : vector<16xi32> to vector<1x16xi32>
    tpu.vector_store %arg3[%swap3A_477, %swap3A_478], %swap3A_481 {strides = array<i32>} : memref<24x64xi32, #tpu.memory_space<vmem>>, vector<1x16xi32>,
    %add3A_482 = arith.constant 0 : i32
    %add3A_483 = arith.addi %mul3A_2, %add3A_482 : i32
    %add3A_484 = arith.constant 0 : i32
    %add3A_485 = arith.addi %add3A_483, %add3A_484 : i32
    %add3A_486 = vector.broadcast %add3A_485 : i32 to vector<16xi32>
    %add3A_487 = arith.addi %iota3A, %add3A_486 : vector<16xi32>
    %swap3A_488 = arith.constant 10 : i32
    %swap3A_489 = arith.index_cast %swap3A_488 : i32 to index
    %swap3A_490 = arith.constant 0 : index
    %swap3A_491 = tpu.vector_load %arg3[%swap3A_489, %swap3A_490] {strides = array<i32>} : memref<24x64xi32, #tpu.memory_space<vmem>>, vector<1x16xi32>,
    %swap3A_492 = vector.shape_cast %swap3A_491 : vector<1x16xi32> to vector<16xi32>
    %swap3A_493 = vector.shape_cast %add3A_487 : vector<16xi32> to vector<1x16xi32>
    tpu.vector_store %arg3[%swap3A_489, %swap3A_490], %swap3A_493 {strides = array<i32>} : memref<24x64xi32, #tpu.memory_space<vmem>>, vector<1x16xi32>,
    %add3A_494 = arith.constant 16 : i32
    %add3A_495 = arith.addi %mul3A_2, %add3A_494 : i32
    %add3A_496 = arith.constant 0 : i32
    %add3A_497 = arith.addi %add3A_495, %add3A_496 : i32
    %add3A_498 = vector.broadcast %add3A_497 : i32 to vector<16xi32>
    %add3A_499 = arith.addi %iota3A, %add3A_498 : vector<16xi32>
    %swap3A_500 = arith.constant 10 : i32
    %swap3A_501 = arith.index_cast %swap3A_500 : i32 to index
    %swap3A_502 = arith.constant 16 : index
    %swap3A_503 = tpu.vector_load %arg3[%swap3A_501, %swap3A_502] {strides = array<i32>} : memref<24x64xi32, #tpu.memory_space<vmem>>, vector<1x16xi32>,
    %swap3A_504 = vector.shape_cast %swap3A_503 : vector<1x16xi32> to vector<16xi32>
    %swap3A_505 = vector.shape_cast %add3A_499 : vector<16xi32> to vector<1x16xi32>
    tpu.vector_store %arg3[%swap3A_501, %swap3A_502], %swap3A_505 {strides = array<i32>} : memref<24x64xi32, #tpu.memory_space<vmem>>, vector<1x16xi32>,
    %add3A_506 = arith.constant 32 : i32
    %add3A_507 = arith.addi %mul3A_2, %add3A_506 : i32
    %add3A_508 = arith.constant 0 : i32
    %add3A_509 = arith.addi %add3A_507, %add3A_508 : i32
    %add3A_510 = vector.broadcast %add3A_509 : i32 to vector<16xi32>
    %add3A_511 = arith.addi %iota3A, %add3A_510 : vector<16xi32>
    %swap3A_512 = arith.constant 10 : i32
    %swap3A_513 = arith.index_cast %swap3A_512 : i32 to index
    %swap3A_514 = arith.constant 32 : index
    %swap3A_515 = tpu.vector_load %arg3[%swap3A_513, %swap3A_514] {strides = array<i32>} : memref<24x64xi32, #tpu.memory_space<vmem>>, vector<1x16xi32>,
    %swap3A_516 = vector.shape_cast %swap3A_515 : vector<1x16xi32> to vector<16xi32>
    %swap3A_517 = vector.shape_cast %add3A_511 : vector<16xi32> to vector<1x16xi32>
    tpu.vector_store %arg3[%swap3A_513, %swap3A_514], %swap3A_517 {strides = array<i32>} : memref<24x64xi32, #tpu.memory_space<vmem>>, vector<1x16xi32>,
    %add3A_518 = arith.constant 48 : i32
    %add3A_519 = arith.addi %mul3A_2, %add3A_518 : i32
    %add3A_520 = arith.constant 0 : i32
    %add3A_521 = arith.addi %add3A_519, %add3A_520 : i32
    %add3A_522 = vector.broadcast %add3A_521 : i32 to vector<16xi32>
    %add3A_523 = arith.addi %iota3A, %add3A_522 : vector<16xi32>
    %swap3A_524 = arith.constant 10 : i32
    %swap3A_525 = arith.index_cast %swap3A_524 : i32 to index
    %swap3A_526 = arith.constant 48 : index
    %swap3A_527 = tpu.vector_load %arg3[%swap3A_525, %swap3A_526] {strides = array<i32>} : memref<24x64xi32, #tpu.memory_space<vmem>>, vector<1x16xi32>,
    %swap3A_528 = vector.shape_cast %swap3A_527 : vector<1x16xi32> to vector<16xi32>
    %swap3A_529 = vector.shape_cast %add3A_523 : vector<16xi32> to vector<1x16xi32>
    tpu.vector_store %arg3[%swap3A_525, %swap3A_526], %swap3A_529 {strides = array<i32>} : memref<24x64xi32, #tpu.memory_space<vmem>>, vector<1x16xi32>,
    %add3A_530 = arith.constant 0 : i32
    %add3A_531 = arith.addi %mul3A_2, %add3A_530 : i32
    %add3A_532 = arith.constant 5 : i32
    %add3A_533 = arith.addi %add3A_531, %add3A_532 : i32
    %add3A_534 = vector.broadcast %add3A_533 : i32 to vector<16xi32>
    %add3A_535 = arith.addi %iota3A, %add3A_534 : vector<16xi32>
    %swap3A_536 = arith.constant 11 : i32
    %swap3A_537 = arith.index_cast %swap3A_536 : i32 to index
    %swap3A_538 = arith.constant 0 : index
    %swap3A_539 = tpu.vector_load %arg3[%swap3A_537, %swap3A_538] {strides = array<i32>} : memref<24x64xi32, #tpu.memory_space<vmem>>, vector<1x16xi32>,
    %swap3A_540 = vector.shape_cast %swap3A_539 : vector<1x16xi32> to vector<16xi32>
    %swap3A_541 = vector.shape_cast %add3A_535 : vector<16xi32> to vector<1x16xi32>
    tpu.vector_store %arg3[%swap3A_537, %swap3A_538], %swap3A_541 {strides = array<i32>} : memref<24x64xi32, #tpu.memory_space<vmem>>, vector<1x16xi32>,
    %add3A_542 = arith.constant 16 : i32
    %add3A_543 = arith.addi %mul3A_2, %add3A_542 : i32
    %add3A_544 = arith.constant 5 : i32
    %add3A_545 = arith.addi %add3A_543, %add3A_544 : i32
    %add3A_546 = vector.broadcast %add3A_545 : i32 to vector<16xi32>
    %add3A_547 = arith.addi %iota3A, %add3A_546 : vector<16xi32>
    %swap3A_548 = arith.constant 11 : i32
    %swap3A_549 = arith.index_cast %swap3A_548 : i32 to index
    %swap3A_550 = arith.constant 16 : index
    %swap3A_551 = tpu.vector_load %arg3[%swap3A_549, %swap3A_550] {strides = array<i32>} : memref<24x64xi32, #tpu.memory_space<vmem>>, vector<1x16xi32>,
    %swap3A_552 = vector.shape_cast %swap3A_551 : vector<1x16xi32> to vector<16xi32>
    %swap3A_553 = vector.shape_cast %add3A_547 : vector<16xi32> to vector<1x16xi32>
    tpu.vector_store %arg3[%swap3A_549, %swap3A_550], %swap3A_553 {strides = array<i32>} : memref<24x64xi32, #tpu.memory_space<vmem>>, vector<1x16xi32>,
    %add3A_554 = arith.constant 32 : i32
    %add3A_555 = arith.addi %mul3A_2, %add3A_554 : i32
    %add3A_556 = arith.constant 5 : i32
    %add3A_557 = arith.addi %add3A_555, %add3A_556 : i32
    %add3A_558 = vector.broadcast %add3A_557 : i32 to vector<16xi32>
    %add3A_559 = arith.addi %iota3A, %add3A_558 : vector<16xi32>
    %swap3A_560 = arith.constant 11 : i32
    %swap3A_561 = arith.index_cast %swap3A_560 : i32 to index
    %swap3A_562 = arith.constant 32 : index
    %swap3A_563 = tpu.vector_load %arg3[%swap3A_561, %swap3A_562] {strides = array<i32>} : memref<24x64xi32, #tpu.memory_space<vmem>>, vector<1x16xi32>,
    %swap3A_564 = vector.shape_cast %swap3A_563 : vector<1x16xi32> to vector<16xi32>
    %swap3A_565 = vector.shape_cast %add3A_559 : vector<16xi32> to vector<1x16xi32>
    tpu.vector_store %arg3[%swap3A_561, %swap3A_562], %swap3A_565 {strides = array<i32>} : memref<24x64xi32, #tpu.memory_space<vmem>>, vector<1x16xi32>,
    %add3A_566 = arith.constant 48 : i32
    %add3A_567 = arith.addi %mul3A_2, %add3A_566 : i32
    %add3A_568 = arith.constant 5 : i32
    %add3A_569 = arith.addi %add3A_567, %add3A_568 : i32
    %add3A_570 = vector.broadcast %add3A_569 : i32 to vector<16xi32>
    %add3A_571 = arith.addi %iota3A, %add3A_570 : vector<16xi32>
    %swap3A_572 = arith.constant 11 : i32
    %swap3A_573 = arith.index_cast %swap3A_572 : i32 to index
    %swap3A_574 = arith.constant 48 : index
    %swap3A_575 = tpu.vector_load %arg3[%swap3A_573, %swap3A_574] {strides = array<i32>} : memref<24x64xi32, #tpu.memory_space<vmem>>, vector<1x16xi32>,
    %swap3A_576 = vector.shape_cast %swap3A_575 : vector<1x16xi32> to vector<16xi32>
    %swap3A_577 = vector.shape_cast %add3A_571 : vector<16xi32> to vector<1x16xi32>
    tpu.vector_store %arg3[%swap3A_573, %swap3A_574], %swap3A_577 {strides = array<i32>} : memref<24x64xi32, #tpu.memory_space<vmem>>, vector<1x16xi32>,
    %add3A_578 = arith.constant 0 : i32
    %add3A_579 = arith.addi %mul3A_2, %add3A_578 : i32
    %add3A_580 = arith.constant 0 : i32
    %add3A_581 = arith.addi %add3A_579, %add3A_580 : i32
    %add3A_582 = vector.broadcast %add3A_581 : i32 to vector<16xi32>
    %add3A_583 = arith.addi %iota3A, %add3A_582 : vector<16xi32>
    %swap3A_584 = arith.constant 12 : i32
    %swap3A_585 = arith.index_cast %swap3A_584 : i32 to index
    %swap3A_586 = arith.constant 0 : index
    %swap3A_587 = tpu.vector_load %arg3[%swap3A_585, %swap3A_586] {strides = array<i32>} : memref<24x64xi32, #tpu.memory_space<vmem>>, vector<1x16xi32>,
    %swap3A_588 = vector.shape_cast %swap3A_587 : vector<1x16xi32> to vector<16xi32>
    %swap3A_589 = vector.shape_cast %add3A_583 : vector<16xi32> to vector<1x16xi32>
    tpu.vector_store %arg3[%swap3A_585, %swap3A_586], %swap3A_589 {strides = array<i32>} : memref<24x64xi32, #tpu.memory_space<vmem>>, vector<1x16xi32>,
    %add3A_590 = arith.constant 16 : i32
    %add3A_591 = arith.addi %mul3A_2, %add3A_590 : i32
    %add3A_592 = arith.constant 0 : i32
    %add3A_593 = arith.addi %add3A_591, %add3A_592 : i32
    %add3A_594 = vector.broadcast %add3A_593 : i32 to vector<16xi32>
    %add3A_595 = arith.addi %iota3A, %add3A_594 : vector<16xi32>
    %swap3A_596 = arith.constant 12 : i32
    %swap3A_597 = arith.index_cast %swap3A_596 : i32 to index
    %swap3A_598 = arith.constant 16 : index
    %swap3A_599 = tpu.vector_load %arg3[%swap3A_597, %swap3A_598] {strides = array<i32>} : memref<24x64xi32, #tpu.memory_space<vmem>>, vector<1x16xi32>,
    %swap3A_600 = vector.shape_cast %swap3A_599 : vector<1x16xi32> to vector<16xi32>
    %swap3A_601 = vector.shape_cast %add3A_595 : vector<16xi32> to vector<1x16xi32>
    tpu.vector_store %arg3[%swap3A_597, %swap3A_598], %swap3A_601 {strides = array<i32>} : memref<24x64xi32, #tpu.memory_space<vmem>>, vector<1x16xi32>,
    %add3A_602 = arith.constant 32 : i32
    %add3A_603 = arith.addi %mul3A_2, %add3A_602 : i32
    %add3A_604 = arith.constant 0 : i32
    %add3A_605 = arith.addi %add3A_603, %add3A_604 : i32
    %add3A_606 = vector.broadcast %add3A_605 : i32 to vector<16xi32>
    %add3A_607 = arith.addi %iota3A, %add3A_606 : vector<16xi32>
    %swap3A_608 = arith.constant 12 : i32
    %swap3A_609 = arith.index_cast %swap3A_608 : i32 to index
    %swap3A_610 = arith.constant 32 : index
    %swap3A_611 = tpu.vector_load %arg3[%swap3A_609, %swap3A_610] {strides = array<i32>} : memref<24x64xi32, #tpu.memory_space<vmem>>, vector<1x16xi32>,
    %swap3A_612 = vector.shape_cast %swap3A_611 : vector<1x16xi32> to vector<16xi32>
    %swap3A_613 = vector.shape_cast %add3A_607 : vector<16xi32> to vector<1x16xi32>
    tpu.vector_store %arg3[%swap3A_609, %swap3A_610], %swap3A_613 {strides = array<i32>} : memref<24x64xi32, #tpu.memory_space<vmem>>, vector<1x16xi32>,
    %add3A_614 = arith.constant 48 : i32
    %add3A_615 = arith.addi %mul3A_2, %add3A_614 : i32
    %add3A_616 = arith.constant 0 : i32
    %add3A_617 = arith.addi %add3A_615, %add3A_616 : i32
    %add3A_618 = vector.broadcast %add3A_617 : i32 to vector<16xi32>
    %add3A_619 = arith.addi %iota3A, %add3A_618 : vector<16xi32>
    %swap3A_620 = arith.constant 12 : i32
    %swap3A_621 = arith.index_cast %swap3A_620 : i32 to index
    %swap3A_622 = arith.constant 48 : index
    %swap3A_623 = tpu.vector_load %arg3[%swap3A_621, %swap3A_622] {strides = array<i32>} : memref<24x64xi32, #tpu.memory_space<vmem>>, vector<1x16xi32>,
    %swap3A_624 = vector.shape_cast %swap3A_623 : vector<1x16xi32> to vector<16xi32>
    %swap3A_625 = vector.shape_cast %add3A_619 : vector<16xi32> to vector<1x16xi32>
    tpu.vector_store %arg3[%swap3A_621, %swap3A_622], %swap3A_625 {strides = array<i32>} : memref<24x64xi32, #tpu.memory_space<vmem>>, vector<1x16xi32>,
    %add3A_626 = arith.constant 0 : i32
    %add3A_627 = arith.addi %mul3A_2, %add3A_626 : i32
    %add3A_628 = arith.constant 6 : i32
    %add3A_629 = arith.addi %add3A_627, %add3A_628 : i32
    %add3A_630 = vector.broadcast %add3A_629 : i32 to vector<16xi32>
    %add3A_631 = arith.addi %iota3A, %add3A_630 : vector<16xi32>
    %swap3A_632 = arith.constant 13 : i32
    %swap3A_633 = arith.index_cast %swap3A_632 : i32 to index
    %swap3A_634 = arith.constant 0 : index
    %swap3A_635 = tpu.vector_load %arg3[%swap3A_633, %swap3A_634] {strides = array<i32>} : memref<24x64xi32, #tpu.memory_space<vmem>>, vector<1x16xi32>,
    %swap3A_636 = vector.shape_cast %swap3A_635 : vector<1x16xi32> to vector<16xi32>
    %swap3A_637 = vector.shape_cast %add3A_631 : vector<16xi32> to vector<1x16xi32>
    tpu.vector_store %arg3[%swap3A_633, %swap3A_634], %swap3A_637 {strides = array<i32>} : memref<24x64xi32, #tpu.memory_space<vmem>>, vector<1x16xi32>,
    %add3A_638 = arith.constant 16 : i32
    %add3A_639 = arith.addi %mul3A_2, %add3A_638 : i32
    %add3A_640 = arith.constant 6 : i32
    %add3A_641 = arith.addi %add3A_639, %add3A_640 : i32
    %add3A_642 = vector.broadcast %add3A_641 : i32 to vector<16xi32>
    %add3A_643 = arith.addi %iota3A, %add3A_642 : vector<16xi32>
    %swap3A_644 = arith.constant 13 : i32
    %swap3A_645 = arith.index_cast %swap3A_644 : i32 to index
    %swap3A_646 = arith.constant 16 : index
    %swap3A_647 = tpu.vector_load %arg3[%swap3A_645, %swap3A_646] {strides = array<i32>} : memref<24x64xi32, #tpu.memory_space<vmem>>, vector<1x16xi32>,
    %swap3A_648 = vector.shape_cast %swap3A_647 : vector<1x16xi32> to vector<16xi32>
    %swap3A_649 = vector.shape_cast %add3A_643 : vector<16xi32> to vector<1x16xi32>
    tpu.vector_store %arg3[%swap3A_645, %swap3A_646], %swap3A_649 {strides = array<i32>} : memref<24x64xi32, #tpu.memory_space<vmem>>, vector<1x16xi32>,
    %add3A_650 = arith.constant 32 : i32
    %add3A_651 = arith.addi %mul3A_2, %add3A_650 : i32
    %add3A_652 = arith.constant 6 : i32
    %add3A_653 = arith.addi %add3A_651, %add3A_652 : i32
    %add3A_654 = vector.broadcast %add3A_653 : i32 to vector<16xi32>
    %add3A_655 = arith.addi %iota3A, %add3A_654 : vector<16xi32>
    %swap3A_656 = arith.constant 13 : i32
    %swap3A_657 = arith.index_cast %swap3A_656 : i32 to index
    %swap3A_658 = arith.constant 32 : index
    %swap3A_659 = tpu.vector_load %arg3[%swap3A_657, %swap3A_658] {strides = array<i32>} : memref<24x64xi32, #tpu.memory_space<vmem>>, vector<1x16xi32>,
    %swap3A_660 = vector.shape_cast %swap3A_659 : vector<1x16xi32> to vector<16xi32>
    %swap3A_661 = vector.shape_cast %add3A_655 : vector<16xi32> to vector<1x16xi32>
    tpu.vector_store %arg3[%swap3A_657, %swap3A_658], %swap3A_661 {strides = array<i32>} : memref<24x64xi32, #tpu.memory_space<vmem>>, vector<1x16xi32>,
    %add3A_662 = arith.constant 48 : i32
    %add3A_663 = arith.addi %mul3A_2, %add3A_662 : i32
    %add3A_664 = arith.constant 6 : i32
    %add3A_665 = arith.addi %add3A_663, %add3A_664 : i32
    %add3A_666 = vector.broadcast %add3A_665 : i32 to vector<16xi32>
    %add3A_667 = arith.addi %iota3A, %add3A_666 : vector<16xi32>
    %swap3A_668 = arith.constant 13 : i32
    %swap3A_669 = arith.index_cast %swap3A_668 : i32 to index
    %swap3A_670 = arith.constant 48 : index
    %swap3A_671 = tpu.vector_load %arg3[%swap3A_669, %swap3A_670] {strides = array<i32>} : memref<24x64xi32, #tpu.memory_space<vmem>>, vector<1x16xi32>,
    %swap3A_672 = vector.shape_cast %swap3A_671 : vector<1x16xi32> to vector<16xi32>
    %swap3A_673 = vector.shape_cast %add3A_667 : vector<16xi32> to vector<1x16xi32>
    tpu.vector_store %arg3[%swap3A_669, %swap3A_670], %swap3A_673 {strides = array<i32>} : memref<24x64xi32, #tpu.memory_space<vmem>>, vector<1x16xi32>,
    %add3A_674 = arith.constant 0 : i32
    %add3A_675 = arith.addi %mul3A_2, %add3A_674 : i32
    %add3A_676 = arith.constant 0 : i32
    %add3A_677 = arith.addi %add3A_675, %add3A_676 : i32
    %add3A_678 = vector.broadcast %add3A_677 : i32 to vector<16xi32>
    %add3A_679 = arith.addi %iota3A, %add3A_678 : vector<16xi32>
    %swap3A_680 = arith.constant 14 : i32
    %swap3A_681 = arith.index_cast %swap3A_680 : i32 to index
    %swap3A_682 = arith.constant 0 : index
    %swap3A_683 = tpu.vector_load %arg3[%swap3A_681, %swap3A_682] {strides = array<i32>} : memref<24x64xi32, #tpu.memory_space<vmem>>, vector<1x16xi32>,
    %swap3A_684 = vector.shape_cast %swap3A_683 : vector<1x16xi32> to vector<16xi32>
    %swap3A_685 = vector.shape_cast %add3A_679 : vector<16xi32> to vector<1x16xi32>
    tpu.vector_store %arg3[%swap3A_681, %swap3A_682], %swap3A_685 {strides = array<i32>} : memref<24x64xi32, #tpu.memory_space<vmem>>, vector<1x16xi32>,
    %add3A_686 = arith.constant 16 : i32
    %add3A_687 = arith.addi %mul3A_2, %add3A_686 : i32
    %add3A_688 = arith.constant 0 : i32
    %add3A_689 = arith.addi %add3A_687, %add3A_688 : i32
    %add3A_690 = vector.broadcast %add3A_689 : i32 to vector<16xi32>
    %add3A_691 = arith.addi %iota3A, %add3A_690 : vector<16xi32>
    %swap3A_692 = arith.constant 14 : i32
    %swap3A_693 = arith.index_cast %swap3A_692 : i32 to index
    %swap3A_694 = arith.constant 16 : index
    %swap3A_695 = tpu.vector_load %arg3[%swap3A_693, %swap3A_694] {strides = array<i32>} : memref<24x64xi32, #tpu.memory_space<vmem>>, vector<1x16xi32>,
    %swap3A_696 = vector.shape_cast %swap3A_695 : vector<1x16xi32> to vector<16xi32>
    %swap3A_697 = vector.shape_cast %add3A_691 : vector<16xi32> to vector<1x16xi32>
    tpu.vector_store %arg3[%swap3A_693, %swap3A_694], %swap3A_697 {strides = array<i32>} : memref<24x64xi32, #tpu.memory_space<vmem>>, vector<1x16xi32>,
    %add3A_698 = arith.constant 32 : i32
    %add3A_699 = arith.addi %mul3A_2, %add3A_698 : i32
    %add3A_700 = arith.constant 0 : i32
    %add3A_701 = arith.addi %add3A_699, %add3A_700 : i32
    %add3A_702 = vector.broadcast %add3A_701 : i32 to vector<16xi32>
    %add3A_703 = arith.addi %iota3A, %add3A_702 : vector<16xi32>
    %swap3A_704 = arith.constant 14 : i32
    %swap3A_705 = arith.index_cast %swap3A_704 : i32 to index
    %swap3A_706 = arith.constant 32 : index
    %swap3A_707 = tpu.vector_load %arg3[%swap3A_705, %swap3A_706] {strides = array<i32>} : memref<24x64xi32, #tpu.memory_space<vmem>>, vector<1x16xi32>,
    %swap3A_708 = vector.shape_cast %swap3A_707 : vector<1x16xi32> to vector<16xi32>
    %swap3A_709 = vector.shape_cast %add3A_703 : vector<16xi32> to vector<1x16xi32>
    tpu.vector_store %arg3[%swap3A_705, %swap3A_706], %swap3A_709 {strides = array<i32>} : memref<24x64xi32, #tpu.memory_space<vmem>>, vector<1x16xi32>,
    %add3A_710 = arith.constant 48 : i32
    %add3A_711 = arith.addi %mul3A_2, %add3A_710 : i32
    %add3A_712 = arith.constant 0 : i32
    %add3A_713 = arith.addi %add3A_711, %add3A_712 : i32
    %add3A_714 = vector.broadcast %add3A_713 : i32 to vector<16xi32>
    %add3A_715 = arith.addi %iota3A, %add3A_714 : vector<16xi32>
    %swap3A_716 = arith.constant 14 : i32
    %swap3A_717 = arith.index_cast %swap3A_716 : i32 to index
    %swap3A_718 = arith.constant 48 : index
    %swap3A_719 = tpu.vector_load %arg3[%swap3A_717, %swap3A_718] {strides = array<i32>} : memref<24x64xi32, #tpu.memory_space<vmem>>, vector<1x16xi32>,
    %swap3A_720 = vector.shape_cast %swap3A_719 : vector<1x16xi32> to vector<16xi32>
    %swap3A_721 = vector.shape_cast %add3A_715 : vector<16xi32> to vector<1x16xi32>
    tpu.vector_store %arg3[%swap3A_717, %swap3A_718], %swap3A_721 {strides = array<i32>} : memref<24x64xi32, #tpu.memory_space<vmem>>, vector<1x16xi32>,
    %add3A_722 = arith.constant 0 : i32
    %add3A_723 = arith.addi %mul3A_2, %add3A_722 : i32
    %add3A_724 = arith.constant 7 : i32
    %add3A_725 = arith.addi %add3A_723, %add3A_724 : i32
    %add3A_726 = vector.broadcast %add3A_725 : i32 to vector<16xi32>
    %add3A_727 = arith.addi %iota3A, %add3A_726 : vector<16xi32>
    %swap3A_728 = arith.constant 15 : i32
    %swap3A_729 = arith.index_cast %swap3A_728 : i32 to index
    %swap3A_730 = arith.constant 0 : index
    %swap3A_731 = tpu.vector_load %arg3[%swap3A_729, %swap3A_730] {strides = array<i32>} : memref<24x64xi32, #tpu.memory_space<vmem>>, vector<1x16xi32>,
    %swap3A_732 = vector.shape_cast %swap3A_731 : vector<1x16xi32> to vector<16xi32>
    %swap3A_733 = vector.shape_cast %add3A_727 : vector<16xi32> to vector<1x16xi32>
    tpu.vector_store %arg3[%swap3A_729, %swap3A_730], %swap3A_733 {strides = array<i32>} : memref<24x64xi32, #tpu.memory_space<vmem>>, vector<1x16xi32>,
    %add3A_734 = arith.constant 16 : i32
    %add3A_735 = arith.addi %mul3A_2, %add3A_734 : i32
    %add3A_736 = arith.constant 7 : i32
    %add3A_737 = arith.addi %add3A_735, %add3A_736 : i32
    %add3A_738 = vector.broadcast %add3A_737 : i32 to vector<16xi32>
    %add3A_739 = arith.addi %iota3A, %add3A_738 : vector<16xi32>
    %swap3A_740 = arith.constant 15 : i32
    %swap3A_741 = arith.index_cast %swap3A_740 : i32 to index
    %swap3A_742 = arith.constant 16 : index
    %swap3A_743 = tpu.vector_load %arg3[%swap3A_741, %swap3A_742] {strides = array<i32>} : memref<24x64xi32, #tpu.memory_space<vmem>>, vector<1x16xi32>,
    %swap3A_744 = vector.shape_cast %swap3A_743 : vector<1x16xi32> to vector<16xi32>
    %swap3A_745 = vector.shape_cast %add3A_739 : vector<16xi32> to vector<1x16xi32>
    tpu.vector_store %arg3[%swap3A_741, %swap3A_742], %swap3A_745 {strides = array<i32>} : memref<24x64xi32, #tpu.memory_space<vmem>>, vector<1x16xi32>,
    %add3A_746 = arith.constant 32 : i32
    %add3A_747 = arith.addi %mul3A_2, %add3A_746 : i32
    %add3A_748 = arith.constant 7 : i32
    %add3A_749 = arith.addi %add3A_747, %add3A_748 : i32
    %add3A_750 = vector.broadcast %add3A_749 : i32 to vector<16xi32>
    %add3A_751 = arith.addi %iota3A, %add3A_750 : vector<16xi32>
    %swap3A_752 = arith.constant 15 : i32
    %swap3A_753 = arith.index_cast %swap3A_752 : i32 to index
    %swap3A_754 = arith.constant 32 : index
    %swap3A_755 = tpu.vector_load %arg3[%swap3A_753, %swap3A_754] {strides = array<i32>} : memref<24x64xi32, #tpu.memory_space<vmem>>, vector<1x16xi32>,
    %swap3A_756 = vector.shape_cast %swap3A_755 : vector<1x16xi32> to vector<16xi32>
    %swap3A_757 = vector.shape_cast %add3A_751 : vector<16xi32> to vector<1x16xi32>
    tpu.vector_store %arg3[%swap3A_753, %swap3A_754], %swap3A_757 {strides = array<i32>} : memref<24x64xi32, #tpu.memory_space<vmem>>, vector<1x16xi32>,
    %add3A_758 = arith.constant 48 : i32
    %add3A_759 = arith.addi %mul3A_2, %add3A_758 : i32
    %add3A_760 = arith.constant 7 : i32
    %add3A_761 = arith.addi %add3A_759, %add3A_760 : i32
    %add3A_762 = vector.broadcast %add3A_761 : i32 to vector<16xi32>
    %add3A_763 = arith.addi %iota3A, %add3A_762 : vector<16xi32>
    %swap3A_764 = arith.constant 15 : i32
    %swap3A_765 = arith.index_cast %swap3A_764 : i32 to index
    %swap3A_766 = arith.constant 48 : index
    %swap3A_767 = tpu.vector_load %arg3[%swap3A_765, %swap3A_766] {strides = array<i32>} : memref<24x64xi32, #tpu.memory_space<vmem>>, vector<1x16xi32>,
    %swap3A_768 = vector.shape_cast %swap3A_767 : vector<1x16xi32> to vector<16xi32>
    %swap3A_769 = vector.shape_cast %add3A_763 : vector<16xi32> to vector<1x16xi32>
    tpu.vector_store %arg3[%swap3A_765, %swap3A_766], %swap3A_769 {strides = array<i32>} : memref<24x64xi32, #tpu.memory_space<vmem>>, vector<1x16xi32>,
    %add3A_770 = arith.constant 0 : i32
    %add3A_771 = arith.addi %mul3A_2, %add3A_770 : i32
    %add3A_772 = arith.constant 0 : i32
    %add3A_773 = arith.addi %add3A_771, %add3A_772 : i32
    %add3A_774 = vector.broadcast %add3A_773 : i32 to vector<16xi32>
    %add3A_775 = arith.addi %iota3A, %add3A_774 : vector<16xi32>
    %swap3A_776 = arith.constant 16 : i32
    %swap3A_777 = arith.index_cast %swap3A_776 : i32 to index
    %swap3A_778 = arith.constant 0 : index
    %swap3A_779 = tpu.vector_load %arg3[%swap3A_777, %swap3A_778] {strides = array<i32>} : memref<24x64xi32, #tpu.memory_space<vmem>>, vector<1x16xi32>,
    %swap3A_780 = vector.shape_cast %swap3A_779 : vector<1x16xi32> to vector<16xi32>
    %swap3A_781 = vector.shape_cast %add3A_775 : vector<16xi32> to vector<1x16xi32>
    tpu.vector_store %arg3[%swap3A_777, %swap3A_778], %swap3A_781 {strides = array<i32>} : memref<24x64xi32, #tpu.memory_space<vmem>>, vector<1x16xi32>,
    %add3A_782 = arith.constant 16 : i32
    %add3A_783 = arith.addi %mul3A_2, %add3A_782 : i32
    %add3A_784 = arith.constant 0 : i32
    %add3A_785 = arith.addi %add3A_783, %add3A_784 : i32
    %add3A_786 = vector.broadcast %add3A_785 : i32 to vector<16xi32>
    %add3A_787 = arith.addi %iota3A, %add3A_786 : vector<16xi32>
    %swap3A_788 = arith.constant 16 : i32
    %swap3A_789 = arith.index_cast %swap3A_788 : i32 to index
    %swap3A_790 = arith.constant 16 : index
    %swap3A_791 = tpu.vector_load %arg3[%swap3A_789, %swap3A_790] {strides = array<i32>} : memref<24x64xi32, #tpu.memory_space<vmem>>, vector<1x16xi32>,
    %swap3A_792 = vector.shape_cast %swap3A_791 : vector<1x16xi32> to vector<16xi32>
    %swap3A_793 = vector.shape_cast %add3A_787 : vector<16xi32> to vector<1x16xi32>
    tpu.vector_store %arg3[%swap3A_789, %swap3A_790], %swap3A_793 {strides = array<i32>} : memref<24x64xi32, #tpu.memory_space<vmem>>, vector<1x16xi32>,
    %add3A_794 = arith.constant 32 : i32
    %add3A_795 = arith.addi %mul3A_2, %add3A_794 : i32
    %add3A_796 = arith.constant 0 : i32
    %add3A_797 = arith.addi %add3A_795, %add3A_796 : i32
    %add3A_798 = vector.broadcast %add3A_797 : i32 to vector<16xi32>
    %add3A_799 = arith.addi %iota3A, %add3A_798 : vector<16xi32>
    %swap3A_800 = arith.constant 16 : i32
    %swap3A_801 = arith.index_cast %swap3A_800 : i32 to index
    %swap3A_802 = arith.constant 32 : index
    %swap3A_803 = tpu.vector_load %arg3[%swap3A_801, %swap3A_802] {strides = array<i32>} : memref<24x64xi32, #tpu.memory_space<vmem>>, vector<1x16xi32>,
    %swap3A_804 = vector.shape_cast %swap3A_803 : vector<1x16xi32> to vector<16xi32>
    %swap3A_805 = vector.shape_cast %add3A_799 : vector<16xi32> to vector<1x16xi32>
    tpu.vector_store %arg3[%swap3A_801, %swap3A_802], %swap3A_805 {strides = array<i32>} : memref<24x64xi32, #tpu.memory_space<vmem>>, vector<1x16xi32>,
    %add3A_806 = arith.constant 48 : i32
    %add3A_807 = arith.addi %mul3A_2, %add3A_806 : i32
    %add3A_808 = arith.constant 0 : i32
    %add3A_809 = arith.addi %add3A_807, %add3A_808 : i32
    %add3A_810 = vector.broadcast %add3A_809 : i32 to vector<16xi32>
    %add3A_811 = arith.addi %iota3A, %add3A_810 : vector<16xi32>
    %swap3A_812 = arith.constant 16 : i32
    %swap3A_813 = arith.index_cast %swap3A_812 : i32 to index
    %swap3A_814 = arith.constant 48 : index
    %swap3A_815 = tpu.vector_load %arg3[%swap3A_813, %swap3A_814] {strides = array<i32>} : memref<24x64xi32, #tpu.memory_space<vmem>>, vector<1x16xi32>,
    %swap3A_816 = vector.shape_cast %swap3A_815 : vector<1x16xi32> to vector<16xi32>
    %swap3A_817 = vector.shape_cast %add3A_811 : vector<16xi32> to vector<1x16xi32>
    tpu.vector_store %arg3[%swap3A_813, %swap3A_814], %swap3A_817 {strides = array<i32>} : memref<24x64xi32, #tpu.memory_space<vmem>>, vector<1x16xi32>,
    %add3A_818 = arith.constant 0 : i32
    %add3A_819 = arith.addi %mul3A_2, %add3A_818 : i32
    %add3A_820 = arith.constant 8 : i32
    %add3A_821 = arith.addi %add3A_819, %add3A_820 : i32
    %add3A_822 = vector.broadcast %add3A_821 : i32 to vector<16xi32>
    %add3A_823 = arith.addi %iota3A, %add3A_822 : vector<16xi32>
    %swap3A_824 = arith.constant 17 : i32
    %swap3A_825 = arith.index_cast %swap3A_824 : i32 to index
    %swap3A_826 = arith.constant 0 : index
    %swap3A_827 = tpu.vector_load %arg3[%swap3A_825, %swap3A_826] {strides = array<i32>} : memref<24x64xi32, #tpu.memory_space<vmem>>, vector<1x16xi32>,
    %swap3A_828 = vector.shape_cast %swap3A_827 : vector<1x16xi32> to vector<16xi32>
    %swap3A_829 = vector.shape_cast %add3A_823 : vector<16xi32> to vector<1x16xi32>
    tpu.vector_store %arg3[%swap3A_825, %swap3A_826], %swap3A_829 {strides = array<i32>} : memref<24x64xi32, #tpu.memory_space<vmem>>, vector<1x16xi32>,
    %add3A_830 = arith.constant 16 : i32
    %add3A_831 = arith.addi %mul3A_2, %add3A_830 : i32
    %add3A_832 = arith.constant 8 : i32
    %add3A_833 = arith.addi %add3A_831, %add3A_832 : i32
    %add3A_834 = vector.broadcast %add3A_833 : i32 to vector<16xi32>
    %add3A_835 = arith.addi %iota3A, %add3A_834 : vector<16xi32>
    %swap3A_836 = arith.constant 17 : i32
    %swap3A_837 = arith.index_cast %swap3A_836 : i32 to index
    %swap3A_838 = arith.constant 16 : index
    %swap3A_839 = tpu.vector_load %arg3[%swap3A_837, %swap3A_838] {strides = array<i32>} : memref<24x64xi32, #tpu.memory_space<vmem>>, vector<1x16xi32>,
    %swap3A_840 = vector.shape_cast %swap3A_839 : vector<1x16xi32> to vector<16xi32>
    %swap3A_841 = vector.shape_cast %add3A_835 : vector<16xi32> to vector<1x16xi32>
    tpu.vector_store %arg3[%swap3A_837, %swap3A_838], %swap3A_841 {strides = array<i32>} : memref<24x64xi32, #tpu.memory_space<vmem>>, vector<1x16xi32>,
    %add3A_842 = arith.constant 32 : i32
    %add3A_843 = arith.addi %mul3A_2, %add3A_842 : i32
    %add3A_844 = arith.constant 8 : i32
    %add3A_845 = arith.addi %add3A_843, %add3A_844 : i32
    %add3A_846 = vector.broadcast %add3A_845 : i32 to vector<16xi32>
    %add3A_847 = arith.addi %iota3A, %add3A_846 : vector<16xi32>
    %swap3A_848 = arith.constant 17 : i32
    %swap3A_849 = arith.index_cast %swap3A_848 : i32 to index
    %swap3A_850 = arith.constant 32 : index
    %swap3A_851 = tpu.vector_load %arg3[%swap3A_849, %swap3A_850] {strides = array<i32>} : memref<24x64xi32, #tpu.memory_space<vmem>>, vector<1x16xi32>,
    %swap3A_852 = vector.shape_cast %swap3A_851 : vector<1x16xi32> to vector<16xi32>
    %swap3A_853 = vector.shape_cast %add3A_847 : vector<16xi32> to vector<1x16xi32>
    tpu.vector_store %arg3[%swap3A_849, %swap3A_850], %swap3A_853 {strides = array<i32>} : memref<24x64xi32, #tpu.memory_space<vmem>>, vector<1x16xi32>,
    %add3A_854 = arith.constant 48 : i32
    %add3A_855 = arith.addi %mul3A_2, %add3A_854 : i32
    %add3A_856 = arith.constant 8 : i32
    %add3A_857 = arith.addi %add3A_855, %add3A_856 : i32
    %add3A_858 = vector.broadcast %add3A_857 : i32 to vector<16xi32>
    %add3A_859 = arith.addi %iota3A, %add3A_858 : vector<16xi32>
    %swap3A_860 = arith.constant 17 : i32
    %swap3A_861 = arith.index_cast %swap3A_860 : i32 to index
    %swap3A_862 = arith.constant 48 : index
    %swap3A_863 = tpu.vector_load %arg3[%swap3A_861, %swap3A_862] {strides = array<i32>} : memref<24x64xi32, #tpu.memory_space<vmem>>, vector<1x16xi32>,
    %swap3A_864 = vector.shape_cast %swap3A_863 : vector<1x16xi32> to vector<16xi32>
    %swap3A_865 = vector.shape_cast %add3A_859 : vector<16xi32> to vector<1x16xi32>
    tpu.vector_store %arg3[%swap3A_861, %swap3A_862], %swap3A_865 {strides = array<i32>} : memref<24x64xi32, #tpu.memory_space<vmem>>, vector<1x16xi32>,
    %add3A_866 = arith.constant 0 : i32
    %add3A_867 = arith.addi %mul3A_2, %add3A_866 : i32
    %add3A_868 = arith.constant 0 : i32
    %add3A_869 = arith.addi %add3A_867, %add3A_868 : i32
    %add3A_870 = vector.broadcast %add3A_869 : i32 to vector<16xi32>
    %add3A_871 = arith.addi %iota3A, %add3A_870 : vector<16xi32>
    %swap3A_872 = arith.constant 18 : i32
    %swap3A_873 = arith.index_cast %swap3A_872 : i32 to index
    %swap3A_874 = arith.constant 0 : index
    %swap3A_875 = tpu.vector_load %arg3[%swap3A_873, %swap3A_874] {strides = array<i32>} : memref<24x64xi32, #tpu.memory_space<vmem>>, vector<1x16xi32>,
    %swap3A_876 = vector.shape_cast %swap3A_875 : vector<1x16xi32> to vector<16xi32>
    %swap3A_877 = vector.shape_cast %add3A_871 : vector<16xi32> to vector<1x16xi32>
    tpu.vector_store %arg3[%swap3A_873, %swap3A_874], %swap3A_877 {strides = array<i32>} : memref<24x64xi32, #tpu.memory_space<vmem>>, vector<1x16xi32>,
    %add3A_878 = arith.constant 16 : i32
    %add3A_879 = arith.addi %mul3A_2, %add3A_878 : i32
    %add3A_880 = arith.constant 0 : i32
    %add3A_881 = arith.addi %add3A_879, %add3A_880 : i32
    %add3A_882 = vector.broadcast %add3A_881 : i32 to vector<16xi32>
    %add3A_883 = arith.addi %iota3A, %add3A_882 : vector<16xi32>
    %swap3A_884 = arith.constant 18 : i32
    %swap3A_885 = arith.index_cast %swap3A_884 : i32 to index
    %swap3A_886 = arith.constant 16 : index
    %swap3A_887 = tpu.vector_load %arg3[%swap3A_885, %swap3A_886] {strides = array<i32>} : memref<24x64xi32, #tpu.memory_space<vmem>>, vector<1x16xi32>,
    %swap3A_888 = vector.shape_cast %swap3A_887 : vector<1x16xi32> to vector<16xi32>
    %swap3A_889 = vector.shape_cast %add3A_883 : vector<16xi32> to vector<1x16xi32>
    tpu.vector_store %arg3[%swap3A_885, %swap3A_886], %swap3A_889 {strides = array<i32>} : memref<24x64xi32, #tpu.memory_space<vmem>>, vector<1x16xi32>,
    %add3A_890 = arith.constant 32 : i32
    %add3A_891 = arith.addi %mul3A_2, %add3A_890 : i32
    %add3A_892 = arith.constant 0 : i32
    %add3A_893 = arith.addi %add3A_891, %add3A_892 : i32
    %add3A_894 = vector.broadcast %add3A_893 : i32 to vector<16xi32>
    %add3A_895 = arith.addi %iota3A, %add3A_894 : vector<16xi32>
    %swap3A_896 = arith.constant 18 : i32
    %swap3A_897 = arith.index_cast %swap3A_896 : i32 to index
    %swap3A_898 = arith.constant 32 : index
    %swap3A_899 = tpu.vector_load %arg3[%swap3A_897, %swap3A_898] {strides = array<i32>} : memref<24x64xi32, #tpu.memory_space<vmem>>, vector<1x16xi32>,
    %swap3A_900 = vector.shape_cast %swap3A_899 : vector<1x16xi32> to vector<16xi32>
    %swap3A_901 = vector.shape_cast %add3A_895 : vector<16xi32> to vector<1x16xi32>
    tpu.vector_store %arg3[%swap3A_897, %swap3A_898], %swap3A_901 {strides = array<i32>} : memref<24x64xi32, #tpu.memory_space<vmem>>, vector<1x16xi32>,
    %add3A_902 = arith.constant 48 : i32
    %add3A_903 = arith.addi %mul3A_2, %add3A_902 : i32
    %add3A_904 = arith.constant 0 : i32
    %add3A_905 = arith.addi %add3A_903, %add3A_904 : i32
    %add3A_906 = vector.broadcast %add3A_905 : i32 to vector<16xi32>
    %add3A_907 = arith.addi %iota3A, %add3A_906 : vector<16xi32>
    %swap3A_908 = arith.constant 18 : i32
    %swap3A_909 = arith.index_cast %swap3A_908 : i32 to index
    %swap3A_910 = arith.constant 48 : index
    %swap3A_911 = tpu.vector_load %arg3[%swap3A_909, %swap3A_910] {strides = array<i32>} : memref<24x64xi32, #tpu.memory_space<vmem>>, vector<1x16xi32>,
    %swap3A_912 = vector.shape_cast %swap3A_911 : vector<1x16xi32> to vector<16xi32>
    %swap3A_913 = vector.shape_cast %add3A_907 : vector<16xi32> to vector<1x16xi32>
    tpu.vector_store %arg3[%swap3A_909, %swap3A_910], %swap3A_913 {strides = array<i32>} : memref<24x64xi32, #tpu.memory_space<vmem>>, vector<1x16xi32>,
    %add3A_914 = arith.constant 0 : i32
    %add3A_915 = arith.addi %mul3A_2, %add3A_914 : i32
    %add3A_916 = arith.constant 9 : i32
    %add3A_917 = arith.addi %add3A_915, %add3A_916 : i32
    %add3A_918 = vector.broadcast %add3A_917 : i32 to vector<16xi32>
    %add3A_919 = arith.addi %iota3A, %add3A_918 : vector<16xi32>
    %swap3A_920 = arith.constant 19 : i32
    %swap3A_921 = arith.index_cast %swap3A_920 : i32 to index
    %swap3A_922 = arith.constant 0 : index
    %swap3A_923 = tpu.vector_load %arg3[%swap3A_921, %swap3A_922] {strides = array<i32>} : memref<24x64xi32, #tpu.memory_space<vmem>>, vector<1x16xi32>,
    %swap3A_924 = vector.shape_cast %swap3A_923 : vector<1x16xi32> to vector<16xi32>
    %swap3A_925 = vector.shape_cast %add3A_919 : vector<16xi32> to vector<1x16xi32>
    tpu.vector_store %arg3[%swap3A_921, %swap3A_922], %swap3A_925 {strides = array<i32>} : memref<24x64xi32, #tpu.memory_space<vmem>>, vector<1x16xi32>,
    %add3A_926 = arith.constant 16 : i32
    %add3A_927 = arith.addi %mul3A_2, %add3A_926 : i32
    %add3A_928 = arith.constant 9 : i32
    %add3A_929 = arith.addi %add3A_927, %add3A_928 : i32
    %add3A_930 = vector.broadcast %add3A_929 : i32 to vector<16xi32>
    %add3A_931 = arith.addi %iota3A, %add3A_930 : vector<16xi32>
    %swap3A_932 = arith.constant 19 : i32
    %swap3A_933 = arith.index_cast %swap3A_932 : i32 to index
    %swap3A_934 = arith.constant 16 : index
    %swap3A_935 = tpu.vector_load %arg3[%swap3A_933, %swap3A_934] {strides = array<i32>} : memref<24x64xi32, #tpu.memory_space<vmem>>, vector<1x16xi32>,
    %swap3A_936 = vector.shape_cast %swap3A_935 : vector<1x16xi32> to vector<16xi32>
    %swap3A_937 = vector.shape_cast %add3A_931 : vector<16xi32> to vector<1x16xi32>
    tpu.vector_store %arg3[%swap3A_933, %swap3A_934], %swap3A_937 {strides = array<i32>} : memref<24x64xi32, #tpu.memory_space<vmem>>, vector<1x16xi32>,
    %add3A_938 = arith.constant 32 : i32
    %add3A_939 = arith.addi %mul3A_2, %add3A_938 : i32
    %add3A_940 = arith.constant 9 : i32
    %add3A_941 = arith.addi %add3A_939, %add3A_940 : i32
    %add3A_942 = vector.broadcast %add3A_941 : i32 to vector<16xi32>
    %add3A_943 = arith.addi %iota3A, %add3A_942 : vector<16xi32>
    %swap3A_944 = arith.constant 19 : i32
    %swap3A_945 = arith.index_cast %swap3A_944 : i32 to index
    %swap3A_946 = arith.constant 32 : index
    %swap3A_947 = tpu.vector_load %arg3[%swap3A_945, %swap3A_946] {strides = array<i32>} : memref<24x64xi32, #tpu.memory_space<vmem>>, vector<1x16xi32>,
    %swap3A_948 = vector.shape_cast %swap3A_947 : vector<1x16xi32> to vector<16xi32>
    %swap3A_949 = vector.shape_cast %add3A_943 : vector<16xi32> to vector<1x16xi32>
    tpu.vector_store %arg3[%swap3A_945, %swap3A_946], %swap3A_949 {strides = array<i32>} : memref<24x64xi32, #tpu.memory_space<vmem>>, vector<1x16xi32>,
    %add3A_950 = arith.constant 48 : i32
    %add3A_951 = arith.addi %mul3A_2, %add3A_950 : i32
    %add3A_952 = arith.constant 9 : i32
    %add3A_953 = arith.addi %add3A_951, %add3A_952 : i32
    %add3A_954 = vector.broadcast %add3A_953 : i32 to vector<16xi32>
    %add3A_955 = arith.addi %iota3A, %add3A_954 : vector<16xi32>
    %swap3A_956 = arith.constant 19 : i32
    %swap3A_957 = arith.index_cast %swap3A_956 : i32 to index
    %swap3A_958 = arith.constant 48 : index
    %swap3A_959 = tpu.vector_load %arg3[%swap3A_957, %swap3A_958] {strides = array<i32>} : memref<24x64xi32, #tpu.memory_space<vmem>>, vector<1x16xi32>,
    %swap3A_960 = vector.shape_cast %swap3A_959 : vector<1x16xi32> to vector<16xi32>
    %swap3A_961 = vector.shape_cast %add3A_955 : vector<16xi32> to vector<1x16xi32>
    tpu.vector_store %arg3[%swap3A_957, %swap3A_958], %swap3A_961 {strides = array<i32>} : memref<24x64xi32, #tpu.memory_space<vmem>>, vector<1x16xi32>,
    %add3A_962 = arith.constant 0 : i32
    %add3A_963 = arith.addi %mul3A_2, %add3A_962 : i32
    %add3A_964 = arith.constant 0 : i32
    %add3A_965 = arith.addi %add3A_963, %add3A_964 : i32
    %add3A_966 = vector.broadcast %add3A_965 : i32 to vector<16xi32>
    %add3A_967 = arith.addi %iota3A, %add3A_966 : vector<16xi32>
    %swap3A_968 = arith.constant 20 : i32
    %swap3A_969 = arith.index_cast %swap3A_968 : i32 to index
    %swap3A_970 = arith.constant 0 : index
    %swap3A_971 = tpu.vector_load %arg3[%swap3A_969, %swap3A_970] {strides = array<i32>} : memref<24x64xi32, #tpu.memory_space<vmem>>, vector<1x16xi32>,
    %swap3A_972 = vector.shape_cast %swap3A_971 : vector<1x16xi32> to vector<16xi32>
    %swap3A_973 = vector.shape_cast %add3A_967 : vector<16xi32> to vector<1x16xi32>
    tpu.vector_store %arg3[%swap3A_969, %swap3A_970], %swap3A_973 {strides = array<i32>} : memref<24x64xi32, #tpu.memory_space<vmem>>, vector<1x16xi32>,
    %add3A_974 = arith.constant 16 : i32
    %add3A_975 = arith.addi %mul3A_2, %add3A_974 : i32
    %add3A_976 = arith.constant 0 : i32
    %add3A_977 = arith.addi %add3A_975, %add3A_976 : i32
    %add3A_978 = vector.broadcast %add3A_977 : i32 to vector<16xi32>
    %add3A_979 = arith.addi %iota3A, %add3A_978 : vector<16xi32>
    %swap3A_980 = arith.constant 20 : i32
    %swap3A_981 = arith.index_cast %swap3A_980 : i32 to index
    %swap3A_982 = arith.constant 16 : index
    %swap3A_983 = tpu.vector_load %arg3[%swap3A_981, %swap3A_982] {strides = array<i32>} : memref<24x64xi32, #tpu.memory_space<vmem>>, vector<1x16xi32>,
    %swap3A_984 = vector.shape_cast %swap3A_983 : vector<1x16xi32> to vector<16xi32>
    %swap3A_985 = vector.shape_cast %add3A_979 : vector<16xi32> to vector<1x16xi32>
    tpu.vector_store %arg3[%swap3A_981, %swap3A_982], %swap3A_985 {strides = array<i32>} : memref<24x64xi32, #tpu.memory_space<vmem>>, vector<1x16xi32>,
    %add3A_986 = arith.constant 32 : i32
    %add3A_987 = arith.addi %mul3A_2, %add3A_986 : i32
    %add3A_988 = arith.constant 0 : i32
    %add3A_989 = arith.addi %add3A_987, %add3A_988 : i32
    %add3A_990 = vector.broadcast %add3A_989 : i32 to vector<16xi32>
    %add3A_991 = arith.addi %iota3A, %add3A_990 : vector<16xi32>
    %swap3A_992 = arith.constant 20 : i32
    %swap3A_993 = arith.index_cast %swap3A_992 : i32 to index
    %swap3A_994 = arith.constant 32 : index
    %swap3A_995 = tpu.vector_load %arg3[%swap3A_993, %swap3A_994] {strides = array<i32>} : memref<24x64xi32, #tpu.memory_space<vmem>>, vector<1x16xi32>,
    %swap3A_996 = vector.shape_cast %swap3A_995 : vector<1x16xi32> to vector<16xi32>
    %swap3A_997 = vector.shape_cast %add3A_991 : vector<16xi32> to vector<1x16xi32>
    tpu.vector_store %arg3[%swap3A_993, %swap3A_994], %swap3A_997 {strides = array<i32>} : memref<24x64xi32, #tpu.memory_space<vmem>>, vector<1x16xi32>,
    %add3A_998 = arith.constant 48 : i32
    %add3A_999 = arith.addi %mul3A_2, %add3A_998 : i32
    %add3A_1000 = arith.constant 0 : i32
    %add3A_1001 = arith.addi %add3A_999, %add3A_1000 : i32
    %add3A_1002 = vector.broadcast %add3A_1001 : i32 to vector<16xi32>
    %add3A_1003 = arith.addi %iota3A, %add3A_1002 : vector<16xi32>
    %swap3A_1004 = arith.constant 20 : i32
    %swap3A_1005 = arith.index_cast %swap3A_1004 : i32 to index
    %swap3A_1006 = arith.constant 48 : index
    %swap3A_1007 = tpu.vector_load %arg3[%swap3A_1005, %swap3A_1006] {strides = array<i32>} : memref<24x64xi32, #tpu.memory_space<vmem>>, vector<1x16xi32>,
    %swap3A_1008 = vector.shape_cast %swap3A_1007 : vector<1x16xi32> to vector<16xi32>
    %swap3A_1009 = vector.shape_cast %add3A_1003 : vector<16xi32> to vector<1x16xi32>
    tpu.vector_store %arg3[%swap3A_1005, %swap3A_1006], %swap3A_1009 {strides = array<i32>} : memref<24x64xi32, #tpu.memory_space<vmem>>, vector<1x16xi32>,
    %add3A_1010 = arith.constant 0 : i32
    %add3A_1011 = arith.addi %mul3A_2, %add3A_1010 : i32
    %add3A_1012 = arith.constant 10 : i32
    %add3A_1013 = arith.addi %add3A_1011, %add3A_1012 : i32
    %add3A_1014 = vector.broadcast %add3A_1013 : i32 to vector<16xi32>
    %add3A_1015 = arith.addi %iota3A, %add3A_1014 : vector<16xi32>
    %swap3A_1016 = arith.constant 21 : i32
    %swap3A_1017 = arith.index_cast %swap3A_1016 : i32 to index
    %swap3A_1018 = arith.constant 0 : index
    %swap3A_1019 = tpu.vector_load %arg3[%swap3A_1017, %swap3A_1018] {strides = array<i32>} : memref<24x64xi32, #tpu.memory_space<vmem>>, vector<1x16xi32>,
    %swap3A_1020 = vector.shape_cast %swap3A_1019 : vector<1x16xi32> to vector<16xi32>
    %swap3A_1021 = vector.shape_cast %add3A_1015 : vector<16xi32> to vector<1x16xi32>
    tpu.vector_store %arg3[%swap3A_1017, %swap3A_1018], %swap3A_1021 {strides = array<i32>} : memref<24x64xi32, #tpu.memory_space<vmem>>, vector<1x16xi32>,
    %add3A_1022 = arith.constant 16 : i32
    %add3A_1023 = arith.addi %mul3A_2, %add3A_1022 : i32
    %add3A_1024 = arith.constant 10 : i32
    %add3A_1025 = arith.addi %add3A_1023, %add3A_1024 : i32
    %add3A_1026 = vector.broadcast %add3A_1025 : i32 to vector<16xi32>
    %add3A_1027 = arith.addi %iota3A, %add3A_1026 : vector<16xi32>
    %swap3A_1028 = arith.constant 21 : i32
    %swap3A_1029 = arith.index_cast %swap3A_1028 : i32 to index
    %swap3A_1030 = arith.constant 16 : index
    %swap3A_1031 = tpu.vector_load %arg3[%swap3A_1029, %swap3A_1030] {strides = array<i32>} : memref<24x64xi32, #tpu.memory_space<vmem>>, vector<1x16xi32>,
    %swap3A_1032 = vector.shape_cast %swap3A_1031 : vector<1x16xi32> to vector<16xi32>
    %swap3A_1033 = vector.shape_cast %add3A_1027 : vector<16xi32> to vector<1x16xi32>
    tpu.vector_store %arg3[%swap3A_1029, %swap3A_1030], %swap3A_1033 {strides = array<i32>} : memref<24x64xi32, #tpu.memory_space<vmem>>, vector<1x16xi32>,
    %add3A_1034 = arith.constant 32 : i32
    %add3A_1035 = arith.addi %mul3A_2, %add3A_1034 : i32
    %add3A_1036 = arith.constant 10 : i32
    %add3A_1037 = arith.addi %add3A_1035, %add3A_1036 : i32
    %add3A_1038 = vector.broadcast %add3A_1037 : i32 to vector<16xi32>
    %add3A_1039 = arith.addi %iota3A, %add3A_1038 : vector<16xi32>
    %swap3A_1040 = arith.constant 21 : i32
    %swap3A_1041 = arith.index_cast %swap3A_1040 : i32 to index
    %swap3A_1042 = arith.constant 32 : index
    %swap3A_1043 = tpu.vector_load %arg3[%swap3A_1041, %swap3A_1042] {strides = array<i32>} : memref<24x64xi32, #tpu.memory_space<vmem>>, vector<1x16xi32>,
    %swap3A_1044 = vector.shape_cast %swap3A_1043 : vector<1x16xi32> to vector<16xi32>
    %swap3A_1045 = vector.shape_cast %add3A_1039 : vector<16xi32> to vector<1x16xi32>
    tpu.vector_store %arg3[%swap3A_1041, %swap3A_1042], %swap3A_1045 {strides = array<i32>} : memref<24x64xi32, #tpu.memory_space<vmem>>, vector<1x16xi32>,
    %add3A_1046 = arith.constant 48 : i32
    %add3A_1047 = arith.addi %mul3A_2, %add3A_1046 : i32
    %add3A_1048 = arith.constant 10 : i32
    %add3A_1049 = arith.addi %add3A_1047, %add3A_1048 : i32
    %add3A_1050 = vector.broadcast %add3A_1049 : i32 to vector<16xi32>
    %add3A_1051 = arith.addi %iota3A, %add3A_1050 : vector<16xi32>
    %swap3A_1052 = arith.constant 21 : i32
    %swap3A_1053 = arith.index_cast %swap3A_1052 : i32 to index
    %swap3A_1054 = arith.constant 48 : index
    %swap3A_1055 = tpu.vector_load %arg3[%swap3A_1053, %swap3A_1054] {strides = array<i32>} : memref<24x64xi32, #tpu.memory_space<vmem>>, vector<1x16xi32>,
    %swap3A_1056 = vector.shape_cast %swap3A_1055 : vector<1x16xi32> to vector<16xi32>
    %swap3A_1057 = vector.shape_cast %add3A_1051 : vector<16xi32> to vector<1x16xi32>
    tpu.vector_store %arg3[%swap3A_1053, %swap3A_1054], %swap3A_1057 {strides = array<i32>} : memref<24x64xi32, #tpu.memory_space<vmem>>, vector<1x16xi32>,
    %add3A_1058 = arith.constant 0 : i32
    %add3A_1059 = arith.addi %mul3A_2, %add3A_1058 : i32
    %add3A_1060 = arith.constant 0 : i32
    %add3A_1061 = arith.addi %add3A_1059, %add3A_1060 : i32
    %add3A_1062 = vector.broadcast %add3A_1061 : i32 to vector<16xi32>
    %add3A_1063 = arith.addi %iota3A, %add3A_1062 : vector<16xi32>
    %swap3A_1064 = arith.constant 22 : i32
    %swap3A_1065 = arith.index_cast %swap3A_1064 : i32 to index
    %swap3A_1066 = arith.constant 0 : index
    %swap3A_1067 = tpu.vector_load %arg3[%swap3A_1065, %swap3A_1066] {strides = array<i32>} : memref<24x64xi32, #tpu.memory_space<vmem>>, vector<1x16xi32>,
    %swap3A_1068 = vector.shape_cast %swap3A_1067 : vector<1x16xi32> to vector<16xi32>
    %swap3A_1069 = vector.shape_cast %add3A_1063 : vector<16xi32> to vector<1x16xi32>
    tpu.vector_store %arg3[%swap3A_1065, %swap3A_1066], %swap3A_1069 {strides = array<i32>} : memref<24x64xi32, #tpu.memory_space<vmem>>, vector<1x16xi32>,
    %add3A_1070 = arith.constant 16 : i32
    %add3A_1071 = arith.addi %mul3A_2, %add3A_1070 : i32
    %add3A_1072 = arith.constant 0 : i32
    %add3A_1073 = arith.addi %add3A_1071, %add3A_1072 : i32
    %add3A_1074 = vector.broadcast %add3A_1073 : i32 to vector<16xi32>
    %add3A_1075 = arith.addi %iota3A, %add3A_1074 : vector<16xi32>
    %swap3A_1076 = arith.constant 22 : i32
    %swap3A_1077 = arith.index_cast %swap3A_1076 : i32 to index
    %swap3A_1078 = arith.constant 16 : index
    %swap3A_1079 = tpu.vector_load %arg3[%swap3A_1077, %swap3A_1078] {strides = array<i32>} : memref<24x64xi32, #tpu.memory_space<vmem>>, vector<1x16xi32>,
    %swap3A_1080 = vector.shape_cast %swap3A_1079 : vector<1x16xi32> to vector<16xi32>
    %swap3A_1081 = vector.shape_cast %add3A_1075 : vector<16xi32> to vector<1x16xi32>
    tpu.vector_store %arg3[%swap3A_1077, %swap3A_1078], %swap3A_1081 {strides = array<i32>} : memref<24x64xi32, #tpu.memory_space<vmem>>, vector<1x16xi32>,
    %add3A_1082 = arith.constant 32 : i32
    %add3A_1083 = arith.addi %mul3A_2, %add3A_1082 : i32
    %add3A_1084 = arith.constant 0 : i32
    %add3A_1085 = arith.addi %add3A_1083, %add3A_1084 : i32
    %add3A_1086 = vector.broadcast %add3A_1085 : i32 to vector<16xi32>
    %add3A_1087 = arith.addi %iota3A, %add3A_1086 : vector<16xi32>
    %swap3A_1088 = arith.constant 22 : i32
    %swap3A_1089 = arith.index_cast %swap3A_1088 : i32 to index
    %swap3A_1090 = arith.constant 32 : index
    %swap3A_1091 = tpu.vector_load %arg3[%swap3A_1089, %swap3A_1090] {strides = array<i32>} : memref<24x64xi32, #tpu.memory_space<vmem>>, vector<1x16xi32>,
    %swap3A_1092 = vector.shape_cast %swap3A_1091 : vector<1x16xi32> to vector<16xi32>
    %swap3A_1093 = vector.shape_cast %add3A_1087 : vector<16xi32> to vector<1x16xi32>
    tpu.vector_store %arg3[%swap3A_1089, %swap3A_1090], %swap3A_1093 {strides = array<i32>} : memref<24x64xi32, #tpu.memory_space<vmem>>, vector<1x16xi32>,
    %add3A_1094 = arith.constant 48 : i32
    %add3A_1095 = arith.addi %mul3A_2, %add3A_1094 : i32
    %add3A_1096 = arith.constant 0 : i32
    %add3A_1097 = arith.addi %add3A_1095, %add3A_1096 : i32
    %add3A_1098 = vector.broadcast %add3A_1097 : i32 to vector<16xi32>
    %add3A_1099 = arith.addi %iota3A, %add3A_1098 : vector<16xi32>
    %swap3A_1100 = arith.constant 22 : i32
    %swap3A_1101 = arith.index_cast %swap3A_1100 : i32 to index
    %swap3A_1102 = arith.constant 48 : index
    %swap3A_1103 = tpu.vector_load %arg3[%swap3A_1101, %swap3A_1102] {strides = array<i32>} : memref<24x64xi32, #tpu.memory_space<vmem>>, vector<1x16xi32>,
    %swap3A_1104 = vector.shape_cast %swap3A_1103 : vector<1x16xi32> to vector<16xi32>
    %swap3A_1105 = vector.shape_cast %add3A_1099 : vector<16xi32> to vector<1x16xi32>
    tpu.vector_store %arg3[%swap3A_1101, %swap3A_1102], %swap3A_1105 {strides = array<i32>} : memref<24x64xi32, #tpu.memory_space<vmem>>, vector<1x16xi32>,
    %add3A_1106 = arith.constant 0 : i32
    %add3A_1107 = arith.addi %mul3A_2, %add3A_1106 : i32
    %add3A_1108 = arith.constant 11 : i32
    %add3A_1109 = arith.addi %add3A_1107, %add3A_1108 : i32
    %add3A_1110 = vector.broadcast %add3A_1109 : i32 to vector<16xi32>
    %add3A_1111 = arith.addi %iota3A, %add3A_1110 : vector<16xi32>
    %swap3A_1112 = arith.constant 23 : i32
    %swap3A_1113 = arith.index_cast %swap3A_1112 : i32 to index
    %swap3A_1114 = arith.constant 0 : index
    %swap3A_1115 = tpu.vector_load %arg3[%swap3A_1113, %swap3A_1114] {strides = array<i32>} : memref<24x64xi32, #tpu.memory_space<vmem>>, vector<1x16xi32>,
    %swap3A_1116 = vector.shape_cast %swap3A_1115 : vector<1x16xi32> to vector<16xi32>
    %swap3A_1117 = vector.shape_cast %add3A_1111 : vector<16xi32> to vector<1x16xi32>
    tpu.vector_store %arg3[%swap3A_1113, %swap3A_1114], %swap3A_1117 {strides = array<i32>} : memref<24x64xi32, #tpu.memory_space<vmem>>, vector<1x16xi32>,
    %add3A_1118 = arith.constant 16 : i32
    %add3A_1119 = arith.addi %mul3A_2, %add3A_1118 : i32
    %add3A_1120 = arith.constant 11 : i32
    %add3A_1121 = arith.addi %add3A_1119, %add3A_1120 : i32
    %add3A_1122 = vector.broadcast %add3A_1121 : i32 to vector<16xi32>
    %add3A_1123 = arith.addi %iota3A, %add3A_1122 : vector<16xi32>
    %swap3A_1124 = arith.constant 23 : i32
    %swap3A_1125 = arith.index_cast %swap3A_1124 : i32 to index
    %swap3A_1126 = arith.constant 16 : index
    %swap3A_1127 = tpu.vector_load %arg3[%swap3A_1125, %swap3A_1126] {strides = array<i32>} : memref<24x64xi32, #tpu.memory_space<vmem>>, vector<1x16xi32>,
    %swap3A_1128 = vector.shape_cast %swap3A_1127 : vector<1x16xi32> to vector<16xi32>
    %swap3A_1129 = vector.shape_cast %add3A_1123 : vector<16xi32> to vector<1x16xi32>
    tpu.vector_store %arg3[%swap3A_1125, %swap3A_1126], %swap3A_1129 {strides = array<i32>} : memref<24x64xi32, #tpu.memory_space<vmem>>, vector<1x16xi32>,
    %add3A_1130 = arith.constant 32 : i32
    %add3A_1131 = arith.addi %mul3A_2, %add3A_1130 : i32
    %add3A_1132 = arith.constant 11 : i32
    %add3A_1133 = arith.addi %add3A_1131, %add3A_1132 : i32
    %add3A_1134 = vector.broadcast %add3A_1133 : i32 to vector<16xi32>
    %add3A_1135 = arith.addi %iota3A, %add3A_1134 : vector<16xi32>
    %swap3A_1136 = arith.constant 23 : i32
    %swap3A_1137 = arith.index_cast %swap3A_1136 : i32 to index
    %swap3A_1138 = arith.constant 32 : index
    %swap3A_1139 = tpu.vector_load %arg3[%swap3A_1137, %swap3A_1138] {strides = array<i32>} : memref<24x64xi32, #tpu.memory_space<vmem>>, vector<1x16xi32>,
    %swap3A_1140 = vector.shape_cast %swap3A_1139 : vector<1x16xi32> to vector<16xi32>
    %swap3A_1141 = vector.shape_cast %add3A_1135 : vector<16xi32> to vector<1x16xi32>
    tpu.vector_store %arg3[%swap3A_1137, %swap3A_1138], %swap3A_1141 {strides = array<i32>} : memref<24x64xi32, #tpu.memory_space<vmem>>, vector<1x16xi32>,
    %add3A_1142 = arith.constant 48 : i32
    %add3A_1143 = arith.addi %mul3A_2, %add3A_1142 : i32
    %add3A_1144 = arith.constant 11 : i32
    %add3A_1145 = arith.addi %add3A_1143, %add3A_1144 : i32
    %add3A_1146 = vector.broadcast %add3A_1145 : i32 to vector<16xi32>
    %add3A_1147 = arith.addi %iota3A, %add3A_1146 : vector<16xi32>
    %swap3A_1148 = arith.constant 23 : i32
    %swap3A_1149 = arith.index_cast %swap3A_1148 : i32 to index
    %swap3A_1150 = arith.constant 48 : index
    %swap3A_1151 = tpu.vector_load %arg3[%swap3A_1149, %swap3A_1150] {strides = array<i32>} : memref<24x64xi32, #tpu.memory_space<vmem>>, vector<1x16xi32>,
    %swap3A_1152 = vector.shape_cast %swap3A_1151 : vector<1x16xi32> to vector<16xi32>
    %swap3A_1153 = vector.shape_cast %add3A_1147 : vector<16xi32> to vector<1x16xi32>
    tpu.vector_store %arg3[%swap3A_1149, %swap3A_1150], %swap3A_1153 {strides = array<i32>} : memref<24x64xi32, #tpu.memory_space<vmem>>, vector<1x16xi32>,
    %run_scoped3A = arith.constant 0 : i32
    %run_scoped3A_1154 = arith.constant 0 : i32
    %run_scoped3A_1155 = arith.constant 0 : i32
    "tpu.region"() ({
      %run_scoped3A_1225 = tpu.sem_alloc : memref<!tpu.dma_semaphore, #tpu.memory_space<semaphore_mem>>
      %dma_start3A = arith.constant 0 : i32
      %dma_start3A_1226 = tpu.memref_slice %arg3[%run_scoped3A, %dma_start3A] : memref<24x64xi32, #tpu.memory_space<vmem>> -> memref<1x64xi32, #tpu.memory_space<vmem>>
      %dma_start3A_1227 = tpu.memref_squeeze %dma_start3A_1226 : memref<1x64xi32, #tpu.memory_space<vmem>> -> memref<64xi32, #tpu.memory_space<vmem>>
      %dma_start3A_1228 = tpu.memref_slice %arg2[%run_scoped3A_1154, %run_scoped3A_1155, %mul3A_2] : memref<12x2x2048xi32, #tpu.memory_space<hbm>> -> memref<1x1x64xi32, #tpu.memory_space<hbm>>
      %dma_start3A_1229 = tpu.memref_squeeze %dma_start3A_1228 : memref<1x1x64xi32, #tpu.memory_space<hbm>> -> memref<64xi32, #tpu.memory_space<hbm>>
      %dma_start3A_1230 = tpu.memref_slice %arg2[%run_scoped3A_1154, %run_scoped3A_1155, %mul3A_2] : memref<12x2x2048xi32, #tpu.memory_space<hbm>> -> memref<1x1x64xi32, #tpu.memory_space<hbm>>
      %dma_start3A_1231 = tpu.memref_squeeze %dma_start3A_1230 : memref<1x1x64xi32, #tpu.memory_space<hbm>> -> memref<64xi32, #tpu.memory_space<hbm>>
      %dma_start3A_1232 = arith.constant 0 : i32
      %dma_start3A_1233 = tpu.memref_slice %arg3[%run_scoped3A, %dma_start3A_1232] : memref<24x64xi32, #tpu.memory_space<vmem>> -> memref<1x64xi32, #tpu.memory_space<vmem>>
      %dma_start3A_1234 = tpu.memref_squeeze %dma_start3A_1233 : memref<1x64xi32, #tpu.memory_space<vmem>> -> memref<64xi32, #tpu.memory_space<vmem>>
      tpu.enqueue_dma source(%dma_start3A_1234 : memref<64xi32, #tpu.memory_space<vmem>>) target(%dma_start3A_1231 : memref<64xi32, #tpu.memory_space<hbm>>) target_semaphore(%run_scoped3A_1225 : memref<!tpu.dma_semaphore, #tpu.memory_space<semaphore_mem>>)
      %dma_wait3A = arith.constant 0 : i32
      %dma_wait3A_1235 = tpu.memref_slice %arg3[%run_scoped3A, %dma_wait3A] : memref<24x64xi32, #tpu.memory_space<vmem>> -> memref<1x64xi32, #tpu.memory_space<vmem>>
      %dma_wait3A_1236 = tpu.memref_squeeze %dma_wait3A_1235 : memref<1x64xi32, #tpu.memory_space<vmem>> -> memref<64xi32, #tpu.memory_space<vmem>>
      %dma_wait3A_1237 = tpu.memref_slice %arg2[%run_scoped3A_1154, %run_scoped3A_1155, %mul3A_2] : memref<12x2x2048xi32, #tpu.memory_space<hbm>> -> memref<1x1x64xi32, #tpu.memory_space<hbm>>
      %dma_wait3A_1238 = tpu.memref_squeeze %dma_wait3A_1237 : memref<1x1x64xi32, #tpu.memory_space<hbm>> -> memref<64xi32, #tpu.memory_space<hbm>>
      %dma_wait3A_1239 = tpu.memref_slice %arg2[%run_scoped3A_1154, %run_scoped3A_1155, %mul3A_2] : memref<12x2x2048xi32, #tpu.memory_space<hbm>> -> memref<1x1x64xi32, #tpu.memory_space<hbm>>
      %dma_wait3A_1240 = tpu.memref_squeeze %dma_wait3A_1239 : memref<1x1x64xi32, #tpu.memory_space<hbm>> -> memref<64xi32, #tpu.memory_space<hbm>>
      %dma_wait3A_1241 = arith.constant 0 : i32
      %dma_wait3A_1242 = tpu.memref_slice %arg3[%run_scoped3A, %dma_wait3A_1241] : memref<24x64xi32, #tpu.memory_space<vmem>> -> memref<1x64xi32, #tpu.memory_space<vmem>>
      %dma_wait3A_1243 = tpu.memref_squeeze %dma_wait3A_1242 : memref<1x64xi32, #tpu.memory_space<vmem>> -> memref<64xi32, #tpu.memory_space<vmem>>
      tpu.wait_dma2 semaphore(%run_scoped3A_1225 : memref<!tpu.dma_semaphore, #tpu.memory_space<semaphore_mem>>) src(%dma_wait3A_1243 : memref<64xi32, #tpu.memory_space<vmem>>) dst(%dma_wait3A_1240 : memref<64xi32, #tpu.memory_space<hbm>>)
      tpu.yield
    }) : () -> ()
    %run_scoped3A_1156 = arith.constant 1 : i32
    %run_scoped3A_1157 = arith.constant 0 : i32
    %run_scoped3A_1158 = arith.constant 1 : i32
    "tpu.region"() ({
      %run_scoped3A_1225 = tpu.sem_alloc : memref<!tpu.dma_semaphore, #tpu.memory_space<semaphore_mem>>
      %dma_start3A = arith.constant 0 : i32
      %dma_start3A_1226 = tpu.memref_slice %arg3[%run_scoped3A_1156, %dma_start3A] : memref<24x64xi32, #tpu.memory_space<vmem>> -> memref<1x64xi32, #tpu.memory_space<vmem>>
      %dma_start3A_1227 = tpu.memref_squeeze %dma_start3A_1226 : memref<1x64xi32, #tpu.memory_space<vmem>> -> memref<64xi32, #tpu.memory_space<vmem>>
      %dma_start3A_1228 = tpu.memref_slice %arg2[%run_scoped3A_1157, %run_scoped3A_1158, %mul3A_2] : memref<12x2x2048xi32, #tpu.memory_space<hbm>> -> memref<1x1x64xi32, #tpu.memory_space<hbm>>
      %dma_start3A_1229 = tpu.memref_squeeze %dma_start3A_1228 : memref<1x1x64xi32, #tpu.memory_space<hbm>> -> memref<64xi32, #tpu.memory_space<hbm>>
      %dma_start3A_1230 = tpu.memref_slice %arg2[%run_scoped3A_1157, %run_scoped3A_1158, %mul3A_2] : memref<12x2x2048xi32, #tpu.memory_space<hbm>> -> memref<1x1x64xi32, #tpu.memory_space<hbm>>
      %dma_start3A_1231 = tpu.memref_squeeze %dma_start3A_1230 : memref<1x1x64xi32, #tpu.memory_space<hbm>> -> memref<64xi32, #tpu.memory_space<hbm>>
      %dma_start3A_1232 = arith.constant 0 : i32
      %dma_start3A_1233 = tpu.memref_slice %arg3[%run_scoped3A_1156, %dma_start3A_1232] : memref<24x64xi32, #tpu.memory_space<vmem>> -> memref<1x64xi32, #tpu.memory_space<vmem>>
      %dma_start3A_1234 = tpu.memref_squeeze %dma_start3A_1233 : memref<1x64xi32, #tpu.memory_space<vmem>> -> memref<64xi32, #tpu.memory_space<vmem>>
      tpu.enqueue_dma source(%dma_start3A_1234 : memref<64xi32, #tpu.memory_space<vmem>>) target(%dma_start3A_1231 : memref<64xi32, #tpu.memory_space<hbm>>) target_semaphore(%run_scoped3A_1225 : memref<!tpu.dma_semaphore, #tpu.memory_space<semaphore_mem>>)
      %dma_wait3A = arith.constant 0 : i32
      %dma_wait3A_1235 = tpu.memref_slice %arg3[%run_scoped3A_1156, %dma_wait3A] : memref<24x64xi32, #tpu.memory_space<vmem>> -> memref<1x64xi32, #tpu.memory_space<vmem>>
      %dma_wait3A_1236 = tpu.memref_squeeze %dma_wait3A_1235 : memref<1x64xi32, #tpu.memory_space<vmem>> -> memref<64xi32, #tpu.memory_space<vmem>>
      %dma_wait3A_1237 = tpu.memref_slice %arg2[%run_scoped3A_1157, %run_scoped3A_1158, %mul3A_2] : memref<12x2x2048xi32, #tpu.memory_space<hbm>> -> memref<1x1x64xi32, #tpu.memory_space<hbm>>
      %dma_wait3A_1238 = tpu.memref_squeeze %dma_wait3A_1237 : memref<1x1x64xi32, #tpu.memory_space<hbm>> -> memref<64xi32, #tpu.memory_space<hbm>>
      %dma_wait3A_1239 = tpu.memref_slice %arg2[%run_scoped3A_1157, %run_scoped3A_1158, %mul3A_2] : memref<12x2x2048xi32, #tpu.memory_space<hbm>> -> memref<1x1x64xi32, #tpu.memory_space<hbm>>
      %dma_wait3A_1240 = tpu.memref_squeeze %dma_wait3A_1239 : memref<1x1x64xi32, #tpu.memory_space<hbm>> -> memref<64xi32, #tpu.memory_space<hbm>>
      %dma_wait3A_1241 = arith.constant 0 : i32
      %dma_wait3A_1242 = tpu.memref_slice %arg3[%run_scoped3A_1156, %dma_wait3A_1241] : memref<24x64xi32, #tpu.memory_space<vmem>> -> memref<1x64xi32, #tpu.memory_space<vmem>>
      %dma_wait3A_1243 = tpu.memref_squeeze %dma_wait3A_1242 : memref<1x64xi32, #tpu.memory_space<vmem>> -> memref<64xi32, #tpu.memory_space<vmem>>
      tpu.wait_dma2 semaphore(%run_scoped3A_1225 : memref<!tpu.dma_semaphore, #tpu.memory_space<semaphore_mem>>) src(%dma_wait3A_1243 : memref<64xi32, #tpu.memory_space<vmem>>) dst(%dma_wait3A_1240 : memref<64xi32, #tpu.memory_space<hbm>>)
      tpu.yield
    }) : () -> ()
    %run_scoped3A_1159 = arith.constant 2 : i32
    %run_scoped3A_1160 = arith.constant 1 : i32
    %run_scoped3A_1161 = arith.constant 0 : i32
    "tpu.region"() ({
      %run_scoped3A_1225 = tpu.sem_alloc : memref<!tpu.dma_semaphore, #tpu.memory_space<semaphore_mem>>
      %dma_start3A = arith.constant 0 : i32
      %dma_start3A_1226 = tpu.memref_slice %arg3[%run_scoped3A_1159, %dma_start3A] : memref<24x64xi32, #tpu.memory_space<vmem>> -> memref<1x64xi32, #tpu.memory_space<vmem>>
      %dma_start3A_1227 = tpu.memref_squeeze %dma_start3A_1226 : memref<1x64xi32, #tpu.memory_space<vmem>> -> memref<64xi32, #tpu.memory_space<vmem>>
      %dma_start3A_1228 = tpu.memref_slice %arg2[%run_scoped3A_1160, %run_scoped3A_1161, %mul3A_2] : memref<12x2x2048xi32, #tpu.memory_space<hbm>> -> memref<1x1x64xi32, #tpu.memory_space<hbm>>
      %dma_start3A_1229 = tpu.memref_squeeze %dma_start3A_1228 : memref<1x1x64xi32, #tpu.memory_space<hbm>> -> memref<64xi32, #tpu.memory_space<hbm>>
      %dma_start3A_1230 = tpu.memref_slice %arg2[%run_scoped3A_1160, %run_scoped3A_1161, %mul3A_2] : memref<12x2x2048xi32, #tpu.memory_space<hbm>> -> memref<1x1x64xi32, #tpu.memory_space<hbm>>
      %dma_start3A_1231 = tpu.memref_squeeze %dma_start3A_1230 : memref<1x1x64xi32, #tpu.memory_space<hbm>> -> memref<64xi32, #tpu.memory_space<hbm>>
      %dma_start3A_1232 = arith.constant 0 : i32
      %dma_start3A_1233 = tpu.memref_slice %arg3[%run_scoped3A_1159, %dma_start3A_1232] : memref<24x64xi32, #tpu.memory_space<vmem>> -> memref<1x64xi32, #tpu.memory_space<vmem>>
      %dma_start3A_1234 = tpu.memref_squeeze %dma_start3A_1233 : memref<1x64xi32, #tpu.memory_space<vmem>> -> memref<64xi32, #tpu.memory_space<vmem>>
      tpu.enqueue_dma source(%dma_start3A_1234 : memref<64xi32, #tpu.memory_space<vmem>>) target(%dma_start3A_1231 : memref<64xi32, #tpu.memory_space<hbm>>) target_semaphore(%run_scoped3A_1225 : memref<!tpu.dma_semaphore, #tpu.memory_space<semaphore_mem>>)
      %dma_wait3A = arith.constant 0 : i32
      %dma_wait3A_1235 = tpu.memref_slice %arg3[%run_scoped3A_1159, %dma_wait3A] : memref<24x64xi32, #tpu.memory_space<vmem>> -> memref<1x64xi32, #tpu.memory_space<vmem>>
      %dma_wait3A_1236 = tpu.memref_squeeze %dma_wait3A_1235 : memref<1x64xi32, #tpu.memory_space<vmem>> -> memref<64xi32, #tpu.memory_space<vmem>>
      %dma_wait3A_1237 = tpu.memref_slice %arg2[%run_scoped3A_1160, %run_scoped3A_1161, %mul3A_2] : memref<12x2x2048xi32, #tpu.memory_space<hbm>> -> memref<1x1x64xi32, #tpu.memory_space<hbm>>
      %dma_wait3A_1238 = tpu.memref_squeeze %dma_wait3A_1237 : memref<1x1x64xi32, #tpu.memory_space<hbm>> -> memref<64xi32, #tpu.memory_space<hbm>>
      %dma_wait3A_1239 = tpu.memref_slice %arg2[%run_scoped3A_1160, %run_scoped3A_1161, %mul3A_2] : memref<12x2x2048xi32, #tpu.memory_space<hbm>> -> memref<1x1x64xi32, #tpu.memory_space<hbm>>
      %dma_wait3A_1240 = tpu.memref_squeeze %dma_wait3A_1239 : memref<1x1x64xi32, #tpu.memory_space<hbm>> -> memref<64xi32, #tpu.memory_space<hbm>>
      %dma_wait3A_1241 = arith.constant 0 : i32
      %dma_wait3A_1242 = tpu.memref_slice %arg3[%run_scoped3A_1159, %dma_wait3A_1241] : memref<24x64xi32, #tpu.memory_space<vmem>> -> memref<1x64xi32, #tpu.memory_space<vmem>>
      %dma_wait3A_1243 = tpu.memref_squeeze %dma_wait3A_1242 : memref<1x64xi32, #tpu.memory_space<vmem>> -> memref<64xi32, #tpu.memory_space<vmem>>
      tpu.wait_dma2 semaphore(%run_scoped3A_1225 : memref<!tpu.dma_semaphore, #tpu.memory_space<semaphore_mem>>) src(%dma_wait3A_1243 : memref<64xi32, #tpu.memory_space<vmem>>) dst(%dma_wait3A_1240 : memref<64xi32, #tpu.memory_space<hbm>>)
      tpu.yield
    }) : () -> ()
    %run_scoped3A_1162 = arith.constant 3 : i32
    %run_scoped3A_1163 = arith.constant 1 : i32
    %run_scoped3A_1164 = arith.constant 1 : i32
    "tpu.region"() ({
      %run_scoped3A_1225 = tpu.sem_alloc : memref<!tpu.dma_semaphore, #tpu.memory_space<semaphore_mem>>
      %dma_start3A = arith.constant 0 : i32
      %dma_start3A_1226 = tpu.memref_slice %arg3[%run_scoped3A_1162, %dma_start3A] : memref<24x64xi32, #tpu.memory_space<vmem>> -> memref<1x64xi32, #tpu.memory_space<vmem>>
      %dma_start3A_1227 = tpu.memref_squeeze %dma_start3A_1226 : memref<1x64xi32, #tpu.memory_space<vmem>> -> memref<64xi32, #tpu.memory_space<vmem>>
      %dma_start3A_1228 = tpu.memref_slice %arg2[%run_scoped3A_1163, %run_scoped3A_1164, %mul3A_2] : memref<12x2x2048xi32, #tpu.memory_space<hbm>> -> memref<1x1x64xi32, #tpu.memory_space<hbm>>
      %dma_start3A_1229 = tpu.memref_squeeze %dma_start3A_1228 : memref<1x1x64xi32, #tpu.memory_space<hbm>> -> memref<64xi32, #tpu.memory_space<hbm>>
      %dma_start3A_1230 = tpu.memref_slice %arg2[%run_scoped3A_1163, %run_scoped3A_1164, %mul3A_2] : memref<12x2x2048xi32, #tpu.memory_space<hbm>> -> memref<1x1x64xi32, #tpu.memory_space<hbm>>
      %dma_start3A_1231 = tpu.memref_squeeze %dma_start3A_1230 : memref<1x1x64xi32, #tpu.memory_space<hbm>> -> memref<64xi32, #tpu.memory_space<hbm>>
      %dma_start3A_1232 = arith.constant 0 : i32
      %dma_start3A_1233 = tpu.memref_slice %arg3[%run_scoped3A_1162, %dma_start3A_1232] : memref<24x64xi32, #tpu.memory_space<vmem>> -> memref<1x64xi32, #tpu.memory_space<vmem>>
      %dma_start3A_1234 = tpu.memref_squeeze %dma_start3A_1233 : memref<1x64xi32, #tpu.memory_space<vmem>> -> memref<64xi32, #tpu.memory_space<vmem>>
      tpu.enqueue_dma source(%dma_start3A_1234 : memref<64xi32, #tpu.memory_space<vmem>>) target(%dma_start3A_1231 : memref<64xi32, #tpu.memory_space<hbm>>) target_semaphore(%run_scoped3A_1225 : memref<!tpu.dma_semaphore, #tpu.memory_space<semaphore_mem>>)
      %dma_wait3A = arith.constant 0 : i32
      %dma_wait3A_1235 = tpu.memref_slice %arg3[%run_scoped3A_1162, %dma_wait3A] : memref<24x64xi32, #tpu.memory_space<vmem>> -> memref<1x64xi32, #tpu.memory_space<vmem>>
      %dma_wait3A_1236 = tpu.memref_squeeze %dma_wait3A_1235 : memref<1x64xi32, #tpu.memory_space<vmem>> -> memref<64xi32, #tpu.memory_space<vmem>>
      %dma_wait3A_1237 = tpu.memref_slice %arg2[%run_scoped3A_1163, %run_scoped3A_1164, %mul3A_2] : memref<12x2x2048xi32, #tpu.memory_space<hbm>> -> memref<1x1x64xi32, #tpu.memory_space<hbm>>
      %dma_wait3A_1238 = tpu.memref_squeeze %dma_wait3A_1237 : memref<1x1x64xi32, #tpu.memory_space<hbm>> -> memref<64xi32, #tpu.memory_space<hbm>>
      %dma_wait3A_1239 = tpu.memref_slice %arg2[%run_scoped3A_1163, %run_scoped3A_1164, %mul3A_2] : memref<12x2x2048xi32, #tpu.memory_space<hbm>> -> memref<1x1x64xi32, #tpu.memory_space<hbm>>
      %dma_wait3A_1240 = tpu.memref_squeeze %dma_wait3A_1239 : memref<1x1x64xi32, #tpu.memory_space<hbm>> -> memref<64xi32, #tpu.memory_space<hbm>>
      %dma_wait3A_1241 = arith.constant 0 : i32
      %dma_wait3A_1242 = tpu.memref_slice %arg3[%run_scoped3A_1162, %dma_wait3A_1241] : memref<24x64xi32, #tpu.memory_space<vmem>> -> memref<1x64xi32, #tpu.memory_space<vmem>>
      %dma_wait3A_1243 = tpu.memref_squeeze %dma_wait3A_1242 : memref<1x64xi32, #tpu.memory_space<vmem>> -> memref<64xi32, #tpu.memory_space<vmem>>
      tpu.wait_dma2 semaphore(%run_scoped3A_1225 : memref<!tpu.dma_semaphore, #tpu.memory_space<semaphore_mem>>) src(%dma_wait3A_1243 : memref<64xi32, #tpu.memory_space<vmem>>) dst(%dma_wait3A_1240 : memref<64xi32, #tpu.memory_space<hbm>>)
      tpu.yield
    }) : () -> ()
    %run_scoped3A_1165 = arith.constant 4 : i32
    %run_scoped3A_1166 = arith.constant 2 : i32
    %run_scoped3A_1167 = arith.constant 0 : i32
    "tpu.region"() ({
      %run_scoped3A_1225 = tpu.sem_alloc : memref<!tpu.dma_semaphore, #tpu.memory_space<semaphore_mem>>
      %dma_start3A = arith.constant 0 : i32
      %dma_start3A_1226 = tpu.memref_slice %arg3[%run_scoped3A_1165, %dma_start3A] : memref<24x64xi32, #tpu.memory_space<vmem>> -> memref<1x64xi32, #tpu.memory_space<vmem>>
      %dma_start3A_1227 = tpu.memref_squeeze %dma_start3A_1226 : memref<1x64xi32, #tpu.memory_space<vmem>> -> memref<64xi32, #tpu.memory_space<vmem>>
      %dma_start3A_1228 = tpu.memref_slice %arg2[%run_scoped3A_1166, %run_scoped3A_1167, %mul3A_2] : memref<12x2x2048xi32, #tpu.memory_space<hbm>> -> memref<1x1x64xi32, #tpu.memory_space<hbm>>
      %dma_start3A_1229 = tpu.memref_squeeze %dma_start3A_1228 : memref<1x1x64xi32, #tpu.memory_space<hbm>> -> memref<64xi32, #tpu.memory_space<hbm>>
      %dma_start3A_1230 = tpu.memref_slice %arg2[%run_scoped3A_1166, %run_scoped3A_1167, %mul3A_2] : memref<12x2x2048xi32, #tpu.memory_space<hbm>> -> memref<1x1x64xi32, #tpu.memory_space<hbm>>
      %dma_start3A_1231 = tpu.memref_squeeze %dma_start3A_1230 : memref<1x1x64xi32, #tpu.memory_space<hbm>> -> memref<64xi32, #tpu.memory_space<hbm>>
      %dma_start3A_1232 = arith.constant 0 : i32
      %dma_start3A_1233 = tpu.memref_slice %arg3[%run_scoped3A_1165, %dma_start3A_1232] : memref<24x64xi32, #tpu.memory_space<vmem>> -> memref<1x64xi32, #tpu.memory_space<vmem>>
      %dma_start3A_1234 = tpu.memref_squeeze %dma_start3A_1233 : memref<1x64xi32, #tpu.memory_space<vmem>> -> memref<64xi32, #tpu.memory_space<vmem>>
      tpu.enqueue_dma source(%dma_start3A_1234 : memref<64xi32, #tpu.memory_space<vmem>>) target(%dma_start3A_1231 : memref<64xi32, #tpu.memory_space<hbm>>) target_semaphore(%run_scoped3A_1225 : memref<!tpu.dma_semaphore, #tpu.memory_space<semaphore_mem>>)
      %dma_wait3A = arith.constant 0 : i32
      %dma_wait3A_1235 = tpu.memref_slice %arg3[%run_scoped3A_1165, %dma_wait3A] : memref<24x64xi32, #tpu.memory_space<vmem>> -> memref<1x64xi32, #tpu.memory_space<vmem>>
      %dma_wait3A_1236 = tpu.memref_squeeze %dma_wait3A_1235 : memref<1x64xi32, #tpu.memory_space<vmem>> -> memref<64xi32, #tpu.memory_space<vmem>>
      %dma_wait3A_1237 = tpu.memref_slice %arg2[%run_scoped3A_1166, %run_scoped3A_1167, %mul3A_2] : memref<12x2x2048xi32, #tpu.memory_space<hbm>> -> memref<1x1x64xi32, #tpu.memory_space<hbm>>
      %dma_wait3A_1238 = tpu.memref_squeeze %dma_wait3A_1237 : memref<1x1x64xi32, #tpu.memory_space<hbm>> -> memref<64xi32, #tpu.memory_space<hbm>>
      %dma_wait3A_1239 = tpu.memref_slice %arg2[%run_scoped3A_1166, %run_scoped3A_1167, %mul3A_2] : memref<12x2x2048xi32, #tpu.memory_space<hbm>> -> memref<1x1x64xi32, #tpu.memory_space<hbm>>
      %dma_wait3A_1240 = tpu.memref_squeeze %dma_wait3A_1239 : memref<1x1x64xi32, #tpu.memory_space<hbm>> -> memref<64xi32, #tpu.memory_space<hbm>>
      %dma_wait3A_1241 = arith.constant 0 : i32
      %dma_wait3A_1242 = tpu.memref_slice %arg3[%run_scoped3A_1165, %dma_wait3A_1241] : memref<24x64xi32, #tpu.memory_space<vmem>> -> memref<1x64xi32, #tpu.memory_space<vmem>>
      %dma_wait3A_1243 = tpu.memref_squeeze %dma_wait3A_1242 : memref<1x64xi32, #tpu.memory_space<vmem>> -> memref<64xi32, #tpu.memory_space<vmem>>
      tpu.wait_dma2 semaphore(%run_scoped3A_1225 : memref<!tpu.dma_semaphore, #tpu.memory_space<semaphore_mem>>) src(%dma_wait3A_1243 : memref<64xi32, #tpu.memory_space<vmem>>) dst(%dma_wait3A_1240 : memref<64xi32, #tpu.memory_space<hbm>>)
      tpu.yield
    }) : () -> ()
    %run_scoped3A_1168 = arith.constant 5 : i32
    %run_scoped3A_1169 = arith.constant 2 : i32
    %run_scoped3A_1170 = arith.constant 1 : i32
    "tpu.region"() ({
      %run_scoped3A_1225 = tpu.sem_alloc : memref<!tpu.dma_semaphore, #tpu.memory_space<semaphore_mem>>
      %dma_start3A = arith.constant 0 : i32
      %dma_start3A_1226 = tpu.memref_slice %arg3[%run_scoped3A_1168, %dma_start3A] : memref<24x64xi32, #tpu.memory_space<vmem>> -> memref<1x64xi32, #tpu.memory_space<vmem>>
      %dma_start3A_1227 = tpu.memref_squeeze %dma_start3A_1226 : memref<1x64xi32, #tpu.memory_space<vmem>> -> memref<64xi32, #tpu.memory_space<vmem>>
      %dma_start3A_1228 = tpu.memref_slice %arg2[%run_scoped3A_1169, %run_scoped3A_1170, %mul3A_2] : memref<12x2x2048xi32, #tpu.memory_space<hbm>> -> memref<1x1x64xi32, #tpu.memory_space<hbm>>
      %dma_start3A_1229 = tpu.memref_squeeze %dma_start3A_1228 : memref<1x1x64xi32, #tpu.memory_space<hbm>> -> memref<64xi32, #tpu.memory_space<hbm>>
      %dma_start3A_1230 = tpu.memref_slice %arg2[%run_scoped3A_1169, %run_scoped3A_1170, %mul3A_2] : memref<12x2x2048xi32, #tpu.memory_space<hbm>> -> memref<1x1x64xi32, #tpu.memory_space<hbm>>
      %dma_start3A_1231 = tpu.memref_squeeze %dma_start3A_1230 : memref<1x1x64xi32, #tpu.memory_space<hbm>> -> memref<64xi32, #tpu.memory_space<hbm>>
      %dma_start3A_1232 = arith.constant 0 : i32
      %dma_start3A_1233 = tpu.memref_slice %arg3[%run_scoped3A_1168, %dma_start3A_1232] : memref<24x64xi32, #tpu.memory_space<vmem>> -> memref<1x64xi32, #tpu.memory_space<vmem>>
      %dma_start3A_1234 = tpu.memref_squeeze %dma_start3A_1233 : memref<1x64xi32, #tpu.memory_space<vmem>> -> memref<64xi32, #tpu.memory_space<vmem>>
      tpu.enqueue_dma source(%dma_start3A_1234 : memref<64xi32, #tpu.memory_space<vmem>>) target(%dma_start3A_1231 : memref<64xi32, #tpu.memory_space<hbm>>) target_semaphore(%run_scoped3A_1225 : memref<!tpu.dma_semaphore, #tpu.memory_space<semaphore_mem>>)
      %dma_wait3A = arith.constant 0 : i32
      %dma_wait3A_1235 = tpu.memref_slice %arg3[%run_scoped3A_1168, %dma_wait3A] : memref<24x64xi32, #tpu.memory_space<vmem>> -> memref<1x64xi32, #tpu.memory_space<vmem>>
      %dma_wait3A_1236 = tpu.memref_squeeze %dma_wait3A_1235 : memref<1x64xi32, #tpu.memory_space<vmem>> -> memref<64xi32, #tpu.memory_space<vmem>>
      %dma_wait3A_1237 = tpu.memref_slice %arg2[%run_scoped3A_1169, %run_scoped3A_1170, %mul3A_2] : memref<12x2x2048xi32, #tpu.memory_space<hbm>> -> memref<1x1x64xi32, #tpu.memory_space<hbm>>
      %dma_wait3A_1238 = tpu.memref_squeeze %dma_wait3A_1237 : memref<1x1x64xi32, #tpu.memory_space<hbm>> -> memref<64xi32, #tpu.memory_space<hbm>>
      %dma_wait3A_1239 = tpu.memref_slice %arg2[%run_scoped3A_1169, %run_scoped3A_1170, %mul3A_2] : memref<12x2x2048xi32, #tpu.memory_space<hbm>> -> memref<1x1x64xi32, #tpu.memory_space<hbm>>
      %dma_wait3A_1240 = tpu.memref_squeeze %dma_wait3A_1239 : memref<1x1x64xi32, #tpu.memory_space<hbm>> -> memref<64xi32, #tpu.memory_space<hbm>>
      %dma_wait3A_1241 = arith.constant 0 : i32
      %dma_wait3A_1242 = tpu.memref_slice %arg3[%run_scoped3A_1168, %dma_wait3A_1241] : memref<24x64xi32, #tpu.memory_space<vmem>> -> memref<1x64xi32, #tpu.memory_space<vmem>>
      %dma_wait3A_1243 = tpu.memref_squeeze %dma_wait3A_1242 : memref<1x64xi32, #tpu.memory_space<vmem>> -> memref<64xi32, #tpu.memory_space<vmem>>
      tpu.wait_dma2 semaphore(%run_scoped3A_1225 : memref<!tpu.dma_semaphore, #tpu.memory_space<semaphore_mem>>) src(%dma_wait3A_1243 : memref<64xi32, #tpu.memory_space<vmem>>) dst(%dma_wait3A_1240 : memref<64xi32, #tpu.memory_space<hbm>>)
      tpu.yield
    }) : () -> ()
    %run_scoped3A_1171 = arith.constant 6 : i32
    %run_scoped3A_1172 = arith.constant 3 : i32
    %run_scoped3A_1173 = arith.constant 0 : i32
    "tpu.region"() ({
      %run_scoped3A_1225 = tpu.sem_alloc : memref<!tpu.dma_semaphore, #tpu.memory_space<semaphore_mem>>
      %dma_start3A = arith.constant 0 : i32
      %dma_start3A_1226 = tpu.memref_slice %arg3[%run_scoped3A_1171, %dma_start3A] : memref<24x64xi32, #tpu.memory_space<vmem>> -> memref<1x64xi32, #tpu.memory_space<vmem>>
      %dma_start3A_1227 = tpu.memref_squeeze %dma_start3A_1226 : memref<1x64xi32, #tpu.memory_space<vmem>> -> memref<64xi32, #tpu.memory_space<vmem>>
      %dma_start3A_1228 = tpu.memref_slice %arg2[%run_scoped3A_1172, %run_scoped3A_1173, %mul3A_2] : memref<12x2x2048xi32, #tpu.memory_space<hbm>> -> memref<1x1x64xi32, #tpu.memory_space<hbm>>
      %dma_start3A_1229 = tpu.memref_squeeze %dma_start3A_1228 : memref<1x1x64xi32, #tpu.memory_space<hbm>> -> memref<64xi32, #tpu.memory_space<hbm>>
      %dma_start3A_1230 = tpu.memref_slice %arg2[%run_scoped3A_1172, %run_scoped3A_1173, %mul3A_2] : memref<12x2x2048xi32, #tpu.memory_space<hbm>> -> memref<1x1x64xi32, #tpu.memory_space<hbm>>
      %dma_start3A_1231 = tpu.memref_squeeze %dma_start3A_1230 : memref<1x1x64xi32, #tpu.memory_space<hbm>> -> memref<64xi32, #tpu.memory_space<hbm>>
      %dma_start3A_1232 = arith.constant 0 : i32
      %dma_start3A_1233 = tpu.memref_slice %arg3[%run_scoped3A_1171, %dma_start3A_1232] : memref<24x64xi32, #tpu.memory_space<vmem>> -> memref<1x64xi32, #tpu.memory_space<vmem>>
      %dma_start3A_1234 = tpu.memref_squeeze %dma_start3A_1233 : memref<1x64xi32, #tpu.memory_space<vmem>> -> memref<64xi32, #tpu.memory_space<vmem>>
      tpu.enqueue_dma source(%dma_start3A_1234 : memref<64xi32, #tpu.memory_space<vmem>>) target(%dma_start3A_1231 : memref<64xi32, #tpu.memory_space<hbm>>) target_semaphore(%run_scoped3A_1225 : memref<!tpu.dma_semaphore, #tpu.memory_space<semaphore_mem>>)
      %dma_wait3A = arith.constant 0 : i32
      %dma_wait3A_1235 = tpu.memref_slice %arg3[%run_scoped3A_1171, %dma_wait3A] : memref<24x64xi32, #tpu.memory_space<vmem>> -> memref<1x64xi32, #tpu.memory_space<vmem>>
      %dma_wait3A_1236 = tpu.memref_squeeze %dma_wait3A_1235 : memref<1x64xi32, #tpu.memory_space<vmem>> -> memref<64xi32, #tpu.memory_space<vmem>>
      %dma_wait3A_1237 = tpu.memref_slice %arg2[%run_scoped3A_1172, %run_scoped3A_1173, %mul3A_2] : memref<12x2x2048xi32, #tpu.memory_space<hbm>> -> memref<1x1x64xi32, #tpu.memory_space<hbm>>
      %dma_wait3A_1238 = tpu.memref_squeeze %dma_wait3A_1237 : memref<1x1x64xi32, #tpu.memory_space<hbm>> -> memref<64xi32, #tpu.memory_space<hbm>>
      %dma_wait3A_1239 = tpu.memref_slice %arg2[%run_scoped3A_1172, %run_scoped3A_1173, %mul3A_2] : memref<12x2x2048xi32, #tpu.memory_space<hbm>> -> memref<1x1x64xi32, #tpu.memory_space<hbm>>
      %dma_wait3A_1240 = tpu.memref_squeeze %dma_wait3A_1239 : memref<1x1x64xi32, #tpu.memory_space<hbm>> -> memref<64xi32, #tpu.memory_space<hbm>>
      %dma_wait3A_1241 = arith.constant 0 : i32
      %dma_wait3A_1242 = tpu.memref_slice %arg3[%run_scoped3A_1171, %dma_wait3A_1241] : memref<24x64xi32, #tpu.memory_space<vmem>> -> memref<1x64xi32, #tpu.memory_space<vmem>>
      %dma_wait3A_1243 = tpu.memref_squeeze %dma_wait3A_1242 : memref<1x64xi32, #tpu.memory_space<vmem>> -> memref<64xi32, #tpu.memory_space<vmem>>
      tpu.wait_dma2 semaphore(%run_scoped3A_1225 : memref<!tpu.dma_semaphore, #tpu.memory_space<semaphore_mem>>) src(%dma_wait3A_1243 : memref<64xi32, #tpu.memory_space<vmem>>) dst(%dma_wait3A_1240 : memref<64xi32, #tpu.memory_space<hbm>>)
      tpu.yield
    }) : () -> ()
    %run_scoped3A_1174 = arith.constant 7 : i32
    %run_scoped3A_1175 = arith.constant 3 : i32
    %run_scoped3A_1176 = arith.constant 1 : i32
    "tpu.region"() ({
      %run_scoped3A_1225 = tpu.sem_alloc : memref<!tpu.dma_semaphore, #tpu.memory_space<semaphore_mem>>
      %dma_start3A = arith.constant 0 : i32
      %dma_start3A_1226 = tpu.memref_slice %arg3[%run_scoped3A_1174, %dma_start3A] : memref<24x64xi32, #tpu.memory_space<vmem>> -> memref<1x64xi32, #tpu.memory_space<vmem>>
      %dma_start3A_1227 = tpu.memref_squeeze %dma_start3A_1226 : memref<1x64xi32, #tpu.memory_space<vmem>> -> memref<64xi32, #tpu.memory_space<vmem>>
      %dma_start3A_1228 = tpu.memref_slice %arg2[%run_scoped3A_1175, %run_scoped3A_1176, %mul3A_2] : memref<12x2x2048xi32, #tpu.memory_space<hbm>> -> memref<1x1x64xi32, #tpu.memory_space<hbm>>
      %dma_start3A_1229 = tpu.memref_squeeze %dma_start3A_1228 : memref<1x1x64xi32, #tpu.memory_space<hbm>> -> memref<64xi32, #tpu.memory_space<hbm>>
      %dma_start3A_1230 = tpu.memref_slice %arg2[%run_scoped3A_1175, %run_scoped3A_1176, %mul3A_2] : memref<12x2x2048xi32, #tpu.memory_space<hbm>> -> memref<1x1x64xi32, #tpu.memory_space<hbm>>
      %dma_start3A_1231 = tpu.memref_squeeze %dma_start3A_1230 : memref<1x1x64xi32, #tpu.memory_space<hbm>> -> memref<64xi32, #tpu.memory_space<hbm>>
      %dma_start3A_1232 = arith.constant 0 : i32
      %dma_start3A_1233 = tpu.memref_slice %arg3[%run_scoped3A_1174, %dma_start3A_1232] : memref<24x64xi32, #tpu.memory_space<vmem>> -> memref<1x64xi32, #tpu.memory_space<vmem>>
      %dma_start3A_1234 = tpu.memref_squeeze %dma_start3A_1233 : memref<1x64xi32, #tpu.memory_space<vmem>> -> memref<64xi32, #tpu.memory_space<vmem>>
      tpu.enqueue_dma source(%dma_start3A_1234 : memref<64xi32, #tpu.memory_space<vmem>>) target(%dma_start3A_1231 : memref<64xi32, #tpu.memory_space<hbm>>) target_semaphore(%run_scoped3A_1225 : memref<!tpu.dma_semaphore, #tpu.memory_space<semaphore_mem>>)
      %dma_wait3A = arith.constant 0 : i32
      %dma_wait3A_1235 = tpu.memref_slice %arg3[%run_scoped3A_1174, %dma_wait3A] : memref<24x64xi32, #tpu.memory_space<vmem>> -> memref<1x64xi32, #tpu.memory_space<vmem>>
      %dma_wait3A_1236 = tpu.memref_squeeze %dma_wait3A_1235 : memref<1x64xi32, #tpu.memory_space<vmem>> -> memref<64xi32, #tpu.memory_space<vmem>>
      %dma_wait3A_1237 = tpu.memref_slice %arg2[%run_scoped3A_1175, %run_scoped3A_1176, %mul3A_2] : memref<12x2x2048xi32, #tpu.memory_space<hbm>> -> memref<1x1x64xi32, #tpu.memory_space<hbm>>
      %dma_wait3A_1238 = tpu.memref_squeeze %dma_wait3A_1237 : memref<1x1x64xi32, #tpu.memory_space<hbm>> -> memref<64xi32, #tpu.memory_space<hbm>>
      %dma_wait3A_1239 = tpu.memref_slice %arg2[%run_scoped3A_1175, %run_scoped3A_1176, %mul3A_2] : memref<12x2x2048xi32, #tpu.memory_space<hbm>> -> memref<1x1x64xi32, #tpu.memory_space<hbm>>
      %dma_wait3A_1240 = tpu.memref_squeeze %dma_wait3A_1239 : memref<1x1x64xi32, #tpu.memory_space<hbm>> -> memref<64xi32, #tpu.memory_space<hbm>>
      %dma_wait3A_1241 = arith.constant 0 : i32
      %dma_wait3A_1242 = tpu.memref_slice %arg3[%run_scoped3A_1174, %dma_wait3A_1241] : memref<24x64xi32, #tpu.memory_space<vmem>> -> memref<1x64xi32, #tpu.memory_space<vmem>>
      %dma_wait3A_1243 = tpu.memref_squeeze %dma_wait3A_1242 : memref<1x64xi32, #tpu.memory_space<vmem>> -> memref<64xi32, #tpu.memory_space<vmem>>
      tpu.wait_dma2 semaphore(%run_scoped3A_1225 : memref<!tpu.dma_semaphore, #tpu.memory_space<semaphore_mem>>) src(%dma_wait3A_1243 : memref<64xi32, #tpu.memory_space<vmem>>) dst(%dma_wait3A_1240 : memref<64xi32, #tpu.memory_space<hbm>>)
      tpu.yield
    }) : () -> ()
    %run_scoped3A_1177 = arith.constant 8 : i32
    %run_scoped3A_1178 = arith.constant 4 : i32
    %run_scoped3A_1179 = arith.constant 0 : i32
    "tpu.region"() ({
      %run_scoped3A_1225 = tpu.sem_alloc : memref<!tpu.dma_semaphore, #tpu.memory_space<semaphore_mem>>
      %dma_start3A = arith.constant 0 : i32
      %dma_start3A_1226 = tpu.memref_slice %arg3[%run_scoped3A_1177, %dma_start3A] : memref<24x64xi32, #tpu.memory_space<vmem>> -> memref<1x64xi32, #tpu.memory_space<vmem>>
      %dma_start3A_1227 = tpu.memref_squeeze %dma_start3A_1226 : memref<1x64xi32, #tpu.memory_space<vmem>> -> memref<64xi32, #tpu.memory_space<vmem>>
      %dma_start3A_1228 = tpu.memref_slice %arg2[%run_scoped3A_1178, %run_scoped3A_1179, %mul3A_2] : memref<12x2x2048xi32, #tpu.memory_space<hbm>> -> memref<1x1x64xi32, #tpu.memory_space<hbm>>
      %dma_start3A_1229 = tpu.memref_squeeze %dma_start3A_1228 : memref<1x1x64xi32, #tpu.memory_space<hbm>> -> memref<64xi32, #tpu.memory_space<hbm>>
      %dma_start3A_1230 = tpu.memref_slice %arg2[%run_scoped3A_1178, %run_scoped3A_1179, %mul3A_2] : memref<12x2x2048xi32, #tpu.memory_space<hbm>> -> memref<1x1x64xi32, #tpu.memory_space<hbm>>
      %dma_start3A_1231 = tpu.memref_squeeze %dma_start3A_1230 : memref<1x1x64xi32, #tpu.memory_space<hbm>> -> memref<64xi32, #tpu.memory_space<hbm>>
      %dma_start3A_1232 = arith.constant 0 : i32
      %dma_start3A_1233 = tpu.memref_slice %arg3[%run_scoped3A_1177, %dma_start3A_1232] : memref<24x64xi32, #tpu.memory_space<vmem>> -> memref<1x64xi32, #tpu.memory_space<vmem>>
      %dma_start3A_1234 = tpu.memref_squeeze %dma_start3A_1233 : memref<1x64xi32, #tpu.memory_space<vmem>> -> memref<64xi32, #tpu.memory_space<vmem>>
      tpu.enqueue_dma source(%dma_start3A_1234 : memref<64xi32, #tpu.memory_space<vmem>>) target(%dma_start3A_1231 : memref<64xi32, #tpu.memory_space<hbm>>) target_semaphore(%run_scoped3A_1225 : memref<!tpu.dma_semaphore, #tpu.memory_space<semaphore_mem>>)
      %dma_wait3A = arith.constant 0 : i32
      %dma_wait3A_1235 = tpu.memref_slice %arg3[%run_scoped3A_1177, %dma_wait3A] : memref<24x64xi32, #tpu.memory_space<vmem>> -> memref<1x64xi32, #tpu.memory_space<vmem>>
      %dma_wait3A_1236 = tpu.memref_squeeze %dma_wait3A_1235 : memref<1x64xi32, #tpu.memory_space<vmem>> -> memref<64xi32, #tpu.memory_space<vmem>>
      %dma_wait3A_1237 = tpu.memref_slice %arg2[%run_scoped3A_1178, %run_scoped3A_1179, %mul3A_2] : memref<12x2x2048xi32, #tpu.memory_space<hbm>> -> memref<1x1x64xi32, #tpu.memory_space<hbm>>
      %dma_wait3A_1238 = tpu.memref_squeeze %dma_wait3A_1237 : memref<1x1x64xi32, #tpu.memory_space<hbm>> -> memref<64xi32, #tpu.memory_space<hbm>>
      %dma_wait3A_1239 = tpu.memref_slice %arg2[%run_scoped3A_1178, %run_scoped3A_1179, %mul3A_2] : memref<12x2x2048xi32, #tpu.memory_space<hbm>> -> memref<1x1x64xi32, #tpu.memory_space<hbm>>
      %dma_wait3A_1240 = tpu.memref_squeeze %dma_wait3A_1239 : memref<1x1x64xi32, #tpu.memory_space<hbm>> -> memref<64xi32, #tpu.memory_space<hbm>>
      %dma_wait3A_1241 = arith.constant 0 : i32
      %dma_wait3A_1242 = tpu.memref_slice %arg3[%run_scoped3A_1177, %dma_wait3A_1241] : memref<24x64xi32, #tpu.memory_space<vmem>> -> memref<1x64xi32, #tpu.memory_space<vmem>>
      %dma_wait3A_1243 = tpu.memref_squeeze %dma_wait3A_1242 : memref<1x64xi32, #tpu.memory_space<vmem>> -> memref<64xi32, #tpu.memory_space<vmem>>
      tpu.wait_dma2 semaphore(%run_scoped3A_1225 : memref<!tpu.dma_semaphore, #tpu.memory_space<semaphore_mem>>) src(%dma_wait3A_1243 : memref<64xi32, #tpu.memory_space<vmem>>) dst(%dma_wait3A_1240 : memref<64xi32, #tpu.memory_space<hbm>>)
      tpu.yield
    }) : () -> ()
    %run_scoped3A_1180 = arith.constant 9 : i32
    %run_scoped3A_1181 = arith.constant 4 : i32
    %run_scoped3A_1182 = arith.constant 1 : i32
    "tpu.region"() ({
      %run_scoped3A_1225 = tpu.sem_alloc : memref<!tpu.dma_semaphore, #tpu.memory_space<semaphore_mem>>
      %dma_start3A = arith.constant 0 : i32
      %dma_start3A_1226 = tpu.memref_slice %arg3[%run_scoped3A_1180, %dma_start3A] : memref<24x64xi32, #tpu.memory_space<vmem>> -> memref<1x64xi32, #tpu.memory_space<vmem>>
      %dma_start3A_1227 = tpu.memref_squeeze %dma_start3A_1226 : memref<1x64xi32, #tpu.memory_space<vmem>> -> memref<64xi32, #tpu.memory_space<vmem>>
      %dma_start3A_1228 = tpu.memref_slice %arg2[%run_scoped3A_1181, %run_scoped3A_1182, %mul3A_2] : memref<12x2x2048xi32, #tpu.memory_space<hbm>> -> memref<1x1x64xi32, #tpu.memory_space<hbm>>
      %dma_start3A_1229 = tpu.memref_squeeze %dma_start3A_1228 : memref<1x1x64xi32, #tpu.memory_space<hbm>> -> memref<64xi32, #tpu.memory_space<hbm>>
      %dma_start3A_1230 = tpu.memref_slice %arg2[%run_scoped3A_1181, %run_scoped3A_1182, %mul3A_2] : memref<12x2x2048xi32, #tpu.memory_space<hbm>> -> memref<1x1x64xi32, #tpu.memory_space<hbm>>
      %dma_start3A_1231 = tpu.memref_squeeze %dma_start3A_1230 : memref<1x1x64xi32, #tpu.memory_space<hbm>> -> memref<64xi32, #tpu.memory_space<hbm>>
      %dma_start3A_1232 = arith.constant 0 : i32
      %dma_start3A_1233 = tpu.memref_slice %arg3[%run_scoped3A_1180, %dma_start3A_1232] : memref<24x64xi32, #tpu.memory_space<vmem>> -> memref<1x64xi32, #tpu.memory_space<vmem>>
      %dma_start3A_1234 = tpu.memref_squeeze %dma_start3A_1233 : memref<1x64xi32, #tpu.memory_space<vmem>> -> memref<64xi32, #tpu.memory_space<vmem>>
      tpu.enqueue_dma source(%dma_start3A_1234 : memref<64xi32, #tpu.memory_space<vmem>>) target(%dma_start3A_1231 : memref<64xi32, #tpu.memory_space<hbm>>) target_semaphore(%run_scoped3A_1225 : memref<!tpu.dma_semaphore, #tpu.memory_space<semaphore_mem>>)
      %dma_wait3A = arith.constant 0 : i32
      %dma_wait3A_1235 = tpu.memref_slice %arg3[%run_scoped3A_1180, %dma_wait3A] : memref<24x64xi32, #tpu.memory_space<vmem>> -> memref<1x64xi32, #tpu.memory_space<vmem>>
      %dma_wait3A_1236 = tpu.memref_squeeze %dma_wait3A_1235 : memref<1x64xi32, #tpu.memory_space<vmem>> -> memref<64xi32, #tpu.memory_space<vmem>>
      %dma_wait3A_1237 = tpu.memref_slice %arg2[%run_scoped3A_1181, %run_scoped3A_1182, %mul3A_2] : memref<12x2x2048xi32, #tpu.memory_space<hbm>> -> memref<1x1x64xi32, #tpu.memory_space<hbm>>
      %dma_wait3A_1238 = tpu.memref_squeeze %dma_wait3A_1237 : memref<1x1x64xi32, #tpu.memory_space<hbm>> -> memref<64xi32, #tpu.memory_space<hbm>>
      %dma_wait3A_1239 = tpu.memref_slice %arg2[%run_scoped3A_1181, %run_scoped3A_1182, %mul3A_2] : memref<12x2x2048xi32, #tpu.memory_space<hbm>> -> memref<1x1x64xi32, #tpu.memory_space<hbm>>
      %dma_wait3A_1240 = tpu.memref_squeeze %dma_wait3A_1239 : memref<1x1x64xi32, #tpu.memory_space<hbm>> -> memref<64xi32, #tpu.memory_space<hbm>>
      %dma_wait3A_1241 = arith.constant 0 : i32
      %dma_wait3A_1242 = tpu.memref_slice %arg3[%run_scoped3A_1180, %dma_wait3A_1241] : memref<24x64xi32, #tpu.memory_space<vmem>> -> memref<1x64xi32, #tpu.memory_space<vmem>>
      %dma_wait3A_1243 = tpu.memref_squeeze %dma_wait3A_1242 : memref<1x64xi32, #tpu.memory_space<vmem>> -> memref<64xi32, #tpu.memory_space<vmem>>
      tpu.wait_dma2 semaphore(%run_scoped3A_1225 : memref<!tpu.dma_semaphore, #tpu.memory_space<semaphore_mem>>) src(%dma_wait3A_1243 : memref<64xi32, #tpu.memory_space<vmem>>) dst(%dma_wait3A_1240 : memref<64xi32, #tpu.memory_space<hbm>>)
      tpu.yield
    }) : () -> ()
    %run_scoped3A_1183 = arith.constant 10 : i32
    %run_scoped3A_1184 = arith.constant 5 : i32
    %run_scoped3A_1185 = arith.constant 0 : i32
    "tpu.region"() ({
      %run_scoped3A_1225 = tpu.sem_alloc : memref<!tpu.dma_semaphore, #tpu.memory_space<semaphore_mem>>
      %dma_start3A = arith.constant 0 : i32
      %dma_start3A_1226 = tpu.memref_slice %arg3[%run_scoped3A_1183, %dma_start3A] : memref<24x64xi32, #tpu.memory_space<vmem>> -> memref<1x64xi32, #tpu.memory_space<vmem>>
      %dma_start3A_1227 = tpu.memref_squeeze %dma_start3A_1226 : memref<1x64xi32, #tpu.memory_space<vmem>> -> memref<64xi32, #tpu.memory_space<vmem>>
      %dma_start3A_1228 = tpu.memref_slice %arg2[%run_scoped3A_1184, %run_scoped3A_1185, %mul3A_2] : memref<12x2x2048xi32, #tpu.memory_space<hbm>> -> memref<1x1x64xi32, #tpu.memory_space<hbm>>
      %dma_start3A_1229 = tpu.memref_squeeze %dma_start3A_1228 : memref<1x1x64xi32, #tpu.memory_space<hbm>> -> memref<64xi32, #tpu.memory_space<hbm>>
      %dma_start3A_1230 = tpu.memref_slice %arg2[%run_scoped3A_1184, %run_scoped3A_1185, %mul3A_2] : memref<12x2x2048xi32, #tpu.memory_space<hbm>> -> memref<1x1x64xi32, #tpu.memory_space<hbm>>
      %dma_start3A_1231 = tpu.memref_squeeze %dma_start3A_1230 : memref<1x1x64xi32, #tpu.memory_space<hbm>> -> memref<64xi32, #tpu.memory_space<hbm>>
      %dma_start3A_1232 = arith.constant 0 : i32
      %dma_start3A_1233 = tpu.memref_slice %arg3[%run_scoped3A_1183, %dma_start3A_1232] : memref<24x64xi32, #tpu.memory_space<vmem>> -> memref<1x64xi32, #tpu.memory_space<vmem>>
      %dma_start3A_1234 = tpu.memref_squeeze %dma_start3A_1233 : memref<1x64xi32, #tpu.memory_space<vmem>> -> memref<64xi32, #tpu.memory_space<vmem>>
      tpu.enqueue_dma source(%dma_start3A_1234 : memref<64xi32, #tpu.memory_space<vmem>>) target(%dma_start3A_1231 : memref<64xi32, #tpu.memory_space<hbm>>) target_semaphore(%run_scoped3A_1225 : memref<!tpu.dma_semaphore, #tpu.memory_space<semaphore_mem>>)
      %dma_wait3A = arith.constant 0 : i32
      %dma_wait3A_1235 = tpu.memref_slice %arg3[%run_scoped3A_1183, %dma_wait3A] : memref<24x64xi32, #tpu.memory_space<vmem>> -> memref<1x64xi32, #tpu.memory_space<vmem>>
      %dma_wait3A_1236 = tpu.memref_squeeze %dma_wait3A_1235 : memref<1x64xi32, #tpu.memory_space<vmem>> -> memref<64xi32, #tpu.memory_space<vmem>>
      %dma_wait3A_1237 = tpu.memref_slice %arg2[%run_scoped3A_1184, %run_scoped3A_1185, %mul3A_2] : memref<12x2x2048xi32, #tpu.memory_space<hbm>> -> memref<1x1x64xi32, #tpu.memory_space<hbm>>
      %dma_wait3A_1238 = tpu.memref_squeeze %dma_wait3A_1237 : memref<1x1x64xi32, #tpu.memory_space<hbm>> -> memref<64xi32, #tpu.memory_space<hbm>>
      %dma_wait3A_1239 = tpu.memref_slice %arg2[%run_scoped3A_1184, %run_scoped3A_1185, %mul3A_2] : memref<12x2x2048xi32, #tpu.memory_space<hbm>> -> memref<1x1x64xi32, #tpu.memory_space<hbm>>
      %dma_wait3A_1240 = tpu.memref_squeeze %dma_wait3A_1239 : memref<1x1x64xi32, #tpu.memory_space<hbm>> -> memref<64xi32, #tpu.memory_space<hbm>>
      %dma_wait3A_1241 = arith.constant 0 : i32
      %dma_wait3A_1242 = tpu.memref_slice %arg3[%run_scoped3A_1183, %dma_wait3A_1241] : memref<24x64xi32, #tpu.memory_space<vmem>> -> memref<1x64xi32, #tpu.memory_space<vmem>>
      %dma_wait3A_1243 = tpu.memref_squeeze %dma_wait3A_1242 : memref<1x64xi32, #tpu.memory_space<vmem>> -> memref<64xi32, #tpu.memory_space<vmem>>
      tpu.wait_dma2 semaphore(%run_scoped3A_1225 : memref<!tpu.dma_semaphore, #tpu.memory_space<semaphore_mem>>) src(%dma_wait3A_1243 : memref<64xi32, #tpu.memory_space<vmem>>) dst(%dma_wait3A_1240 : memref<64xi32, #tpu.memory_space<hbm>>)
      tpu.yield
    }) : () -> ()
    %run_scoped3A_1186 = arith.constant 11 : i32
    %run_scoped3A_1187 = arith.constant 5 : i32
    %run_scoped3A_1188 = arith.constant 1 : i32
    "tpu.region"() ({
      %run_scoped3A_1225 = tpu.sem_alloc : memref<!tpu.dma_semaphore, #tpu.memory_space<semaphore_mem>>
      %dma_start3A = arith.constant 0 : i32
      %dma_start3A_1226 = tpu.memref_slice %arg3[%run_scoped3A_1186, %dma_start3A] : memref<24x64xi32, #tpu.memory_space<vmem>> -> memref<1x64xi32, #tpu.memory_space<vmem>>
      %dma_start3A_1227 = tpu.memref_squeeze %dma_start3A_1226 : memref<1x64xi32, #tpu.memory_space<vmem>> -> memref<64xi32, #tpu.memory_space<vmem>>
      %dma_start3A_1228 = tpu.memref_slice %arg2[%run_scoped3A_1187, %run_scoped3A_1188, %mul3A_2] : memref<12x2x2048xi32, #tpu.memory_space<hbm>> -> memref<1x1x64xi32, #tpu.memory_space<hbm>>
      %dma_start3A_1229 = tpu.memref_squeeze %dma_start3A_1228 : memref<1x1x64xi32, #tpu.memory_space<hbm>> -> memref<64xi32, #tpu.memory_space<hbm>>
      %dma_start3A_1230 = tpu.memref_slice %arg2[%run_scoped3A_1187, %run_scoped3A_1188, %mul3A_2] : memref<12x2x2048xi32, #tpu.memory_space<hbm>> -> memref<1x1x64xi32, #tpu.memory_space<hbm>>
      %dma_start3A_1231 = tpu.memref_squeeze %dma_start3A_1230 : memref<1x1x64xi32, #tpu.memory_space<hbm>> -> memref<64xi32, #tpu.memory_space<hbm>>
      %dma_start3A_1232 = arith.constant 0 : i32
      %dma_start3A_1233 = tpu.memref_slice %arg3[%run_scoped3A_1186, %dma_start3A_1232] : memref<24x64xi32, #tpu.memory_space<vmem>> -> memref<1x64xi32, #tpu.memory_space<vmem>>
      %dma_start3A_1234 = tpu.memref_squeeze %dma_start3A_1233 : memref<1x64xi32, #tpu.memory_space<vmem>> -> memref<64xi32, #tpu.memory_space<vmem>>
      tpu.enqueue_dma source(%dma_start3A_1234 : memref<64xi32, #tpu.memory_space<vmem>>) target(%dma_start3A_1231 : memref<64xi32, #tpu.memory_space<hbm>>) target_semaphore(%run_scoped3A_1225 : memref<!tpu.dma_semaphore, #tpu.memory_space<semaphore_mem>>)
      %dma_wait3A = arith.constant 0 : i32
      %dma_wait3A_1235 = tpu.memref_slice %arg3[%run_scoped3A_1186, %dma_wait3A] : memref<24x64xi32, #tpu.memory_space<vmem>> -> memref<1x64xi32, #tpu.memory_space<vmem>>
      %dma_wait3A_1236 = tpu.memref_squeeze %dma_wait3A_1235 : memref<1x64xi32, #tpu.memory_space<vmem>> -> memref<64xi32, #tpu.memory_space<vmem>>
      %dma_wait3A_1237 = tpu.memref_slice %arg2[%run_scoped3A_1187, %run_scoped3A_1188, %mul3A_2] : memref<12x2x2048xi32, #tpu.memory_space<hbm>> -> memref<1x1x64xi32, #tpu.memory_space<hbm>>
      %dma_wait3A_1238 = tpu.memref_squeeze %dma_wait3A_1237 : memref<1x1x64xi32, #tpu.memory_space<hbm>> -> memref<64xi32, #tpu.memory_space<hbm>>
      %dma_wait3A_1239 = tpu.memref_slice %arg2[%run_scoped3A_1187, %run_scoped3A_1188, %mul3A_2] : memref<12x2x2048xi32, #tpu.memory_space<hbm>> -> memref<1x1x64xi32, #tpu.memory_space<hbm>>
      %dma_wait3A_1240 = tpu.memref_squeeze %dma_wait3A_1239 : memref<1x1x64xi32, #tpu.memory_space<hbm>> -> memref<64xi32, #tpu.memory_space<hbm>>
      %dma_wait3A_1241 = arith.constant 0 : i32
      %dma_wait3A_1242 = tpu.memref_slice %arg3[%run_scoped3A_1186, %dma_wait3A_1241] : memref<24x64xi32, #tpu.memory_space<vmem>> -> memref<1x64xi32, #tpu.memory_space<vmem>>
      %dma_wait3A_1243 = tpu.memref_squeeze %dma_wait3A_1242 : memref<1x64xi32, #tpu.memory_space<vmem>> -> memref<64xi32, #tpu.memory_space<vmem>>
      tpu.wait_dma2 semaphore(%run_scoped3A_1225 : memref<!tpu.dma_semaphore, #tpu.memory_space<semaphore_mem>>) src(%dma_wait3A_1243 : memref<64xi32, #tpu.memory_space<vmem>>) dst(%dma_wait3A_1240 : memref<64xi32, #tpu.memory_space<hbm>>)
      tpu.yield
    }) : () -> ()
    %run_scoped3A_1189 = arith.constant 12 : i32
    %run_scoped3A_1190 = arith.constant 6 : i32
    %run_scoped3A_1191 = arith.constant 0 : i32
    "tpu.region"() ({
      %run_scoped3A_1225 = tpu.sem_alloc : memref<!tpu.dma_semaphore, #tpu.memory_space<semaphore_mem>>
      %dma_start3A = arith.constant 0 : i32
      %dma_start3A_1226 = tpu.memref_slice %arg3[%run_scoped3A_1189, %dma_start3A] : memref<24x64xi32, #tpu.memory_space<vmem>> -> memref<1x64xi32, #tpu.memory_space<vmem>>
      %dma_start3A_1227 = tpu.memref_squeeze %dma_start3A_1226 : memref<1x64xi32, #tpu.memory_space<vmem>> -> memref<64xi32, #tpu.memory_space<vmem>>
      %dma_start3A_1228 = tpu.memref_slice %arg2[%run_scoped3A_1190, %run_scoped3A_1191, %mul3A_2] : memref<12x2x2048xi32, #tpu.memory_space<hbm>> -> memref<1x1x64xi32, #tpu.memory_space<hbm>>
      %dma_start3A_1229 = tpu.memref_squeeze %dma_start3A_1228 : memref<1x1x64xi32, #tpu.memory_space<hbm>> -> memref<64xi32, #tpu.memory_space<hbm>>
      %dma_start3A_1230 = tpu.memref_slice %arg2[%run_scoped3A_1190, %run_scoped3A_1191, %mul3A_2] : memref<12x2x2048xi32, #tpu.memory_space<hbm>> -> memref<1x1x64xi32, #tpu.memory_space<hbm>>
      %dma_start3A_1231 = tpu.memref_squeeze %dma_start3A_1230 : memref<1x1x64xi32, #tpu.memory_space<hbm>> -> memref<64xi32, #tpu.memory_space<hbm>>
      %dma_start3A_1232 = arith.constant 0 : i32
      %dma_start3A_1233 = tpu.memref_slice %arg3[%run_scoped3A_1189, %dma_start3A_1232] : memref<24x64xi32, #tpu.memory_space<vmem>> -> memref<1x64xi32, #tpu.memory_space<vmem>>
      %dma_start3A_1234 = tpu.memref_squeeze %dma_start3A_1233 : memref<1x64xi32, #tpu.memory_space<vmem>> -> memref<64xi32, #tpu.memory_space<vmem>>
      tpu.enqueue_dma source(%dma_start3A_1234 : memref<64xi32, #tpu.memory_space<vmem>>) target(%dma_start3A_1231 : memref<64xi32, #tpu.memory_space<hbm>>) target_semaphore(%run_scoped3A_1225 : memref<!tpu.dma_semaphore, #tpu.memory_space<semaphore_mem>>)
      %dma_wait3A = arith.constant 0 : i32
      %dma_wait3A_1235 = tpu.memref_slice %arg3[%run_scoped3A_1189, %dma_wait3A] : memref<24x64xi32, #tpu.memory_space<vmem>> -> memref<1x64xi32, #tpu.memory_space<vmem>>
      %dma_wait3A_1236 = tpu.memref_squeeze %dma_wait3A_1235 : memref<1x64xi32, #tpu.memory_space<vmem>> -> memref<64xi32, #tpu.memory_space<vmem>>
      %dma_wait3A_1237 = tpu.memref_slice %arg2[%run_scoped3A_1190, %run_scoped3A_1191, %mul3A_2] : memref<12x2x2048xi32, #tpu.memory_space<hbm>> -> memref<1x1x64xi32, #tpu.memory_space<hbm>>
      %dma_wait3A_1238 = tpu.memref_squeeze %dma_wait3A_1237 : memref<1x1x64xi32, #tpu.memory_space<hbm>> -> memref<64xi32, #tpu.memory_space<hbm>>
      %dma_wait3A_1239 = tpu.memref_slice %arg2[%run_scoped3A_1190, %run_scoped3A_1191, %mul3A_2] : memref<12x2x2048xi32, #tpu.memory_space<hbm>> -> memref<1x1x64xi32, #tpu.memory_space<hbm>>
      %dma_wait3A_1240 = tpu.memref_squeeze %dma_wait3A_1239 : memref<1x1x64xi32, #tpu.memory_space<hbm>> -> memref<64xi32, #tpu.memory_space<hbm>>
      %dma_wait3A_1241 = arith.constant 0 : i32
      %dma_wait3A_1242 = tpu.memref_slice %arg3[%run_scoped3A_1189, %dma_wait3A_1241] : memref<24x64xi32, #tpu.memory_space<vmem>> -> memref<1x64xi32, #tpu.memory_space<vmem>>
      %dma_wait3A_1243 = tpu.memref_squeeze %dma_wait3A_1242 : memref<1x64xi32, #tpu.memory_space<vmem>> -> memref<64xi32, #tpu.memory_space<vmem>>
      tpu.wait_dma2 semaphore(%run_scoped3A_1225 : memref<!tpu.dma_semaphore, #tpu.memory_space<semaphore_mem>>) src(%dma_wait3A_1243 : memref<64xi32, #tpu.memory_space<vmem>>) dst(%dma_wait3A_1240 : memref<64xi32, #tpu.memory_space<hbm>>)
      tpu.yield
    }) : () -> ()
    %run_scoped3A_1192 = arith.constant 13 : i32
    %run_scoped3A_1193 = arith.constant 6 : i32
    %run_scoped3A_1194 = arith.constant 1 : i32
    "tpu.region"() ({
      %run_scoped3A_1225 = tpu.sem_alloc : memref<!tpu.dma_semaphore, #tpu.memory_space<semaphore_mem>>
      %dma_start3A = arith.constant 0 : i32
      %dma_start3A_1226 = tpu.memref_slice %arg3[%run_scoped3A_1192, %dma_start3A] : memref<24x64xi32, #tpu.memory_space<vmem>> -> memref<1x64xi32, #tpu.memory_space<vmem>>
      %dma_start3A_1227 = tpu.memref_squeeze %dma_start3A_1226 : memref<1x64xi32, #tpu.memory_space<vmem>> -> memref<64xi32, #tpu.memory_space<vmem>>
      %dma_start3A_1228 = tpu.memref_slice %arg2[%run_scoped3A_1193, %run_scoped3A_1194, %mul3A_2] : memref<12x2x2048xi32, #tpu.memory_space<hbm>> -> memref<1x1x64xi32, #tpu.memory_space<hbm>>
      %dma_start3A_1229 = tpu.memref_squeeze %dma_start3A_1228 : memref<1x1x64xi32, #tpu.memory_space<hbm>> -> memref<64xi32, #tpu.memory_space<hbm>>
      %dma_start3A_1230 = tpu.memref_slice %arg2[%run_scoped3A_1193, %run_scoped3A_1194, %mul3A_2] : memref<12x2x2048xi32, #tpu.memory_space<hbm>> -> memref<1x1x64xi32, #tpu.memory_space<hbm>>
      %dma_start3A_1231 = tpu.memref_squeeze %dma_start3A_1230 : memref<1x1x64xi32, #tpu.memory_space<hbm>> -> memref<64xi32, #tpu.memory_space<hbm>>
      %dma_start3A_1232 = arith.constant 0 : i32
      %dma_start3A_1233 = tpu.memref_slice %arg3[%run_scoped3A_1192, %dma_start3A_1232] : memref<24x64xi32, #tpu.memory_space<vmem>> -> memref<1x64xi32, #tpu.memory_space<vmem>>
      %dma_start3A_1234 = tpu.memref_squeeze %dma_start3A_1233 : memref<1x64xi32, #tpu.memory_space<vmem>> -> memref<64xi32, #tpu.memory_space<vmem>>
      tpu.enqueue_dma source(%dma_start3A_1234 : memref<64xi32, #tpu.memory_space<vmem>>) target(%dma_start3A_1231 : memref<64xi32, #tpu.memory_space<hbm>>) target_semaphore(%run_scoped3A_1225 : memref<!tpu.dma_semaphore, #tpu.memory_space<semaphore_mem>>)
      %dma_wait3A = arith.constant 0 : i32
      %dma_wait3A_1235 = tpu.memref_slice %arg3[%run_scoped3A_1192, %dma_wait3A] : memref<24x64xi32, #tpu.memory_space<vmem>> -> memref<1x64xi32, #tpu.memory_space<vmem>>
      %dma_wait3A_1236 = tpu.memref_squeeze %dma_wait3A_1235 : memref<1x64xi32, #tpu.memory_space<vmem>> -> memref<64xi32, #tpu.memory_space<vmem>>
      %dma_wait3A_1237 = tpu.memref_slice %arg2[%run_scoped3A_1193, %run_scoped3A_1194, %mul3A_2] : memref<12x2x2048xi32, #tpu.memory_space<hbm>> -> memref<1x1x64xi32, #tpu.memory_space<hbm>>
      %dma_wait3A_1238 = tpu.memref_squeeze %dma_wait3A_1237 : memref<1x1x64xi32, #tpu.memory_space<hbm>> -> memref<64xi32, #tpu.memory_space<hbm>>
      %dma_wait3A_1239 = tpu.memref_slice %arg2[%run_scoped3A_1193, %run_scoped3A_1194, %mul3A_2] : memref<12x2x2048xi32, #tpu.memory_space<hbm>> -> memref<1x1x64xi32, #tpu.memory_space<hbm>>
      %dma_wait3A_1240 = tpu.memref_squeeze %dma_wait3A_1239 : memref<1x1x64xi32, #tpu.memory_space<hbm>> -> memref<64xi32, #tpu.memory_space<hbm>>
      %dma_wait3A_1241 = arith.constant 0 : i32
      %dma_wait3A_1242 = tpu.memref_slice %arg3[%run_scoped3A_1192, %dma_wait3A_1241] : memref<24x64xi32, #tpu.memory_space<vmem>> -> memref<1x64xi32, #tpu.memory_space<vmem>>
      %dma_wait3A_1243 = tpu.memref_squeeze %dma_wait3A_1242 : memref<1x64xi32, #tpu.memory_space<vmem>> -> memref<64xi32, #tpu.memory_space<vmem>>
      tpu.wait_dma2 semaphore(%run_scoped3A_1225 : memref<!tpu.dma_semaphore, #tpu.memory_space<semaphore_mem>>) src(%dma_wait3A_1243 : memref<64xi32, #tpu.memory_space<vmem>>) dst(%dma_wait3A_1240 : memref<64xi32, #tpu.memory_space<hbm>>)
      tpu.yield
    }) : () -> ()
    %run_scoped3A_1195 = arith.constant 14 : i32
    %run_scoped3A_1196 = arith.constant 7 : i32
    %run_scoped3A_1197 = arith.constant 0 : i32
    "tpu.region"() ({
      %run_scoped3A_1225 = tpu.sem_alloc : memref<!tpu.dma_semaphore, #tpu.memory_space<semaphore_mem>>
      %dma_start3A = arith.constant 0 : i32
      %dma_start3A_1226 = tpu.memref_slice %arg3[%run_scoped3A_1195, %dma_start3A] : memref<24x64xi32, #tpu.memory_space<vmem>> -> memref<1x64xi32, #tpu.memory_space<vmem>>
      %dma_start3A_1227 = tpu.memref_squeeze %dma_start3A_1226 : memref<1x64xi32, #tpu.memory_space<vmem>> -> memref<64xi32, #tpu.memory_space<vmem>>
      %dma_start3A_1228 = tpu.memref_slice %arg2[%run_scoped3A_1196, %run_scoped3A_1197, %mul3A_2] : memref<12x2x2048xi32, #tpu.memory_space<hbm>> -> memref<1x1x64xi32, #tpu.memory_space<hbm>>
      %dma_start3A_1229 = tpu.memref_squeeze %dma_start3A_1228 : memref<1x1x64xi32, #tpu.memory_space<hbm>> -> memref<64xi32, #tpu.memory_space<hbm>>
      %dma_start3A_1230 = tpu.memref_slice %arg2[%run_scoped3A_1196, %run_scoped3A_1197, %mul3A_2] : memref<12x2x2048xi32, #tpu.memory_space<hbm>> -> memref<1x1x64xi32, #tpu.memory_space<hbm>>
      %dma_start3A_1231 = tpu.memref_squeeze %dma_start3A_1230 : memref<1x1x64xi32, #tpu.memory_space<hbm>> -> memref<64xi32, #tpu.memory_space<hbm>>
      %dma_start3A_1232 = arith.constant 0 : i32
      %dma_start3A_1233 = tpu.memref_slice %arg3[%run_scoped3A_1195, %dma_start3A_1232] : memref<24x64xi32, #tpu.memory_space<vmem>> -> memref<1x64xi32, #tpu.memory_space<vmem>>
      %dma_start3A_1234 = tpu.memref_squeeze %dma_start3A_1233 : memref<1x64xi32, #tpu.memory_space<vmem>> -> memref<64xi32, #tpu.memory_space<vmem>>
      tpu.enqueue_dma source(%dma_start3A_1234 : memref<64xi32, #tpu.memory_space<vmem>>) target(%dma_start3A_1231 : memref<64xi32, #tpu.memory_space<hbm>>) target_semaphore(%run_scoped3A_1225 : memref<!tpu.dma_semaphore, #tpu.memory_space<semaphore_mem>>)
      %dma_wait3A = arith.constant 0 : i32
      %dma_wait3A_1235 = tpu.memref_slice %arg3[%run_scoped3A_1195, %dma_wait3A] : memref<24x64xi32, #tpu.memory_space<vmem>> -> memref<1x64xi32, #tpu.memory_space<vmem>>
      %dma_wait3A_1236 = tpu.memref_squeeze %dma_wait3A_1235 : memref<1x64xi32, #tpu.memory_space<vmem>> -> memref<64xi32, #tpu.memory_space<vmem>>
      %dma_wait3A_1237 = tpu.memref_slice %arg2[%run_scoped3A_1196, %run_scoped3A_1197, %mul3A_2] : memref<12x2x2048xi32, #tpu.memory_space<hbm>> -> memref<1x1x64xi32, #tpu.memory_space<hbm>>
      %dma_wait3A_1238 = tpu.memref_squeeze %dma_wait3A_1237 : memref<1x1x64xi32, #tpu.memory_space<hbm>> -> memref<64xi32, #tpu.memory_space<hbm>>
      %dma_wait3A_1239 = tpu.memref_slice %arg2[%run_scoped3A_1196, %run_scoped3A_1197, %mul3A_2] : memref<12x2x2048xi32, #tpu.memory_space<hbm>> -> memref<1x1x64xi32, #tpu.memory_space<hbm>>
      %dma_wait3A_1240 = tpu.memref_squeeze %dma_wait3A_1239 : memref<1x1x64xi32, #tpu.memory_space<hbm>> -> memref<64xi32, #tpu.memory_space<hbm>>
      %dma_wait3A_1241 = arith.constant 0 : i32
      %dma_wait3A_1242 = tpu.memref_slice %arg3[%run_scoped3A_1195, %dma_wait3A_1241] : memref<24x64xi32, #tpu.memory_space<vmem>> -> memref<1x64xi32, #tpu.memory_space<vmem>>
      %dma_wait3A_1243 = tpu.memref_squeeze %dma_wait3A_1242 : memref<1x64xi32, #tpu.memory_space<vmem>> -> memref<64xi32, #tpu.memory_space<vmem>>
      tpu.wait_dma2 semaphore(%run_scoped3A_1225 : memref<!tpu.dma_semaphore, #tpu.memory_space<semaphore_mem>>) src(%dma_wait3A_1243 : memref<64xi32, #tpu.memory_space<vmem>>) dst(%dma_wait3A_1240 : memref<64xi32, #tpu.memory_space<hbm>>)
      tpu.yield
    }) : () -> ()
    %run_scoped3A_1198 = arith.constant 15 : i32
    %run_scoped3A_1199 = arith.constant 7 : i32
    %run_scoped3A_1200 = arith.constant 1 : i32
    "tpu.region"() ({
      %run_scoped3A_1225 = tpu.sem_alloc : memref<!tpu.dma_semaphore, #tpu.memory_space<semaphore_mem>>
      %dma_start3A = arith.constant 0 : i32
      %dma_start3A_1226 = tpu.memref_slice %arg3[%run_scoped3A_1198, %dma_start3A] : memref<24x64xi32, #tpu.memory_space<vmem>> -> memref<1x64xi32, #tpu.memory_space<vmem>>
      %dma_start3A_1227 = tpu.memref_squeeze %dma_start3A_1226 : memref<1x64xi32, #tpu.memory_space<vmem>> -> memref<64xi32, #tpu.memory_space<vmem>>
      %dma_start3A_1228 = tpu.memref_slice %arg2[%run_scoped3A_1199, %run_scoped3A_1200, %mul3A_2] : memref<12x2x2048xi32, #tpu.memory_space<hbm>> -> memref<1x1x64xi32, #tpu.memory_space<hbm>>
      %dma_start3A_1229 = tpu.memref_squeeze %dma_start3A_1228 : memref<1x1x64xi32, #tpu.memory_space<hbm>> -> memref<64xi32, #tpu.memory_space<hbm>>
      %dma_start3A_1230 = tpu.memref_slice %arg2[%run_scoped3A_1199, %run_scoped3A_1200, %mul3A_2] : memref<12x2x2048xi32, #tpu.memory_space<hbm>> -> memref<1x1x64xi32, #tpu.memory_space<hbm>>
      %dma_start3A_1231 = tpu.memref_squeeze %dma_start3A_1230 : memref<1x1x64xi32, #tpu.memory_space<hbm>> -> memref<64xi32, #tpu.memory_space<hbm>>
      %dma_start3A_1232 = arith.constant 0 : i32
      %dma_start3A_1233 = tpu.memref_slice %arg3[%run_scoped3A_1198, %dma_start3A_1232] : memref<24x64xi32, #tpu.memory_space<vmem>> -> memref<1x64xi32, #tpu.memory_space<vmem>>
      %dma_start3A_1234 = tpu.memref_squeeze %dma_start3A_1233 : memref<1x64xi32, #tpu.memory_space<vmem>> -> memref<64xi32, #tpu.memory_space<vmem>>
      tpu.enqueue_dma source(%dma_start3A_1234 : memref<64xi32, #tpu.memory_space<vmem>>) target(%dma_start3A_1231 : memref<64xi32, #tpu.memory_space<hbm>>) target_semaphore(%run_scoped3A_1225 : memref<!tpu.dma_semaphore, #tpu.memory_space<semaphore_mem>>)
      %dma_wait3A = arith.constant 0 : i32
      %dma_wait3A_1235 = tpu.memref_slice %arg3[%run_scoped3A_1198, %dma_wait3A] : memref<24x64xi32, #tpu.memory_space<vmem>> -> memref<1x64xi32, #tpu.memory_space<vmem>>
      %dma_wait3A_1236 = tpu.memref_squeeze %dma_wait3A_1235 : memref<1x64xi32, #tpu.memory_space<vmem>> -> memref<64xi32, #tpu.memory_space<vmem>>
      %dma_wait3A_1237 = tpu.memref_slice %arg2[%run_scoped3A_1199, %run_scoped3A_1200, %mul3A_2] : memref<12x2x2048xi32, #tpu.memory_space<hbm>> -> memref<1x1x64xi32, #tpu.memory_space<hbm>>
      %dma_wait3A_1238 = tpu.memref_squeeze %dma_wait3A_1237 : memref<1x1x64xi32, #tpu.memory_space<hbm>> -> memref<64xi32, #tpu.memory_space<hbm>>
      %dma_wait3A_1239 = tpu.memref_slice %arg2[%run_scoped3A_1199, %run_scoped3A_1200, %mul3A_2] : memref<12x2x2048xi32, #tpu.memory_space<hbm>> -> memref<1x1x64xi32, #tpu.memory_space<hbm>>
      %dma_wait3A_1240 = tpu.memref_squeeze %dma_wait3A_1239 : memref<1x1x64xi32, #tpu.memory_space<hbm>> -> memref<64xi32, #tpu.memory_space<hbm>>
      %dma_wait3A_1241 = arith.constant 0 : i32
      %dma_wait3A_1242 = tpu.memref_slice %arg3[%run_scoped3A_1198, %dma_wait3A_1241] : memref<24x64xi32, #tpu.memory_space<vmem>> -> memref<1x64xi32, #tpu.memory_space<vmem>>
      %dma_wait3A_1243 = tpu.memref_squeeze %dma_wait3A_1242 : memref<1x64xi32, #tpu.memory_space<vmem>> -> memref<64xi32, #tpu.memory_space<vmem>>
      tpu.wait_dma2 semaphore(%run_scoped3A_1225 : memref<!tpu.dma_semaphore, #tpu.memory_space<semaphore_mem>>) src(%dma_wait3A_1243 : memref<64xi32, #tpu.memory_space<vmem>>) dst(%dma_wait3A_1240 : memref<64xi32, #tpu.memory_space<hbm>>)
      tpu.yield
    }) : () -> ()
    %run_scoped3A_1201 = arith.constant 16 : i32
    %run_scoped3A_1202 = arith.constant 8 : i32
    %run_scoped3A_1203 = arith.constant 0 : i32
    "tpu.region"() ({
      %run_scoped3A_1225 = tpu.sem_alloc : memref<!tpu.dma_semaphore, #tpu.memory_space<semaphore_mem>>
      %dma_start3A = arith.constant 0 : i32
      %dma_start3A_1226 = tpu.memref_slice %arg3[%run_scoped3A_1201, %dma_start3A] : memref<24x64xi32, #tpu.memory_space<vmem>> -> memref<1x64xi32, #tpu.memory_space<vmem>>
      %dma_start3A_1227 = tpu.memref_squeeze %dma_start3A_1226 : memref<1x64xi32, #tpu.memory_space<vmem>> -> memref<64xi32, #tpu.memory_space<vmem>>
      %dma_start3A_1228 = tpu.memref_slice %arg2[%run_scoped3A_1202, %run_scoped3A_1203, %mul3A_2] : memref<12x2x2048xi32, #tpu.memory_space<hbm>> -> memref<1x1x64xi32, #tpu.memory_space<hbm>>
      %dma_start3A_1229 = tpu.memref_squeeze %dma_start3A_1228 : memref<1x1x64xi32, #tpu.memory_space<hbm>> -> memref<64xi32, #tpu.memory_space<hbm>>
      %dma_start3A_1230 = tpu.memref_slice %arg2[%run_scoped3A_1202, %run_scoped3A_1203, %mul3A_2] : memref<12x2x2048xi32, #tpu.memory_space<hbm>> -> memref<1x1x64xi32, #tpu.memory_space<hbm>>
      %dma_start3A_1231 = tpu.memref_squeeze %dma_start3A_1230 : memref<1x1x64xi32, #tpu.memory_space<hbm>> -> memref<64xi32, #tpu.memory_space<hbm>>
      %dma_start3A_1232 = arith.constant 0 : i32
      %dma_start3A_1233 = tpu.memref_slice %arg3[%run_scoped3A_1201, %dma_start3A_1232] : memref<24x64xi32, #tpu.memory_space<vmem>> -> memref<1x64xi32, #tpu.memory_space<vmem>>
      %dma_start3A_1234 = tpu.memref_squeeze %dma_start3A_1233 : memref<1x64xi32, #tpu.memory_space<vmem>> -> memref<64xi32, #tpu.memory_space<vmem>>
      tpu.enqueue_dma source(%dma_start3A_1234 : memref<64xi32, #tpu.memory_space<vmem>>) target(%dma_start3A_1231 : memref<64xi32, #tpu.memory_space<hbm>>) target_semaphore(%run_scoped3A_1225 : memref<!tpu.dma_semaphore, #tpu.memory_space<semaphore_mem>>)
      %dma_wait3A = arith.constant 0 : i32
      %dma_wait3A_1235 = tpu.memref_slice %arg3[%run_scoped3A_1201, %dma_wait3A] : memref<24x64xi32, #tpu.memory_space<vmem>> -> memref<1x64xi32, #tpu.memory_space<vmem>>
      %dma_wait3A_1236 = tpu.memref_squeeze %dma_wait3A_1235 : memref<1x64xi32, #tpu.memory_space<vmem>> -> memref<64xi32, #tpu.memory_space<vmem>>
      %dma_wait3A_1237 = tpu.memref_slice %arg2[%run_scoped3A_1202, %run_scoped3A_1203, %mul3A_2] : memref<12x2x2048xi32, #tpu.memory_space<hbm>> -> memref<1x1x64xi32, #tpu.memory_space<hbm>>
      %dma_wait3A_1238 = tpu.memref_squeeze %dma_wait3A_1237 : memref<1x1x64xi32, #tpu.memory_space<hbm>> -> memref<64xi32, #tpu.memory_space<hbm>>
      %dma_wait3A_1239 = tpu.memref_slice %arg2[%run_scoped3A_1202, %run_scoped3A_1203, %mul3A_2] : memref<12x2x2048xi32, #tpu.memory_space<hbm>> -> memref<1x1x64xi32, #tpu.memory_space<hbm>>
      %dma_wait3A_1240 = tpu.memref_squeeze %dma_wait3A_1239 : memref<1x1x64xi32, #tpu.memory_space<hbm>> -> memref<64xi32, #tpu.memory_space<hbm>>
      %dma_wait3A_1241 = arith.constant 0 : i32
      %dma_wait3A_1242 = tpu.memref_slice %arg3[%run_scoped3A_1201, %dma_wait3A_1241] : memref<24x64xi32, #tpu.memory_space<vmem>> -> memref<1x64xi32, #tpu.memory_space<vmem>>
      %dma_wait3A_1243 = tpu.memref_squeeze %dma_wait3A_1242 : memref<1x64xi32, #tpu.memory_space<vmem>> -> memref<64xi32, #tpu.memory_space<vmem>>
      tpu.wait_dma2 semaphore(%run_scoped3A_1225 : memref<!tpu.dma_semaphore, #tpu.memory_space<semaphore_mem>>) src(%dma_wait3A_1243 : memref<64xi32, #tpu.memory_space<vmem>>) dst(%dma_wait3A_1240 : memref<64xi32, #tpu.memory_space<hbm>>)
      tpu.yield
    }) : () -> ()
    %run_scoped3A_1204 = arith.constant 17 : i32
    %run_scoped3A_1205 = arith.constant 8 : i32
    %run_scoped3A_1206 = arith.constant 1 : i32
    "tpu.region"() ({
      %run_scoped3A_1225 = tpu.sem_alloc : memref<!tpu.dma_semaphore, #tpu.memory_space<semaphore_mem>>
      %dma_start3A = arith.constant 0 : i32
      %dma_start3A_1226 = tpu.memref_slice %arg3[%run_scoped3A_1204, %dma_start3A] : memref<24x64xi32, #tpu.memory_space<vmem>> -> memref<1x64xi32, #tpu.memory_space<vmem>>
      %dma_start3A_1227 = tpu.memref_squeeze %dma_start3A_1226 : memref<1x64xi32, #tpu.memory_space<vmem>> -> memref<64xi32, #tpu.memory_space<vmem>>
      %dma_start3A_1228 = tpu.memref_slice %arg2[%run_scoped3A_1205, %run_scoped3A_1206, %mul3A_2] : memref<12x2x2048xi32, #tpu.memory_space<hbm>> -> memref<1x1x64xi32, #tpu.memory_space<hbm>>
      %dma_start3A_1229 = tpu.memref_squeeze %dma_start3A_1228 : memref<1x1x64xi32, #tpu.memory_space<hbm>> -> memref<64xi32, #tpu.memory_space<hbm>>
      %dma_start3A_1230 = tpu.memref_slice %arg2[%run_scoped3A_1205, %run_scoped3A_1206, %mul3A_2] : memref<12x2x2048xi32, #tpu.memory_space<hbm>> -> memref<1x1x64xi32, #tpu.memory_space<hbm>>
      %dma_start3A_1231 = tpu.memref_squeeze %dma_start3A_1230 : memref<1x1x64xi32, #tpu.memory_space<hbm>> -> memref<64xi32, #tpu.memory_space<hbm>>
      %dma_start3A_1232 = arith.constant 0 : i32
      %dma_start3A_1233 = tpu.memref_slice %arg3[%run_scoped3A_1204, %dma_start3A_1232] : memref<24x64xi32, #tpu.memory_space<vmem>> -> memref<1x64xi32, #tpu.memory_space<vmem>>
      %dma_start3A_1234 = tpu.memref_squeeze %dma_start3A_1233 : memref<1x64xi32, #tpu.memory_space<vmem>> -> memref<64xi32, #tpu.memory_space<vmem>>
      tpu.enqueue_dma source(%dma_start3A_1234 : memref<64xi32, #tpu.memory_space<vmem>>) target(%dma_start3A_1231 : memref<64xi32, #tpu.memory_space<hbm>>) target_semaphore(%run_scoped3A_1225 : memref<!tpu.dma_semaphore, #tpu.memory_space<semaphore_mem>>)
      %dma_wait3A = arith.constant 0 : i32
      %dma_wait3A_1235 = tpu.memref_slice %arg3[%run_scoped3A_1204, %dma_wait3A] : memref<24x64xi32, #tpu.memory_space<vmem>> -> memref<1x64xi32, #tpu.memory_space<vmem>>
      %dma_wait3A_1236 = tpu.memref_squeeze %dma_wait3A_1235 : memref<1x64xi32, #tpu.memory_space<vmem>> -> memref<64xi32, #tpu.memory_space<vmem>>
      %dma_wait3A_1237 = tpu.memref_slice %arg2[%run_scoped3A_1205, %run_scoped3A_1206, %mul3A_2] : memref<12x2x2048xi32, #tpu.memory_space<hbm>> -> memref<1x1x64xi32, #tpu.memory_space<hbm>>
      %dma_wait3A_1238 = tpu.memref_squeeze %dma_wait3A_1237 : memref<1x1x64xi32, #tpu.memory_space<hbm>> -> memref<64xi32, #tpu.memory_space<hbm>>
      %dma_wait3A_1239 = tpu.memref_slice %arg2[%run_scoped3A_1205, %run_scoped3A_1206, %mul3A_2] : memref<12x2x2048xi32, #tpu.memory_space<hbm>> -> memref<1x1x64xi32, #tpu.memory_space<hbm>>
      %dma_wait3A_1240 = tpu.memref_squeeze %dma_wait3A_1239 : memref<1x1x64xi32, #tpu.memory_space<hbm>> -> memref<64xi32, #tpu.memory_space<hbm>>
      %dma_wait3A_1241 = arith.constant 0 : i32
      %dma_wait3A_1242 = tpu.memref_slice %arg3[%run_scoped3A_1204, %dma_wait3A_1241] : memref<24x64xi32, #tpu.memory_space<vmem>> -> memref<1x64xi32, #tpu.memory_space<vmem>>
      %dma_wait3A_1243 = tpu.memref_squeeze %dma_wait3A_1242 : memref<1x64xi32, #tpu.memory_space<vmem>> -> memref<64xi32, #tpu.memory_space<vmem>>
      tpu.wait_dma2 semaphore(%run_scoped3A_1225 : memref<!tpu.dma_semaphore, #tpu.memory_space<semaphore_mem>>) src(%dma_wait3A_1243 : memref<64xi32, #tpu.memory_space<vmem>>) dst(%dma_wait3A_1240 : memref<64xi32, #tpu.memory_space<hbm>>)
      tpu.yield
    }) : () -> ()
    %run_scoped3A_1207 = arith.constant 18 : i32
    %run_scoped3A_1208 = arith.constant 9 : i32
    %run_scoped3A_1209 = arith.constant 0 : i32
    "tpu.region"() ({
      %run_scoped3A_1225 = tpu.sem_alloc : memref<!tpu.dma_semaphore, #tpu.memory_space<semaphore_mem>>
      %dma_start3A = arith.constant 0 : i32
      %dma_start3A_1226 = tpu.memref_slice %arg3[%run_scoped3A_1207, %dma_start3A] : memref<24x64xi32, #tpu.memory_space<vmem>> -> memref<1x64xi32, #tpu.memory_space<vmem>>
      %dma_start3A_1227 = tpu.memref_squeeze %dma_start3A_1226 : memref<1x64xi32, #tpu.memory_space<vmem>> -> memref<64xi32, #tpu.memory_space<vmem>>
      %dma_start3A_1228 = tpu.memref_slice %arg2[%run_scoped3A_1208, %run_scoped3A_1209, %mul3A_2] : memref<12x2x2048xi32, #tpu.memory_space<hbm>> -> memref<1x1x64xi32, #tpu.memory_space<hbm>>
      %dma_start3A_1229 = tpu.memref_squeeze %dma_start3A_1228 : memref<1x1x64xi32, #tpu.memory_space<hbm>> -> memref<64xi32, #tpu.memory_space<hbm>>
      %dma_start3A_1230 = tpu.memref_slice %arg2[%run_scoped3A_1208, %run_scoped3A_1209, %mul3A_2] : memref<12x2x2048xi32, #tpu.memory_space<hbm>> -> memref<1x1x64xi32, #tpu.memory_space<hbm>>
      %dma_start3A_1231 = tpu.memref_squeeze %dma_start3A_1230 : memref<1x1x64xi32, #tpu.memory_space<hbm>> -> memref<64xi32, #tpu.memory_space<hbm>>
      %dma_start3A_1232 = arith.constant 0 : i32
      %dma_start3A_1233 = tpu.memref_slice %arg3[%run_scoped3A_1207, %dma_start3A_1232] : memref<24x64xi32, #tpu.memory_space<vmem>> -> memref<1x64xi32, #tpu.memory_space<vmem>>
      %dma_start3A_1234 = tpu.memref_squeeze %dma_start3A_1233 : memref<1x64xi32, #tpu.memory_space<vmem>> -> memref<64xi32, #tpu.memory_space<vmem>>
      tpu.enqueue_dma source(%dma_start3A_1234 : memref<64xi32, #tpu.memory_space<vmem>>) target(%dma_start3A_1231 : memref<64xi32, #tpu.memory_space<hbm>>) target_semaphore(%run_scoped3A_1225 : memref<!tpu.dma_semaphore, #tpu.memory_space<semaphore_mem>>)
      %dma_wait3A = arith.constant 0 : i32
      %dma_wait3A_1235 = tpu.memref_slice %arg3[%run_scoped3A_1207, %dma_wait3A] : memref<24x64xi32, #tpu.memory_space<vmem>> -> memref<1x64xi32, #tpu.memory_space<vmem>>
      %dma_wait3A_1236 = tpu.memref_squeeze %dma_wait3A_1235 : memref<1x64xi32, #tpu.memory_space<vmem>> -> memref<64xi32, #tpu.memory_space<vmem>>
      %dma_wait3A_1237 = tpu.memref_slice %arg2[%run_scoped3A_1208, %run_scoped3A_1209, %mul3A_2] : memref<12x2x2048xi32, #tpu.memory_space<hbm>> -> memref<1x1x64xi32, #tpu.memory_space<hbm>>
      %dma_wait3A_1238 = tpu.memref_squeeze %dma_wait3A_1237 : memref<1x1x64xi32, #tpu.memory_space<hbm>> -> memref<64xi32, #tpu.memory_space<hbm>>
      %dma_wait3A_1239 = tpu.memref_slice %arg2[%run_scoped3A_1208, %run_scoped3A_1209, %mul3A_2] : memref<12x2x2048xi32, #tpu.memory_space<hbm>> -> memref<1x1x64xi32, #tpu.memory_space<hbm>>
      %dma_wait3A_1240 = tpu.memref_squeeze %dma_wait3A_1239 : memref<1x1x64xi32, #tpu.memory_space<hbm>> -> memref<64xi32, #tpu.memory_space<hbm>>
      %dma_wait3A_1241 = arith.constant 0 : i32
      %dma_wait3A_1242 = tpu.memref_slice %arg3[%run_scoped3A_1207, %dma_wait3A_1241] : memref<24x64xi32, #tpu.memory_space<vmem>> -> memref<1x64xi32, #tpu.memory_space<vmem>>
      %dma_wait3A_1243 = tpu.memref_squeeze %dma_wait3A_1242 : memref<1x64xi32, #tpu.memory_space<vmem>> -> memref<64xi32, #tpu.memory_space<vmem>>
      tpu.wait_dma2 semaphore(%run_scoped3A_1225 : memref<!tpu.dma_semaphore, #tpu.memory_space<semaphore_mem>>) src(%dma_wait3A_1243 : memref<64xi32, #tpu.memory_space<vmem>>) dst(%dma_wait3A_1240 : memref<64xi32, #tpu.memory_space<hbm>>)
      tpu.yield
    }) : () -> ()
    %run_scoped3A_1210 = arith.constant 19 : i32
    %run_scoped3A_1211 = arith.constant 9 : i32
    %run_scoped3A_1212 = arith.constant 1 : i32
    "tpu.region"() ({
      %run_scoped3A_1225 = tpu.sem_alloc : memref<!tpu.dma_semaphore, #tpu.memory_space<semaphore_mem>>
      %dma_start3A = arith.constant 0 : i32
      %dma_start3A_1226 = tpu.memref_slice %arg3[%run_scoped3A_1210, %dma_start3A] : memref<24x64xi32, #tpu.memory_space<vmem>> -> memref<1x64xi32, #tpu.memory_space<vmem>>
      %dma_start3A_1227 = tpu.memref_squeeze %dma_start3A_1226 : memref<1x64xi32, #tpu.memory_space<vmem>> -> memref<64xi32, #tpu.memory_space<vmem>>
      %dma_start3A_1228 = tpu.memref_slice %arg2[%run_scoped3A_1211, %run_scoped3A_1212, %mul3A_2] : memref<12x2x2048xi32, #tpu.memory_space<hbm>> -> memref<1x1x64xi32, #tpu.memory_space<hbm>>
      %dma_start3A_1229 = tpu.memref_squeeze %dma_start3A_1228 : memref<1x1x64xi32, #tpu.memory_space<hbm>> -> memref<64xi32, #tpu.memory_space<hbm>>
      %dma_start3A_1230 = tpu.memref_slice %arg2[%run_scoped3A_1211, %run_scoped3A_1212, %mul3A_2] : memref<12x2x2048xi32, #tpu.memory_space<hbm>> -> memref<1x1x64xi32, #tpu.memory_space<hbm>>
      %dma_start3A_1231 = tpu.memref_squeeze %dma_start3A_1230 : memref<1x1x64xi32, #tpu.memory_space<hbm>> -> memref<64xi32, #tpu.memory_space<hbm>>
      %dma_start3A_1232 = arith.constant 0 : i32
      %dma_start3A_1233 = tpu.memref_slice %arg3[%run_scoped3A_1210, %dma_start3A_1232] : memref<24x64xi32, #tpu.memory_space<vmem>> -> memref<1x64xi32, #tpu.memory_space<vmem>>
      %dma_start3A_1234 = tpu.memref_squeeze %dma_start3A_1233 : memref<1x64xi32, #tpu.memory_space<vmem>> -> memref<64xi32, #tpu.memory_space<vmem>>
      tpu.enqueue_dma source(%dma_start3A_1234 : memref<64xi32, #tpu.memory_space<vmem>>) target(%dma_start3A_1231 : memref<64xi32, #tpu.memory_space<hbm>>) target_semaphore(%run_scoped3A_1225 : memref<!tpu.dma_semaphore, #tpu.memory_space<semaphore_mem>>)
      %dma_wait3A = arith.constant 0 : i32
      %dma_wait3A_1235 = tpu.memref_slice %arg3[%run_scoped3A_1210, %dma_wait3A] : memref<24x64xi32, #tpu.memory_space<vmem>> -> memref<1x64xi32, #tpu.memory_space<vmem>>
      %dma_wait3A_1236 = tpu.memref_squeeze %dma_wait3A_1235 : memref<1x64xi32, #tpu.memory_space<vmem>> -> memref<64xi32, #tpu.memory_space<vmem>>
      %dma_wait3A_1237 = tpu.memref_slice %arg2[%run_scoped3A_1211, %run_scoped3A_1212, %mul3A_2] : memref<12x2x2048xi32, #tpu.memory_space<hbm>> -> memref<1x1x64xi32, #tpu.memory_space<hbm>>
      %dma_wait3A_1238 = tpu.memref_squeeze %dma_wait3A_1237 : memref<1x1x64xi32, #tpu.memory_space<hbm>> -> memref<64xi32, #tpu.memory_space<hbm>>
      %dma_wait3A_1239 = tpu.memref_slice %arg2[%run_scoped3A_1211, %run_scoped3A_1212, %mul3A_2] : memref<12x2x2048xi32, #tpu.memory_space<hbm>> -> memref<1x1x64xi32, #tpu.memory_space<hbm>>
      %dma_wait3A_1240 = tpu.memref_squeeze %dma_wait3A_1239 : memref<1x1x64xi32, #tpu.memory_space<hbm>> -> memref<64xi32, #tpu.memory_space<hbm>>
      %dma_wait3A_1241 = arith.constant 0 : i32
      %dma_wait3A_1242 = tpu.memref_slice %arg3[%run_scoped3A_1210, %dma_wait3A_1241] : memref<24x64xi32, #tpu.memory_space<vmem>> -> memref<1x64xi32, #tpu.memory_space<vmem>>
      %dma_wait3A_1243 = tpu.memref_squeeze %dma_wait3A_1242 : memref<1x64xi32, #tpu.memory_space<vmem>> -> memref<64xi32, #tpu.memory_space<vmem>>
      tpu.wait_dma2 semaphore(%run_scoped3A_1225 : memref<!tpu.dma_semaphore, #tpu.memory_space<semaphore_mem>>) src(%dma_wait3A_1243 : memref<64xi32, #tpu.memory_space<vmem>>) dst(%dma_wait3A_1240 : memref<64xi32, #tpu.memory_space<hbm>>)
      tpu.yield
    }) : () -> ()
    %run_scoped3A_1213 = arith.constant 20 : i32
    %run_scoped3A_1214 = arith.constant 10 : i32
    %run_scoped3A_1215 = arith.constant 0 : i32
    "tpu.region"() ({
      %run_scoped3A_1225 = tpu.sem_alloc : memref<!tpu.dma_semaphore, #tpu.memory_space<semaphore_mem>>
      %dma_start3A = arith.constant 0 : i32
      %dma_start3A_1226 = tpu.memref_slice %arg3[%run_scoped3A_1213, %dma_start3A] : memref<24x64xi32, #tpu.memory_space<vmem>> -> memref<1x64xi32, #tpu.memory_space<vmem>>
      %dma_start3A_1227 = tpu.memref_squeeze %dma_start3A_1226 : memref<1x64xi32, #tpu.memory_space<vmem>> -> memref<64xi32, #tpu.memory_space<vmem>>
      %dma_start3A_1228 = tpu.memref_slice %arg2[%run_scoped3A_1214, %run_scoped3A_1215, %mul3A_2] : memref<12x2x2048xi32, #tpu.memory_space<hbm>> -> memref<1x1x64xi32, #tpu.memory_space<hbm>>
      %dma_start3A_1229 = tpu.memref_squeeze %dma_start3A_1228 : memref<1x1x64xi32, #tpu.memory_space<hbm>> -> memref<64xi32, #tpu.memory_space<hbm>>
      %dma_start3A_1230 = tpu.memref_slice %arg2[%run_scoped3A_1214, %run_scoped3A_1215, %mul3A_2] : memref<12x2x2048xi32, #tpu.memory_space<hbm>> -> memref<1x1x64xi32, #tpu.memory_space<hbm>>
      %dma_start3A_1231 = tpu.memref_squeeze %dma_start3A_1230 : memref<1x1x64xi32, #tpu.memory_space<hbm>> -> memref<64xi32, #tpu.memory_space<hbm>>
      %dma_start3A_1232 = arith.constant 0 : i32
      %dma_start3A_1233 = tpu.memref_slice %arg3[%run_scoped3A_1213, %dma_start3A_1232] : memref<24x64xi32, #tpu.memory_space<vmem>> -> memref<1x64xi32, #tpu.memory_space<vmem>>
      %dma_start3A_1234 = tpu.memref_squeeze %dma_start3A_1233 : memref<1x64xi32, #tpu.memory_space<vmem>> -> memref<64xi32, #tpu.memory_space<vmem>>
      tpu.enqueue_dma source(%dma_start3A_1234 : memref<64xi32, #tpu.memory_space<vmem>>) target(%dma_start3A_1231 : memref<64xi32, #tpu.memory_space<hbm>>) target_semaphore(%run_scoped3A_1225 : memref<!tpu.dma_semaphore, #tpu.memory_space<semaphore_mem>>)
      %dma_wait3A = arith.constant 0 : i32
      %dma_wait3A_1235 = tpu.memref_slice %arg3[%run_scoped3A_1213, %dma_wait3A] : memref<24x64xi32, #tpu.memory_space<vmem>> -> memref<1x64xi32, #tpu.memory_space<vmem>>
      %dma_wait3A_1236 = tpu.memref_squeeze %dma_wait3A_1235 : memref<1x64xi32, #tpu.memory_space<vmem>> -> memref<64xi32, #tpu.memory_space<vmem>>
      %dma_wait3A_1237 = tpu.memref_slice %arg2[%run_scoped3A_1214, %run_scoped3A_1215, %mul3A_2] : memref<12x2x2048xi32, #tpu.memory_space<hbm>> -> memref<1x1x64xi32, #tpu.memory_space<hbm>>
      %dma_wait3A_1238 = tpu.memref_squeeze %dma_wait3A_1237 : memref<1x1x64xi32, #tpu.memory_space<hbm>> -> memref<64xi32, #tpu.memory_space<hbm>>
      %dma_wait3A_1239 = tpu.memref_slice %arg2[%run_scoped3A_1214, %run_scoped3A_1215, %mul3A_2] : memref<12x2x2048xi32, #tpu.memory_space<hbm>> -> memref<1x1x64xi32, #tpu.memory_space<hbm>>
      %dma_wait3A_1240 = tpu.memref_squeeze %dma_wait3A_1239 : memref<1x1x64xi32, #tpu.memory_space<hbm>> -> memref<64xi32, #tpu.memory_space<hbm>>
      %dma_wait3A_1241 = arith.constant 0 : i32
      %dma_wait3A_1242 = tpu.memref_slice %arg3[%run_scoped3A_1213, %dma_wait3A_1241] : memref<24x64xi32, #tpu.memory_space<vmem>> -> memref<1x64xi32, #tpu.memory_space<vmem>>
      %dma_wait3A_1243 = tpu.memref_squeeze %dma_wait3A_1242 : memref<1x64xi32, #tpu.memory_space<vmem>> -> memref<64xi32, #tpu.memory_space<vmem>>
      tpu.wait_dma2 semaphore(%run_scoped3A_1225 : memref<!tpu.dma_semaphore, #tpu.memory_space<semaphore_mem>>) src(%dma_wait3A_1243 : memref<64xi32, #tpu.memory_space<vmem>>) dst(%dma_wait3A_1240 : memref<64xi32, #tpu.memory_space<hbm>>)
      tpu.yield
    }) : () -> ()
    %run_scoped3A_1216 = arith.constant 21 : i32
    %run_scoped3A_1217 = arith.constant 10 : i32
    %run_scoped3A_1218 = arith.constant 1 : i32
    "tpu.region"() ({
      %run_scoped3A_1225 = tpu.sem_alloc : memref<!tpu.dma_semaphore, #tpu.memory_space<semaphore_mem>>
      %dma_start3A = arith.constant 0 : i32
      %dma_start3A_1226 = tpu.memref_slice %arg3[%run_scoped3A_1216, %dma_start3A] : memref<24x64xi32, #tpu.memory_space<vmem>> -> memref<1x64xi32, #tpu.memory_space<vmem>>
      %dma_start3A_1227 = tpu.memref_squeeze %dma_start3A_1226 : memref<1x64xi32, #tpu.memory_space<vmem>> -> memref<64xi32, #tpu.memory_space<vmem>>
      %dma_start3A_1228 = tpu.memref_slice %arg2[%run_scoped3A_1217, %run_scoped3A_1218, %mul3A_2] : memref<12x2x2048xi32, #tpu.memory_space<hbm>> -> memref<1x1x64xi32, #tpu.memory_space<hbm>>
      %dma_start3A_1229 = tpu.memref_squeeze %dma_start3A_1228 : memref<1x1x64xi32, #tpu.memory_space<hbm>> -> memref<64xi32, #tpu.memory_space<hbm>>
      %dma_start3A_1230 = tpu.memref_slice %arg2[%run_scoped3A_1217, %run_scoped3A_1218, %mul3A_2] : memref<12x2x2048xi32, #tpu.memory_space<hbm>> -> memref<1x1x64xi32, #tpu.memory_space<hbm>>
      %dma_start3A_1231 = tpu.memref_squeeze %dma_start3A_1230 : memref<1x1x64xi32, #tpu.memory_space<hbm>> -> memref<64xi32, #tpu.memory_space<hbm>>
      %dma_start3A_1232 = arith.constant 0 : i32
      %dma_start3A_1233 = tpu.memref_slice %arg3[%run_scoped3A_1216, %dma_start3A_1232] : memref<24x64xi32, #tpu.memory_space<vmem>> -> memref<1x64xi32, #tpu.memory_space<vmem>>
      %dma_start3A_1234 = tpu.memref_squeeze %dma_start3A_1233 : memref<1x64xi32, #tpu.memory_space<vmem>> -> memref<64xi32, #tpu.memory_space<vmem>>
      tpu.enqueue_dma source(%dma_start3A_1234 : memref<64xi32, #tpu.memory_space<vmem>>) target(%dma_start3A_1231 : memref<64xi32, #tpu.memory_space<hbm>>) target_semaphore(%run_scoped3A_1225 : memref<!tpu.dma_semaphore, #tpu.memory_space<semaphore_mem>>)
      %dma_wait3A = arith.constant 0 : i32
      %dma_wait3A_1235 = tpu.memref_slice %arg3[%run_scoped3A_1216, %dma_wait3A] : memref<24x64xi32, #tpu.memory_space<vmem>> -> memref<1x64xi32, #tpu.memory_space<vmem>>
      %dma_wait3A_1236 = tpu.memref_squeeze %dma_wait3A_1235 : memref<1x64xi32, #tpu.memory_space<vmem>> -> memref<64xi32, #tpu.memory_space<vmem>>
      %dma_wait3A_1237 = tpu.memref_slice %arg2[%run_scoped3A_1217, %run_scoped3A_1218, %mul3A_2] : memref<12x2x2048xi32, #tpu.memory_space<hbm>> -> memref<1x1x64xi32, #tpu.memory_space<hbm>>
      %dma_wait3A_1238 = tpu.memref_squeeze %dma_wait3A_1237 : memref<1x1x64xi32, #tpu.memory_space<hbm>> -> memref<64xi32, #tpu.memory_space<hbm>>
      %dma_wait3A_1239 = tpu.memref_slice %arg2[%run_scoped3A_1217, %run_scoped3A_1218, %mul3A_2] : memref<12x2x2048xi32, #tpu.memory_space<hbm>> -> memref<1x1x64xi32, #tpu.memory_space<hbm>>
      %dma_wait3A_1240 = tpu.memref_squeeze %dma_wait3A_1239 : memref<1x1x64xi32, #tpu.memory_space<hbm>> -> memref<64xi32, #tpu.memory_space<hbm>>
      %dma_wait3A_1241 = arith.constant 0 : i32
      %dma_wait3A_1242 = tpu.memref_slice %arg3[%run_scoped3A_1216, %dma_wait3A_1241] : memref<24x64xi32, #tpu.memory_space<vmem>> -> memref<1x64xi32, #tpu.memory_space<vmem>>
      %dma_wait3A_1243 = tpu.memref_squeeze %dma_wait3A_1242 : memref<1x64xi32, #tpu.memory_space<vmem>> -> memref<64xi32, #tpu.memory_space<vmem>>
      tpu.wait_dma2 semaphore(%run_scoped3A_1225 : memref<!tpu.dma_semaphore, #tpu.memory_space<semaphore_mem>>) src(%dma_wait3A_1243 : memref<64xi32, #tpu.memory_space<vmem>>) dst(%dma_wait3A_1240 : memref<64xi32, #tpu.memory_space<hbm>>)
      tpu.yield
    }) : () -> ()
    %run_scoped3A_1219 = arith.constant 22 : i32
    %run_scoped3A_1220 = arith.constant 11 : i32
    %run_scoped3A_1221 = arith.constant 0 : i32
    "tpu.region"() ({
      %run_scoped3A_1225 = tpu.sem_alloc : memref<!tpu.dma_semaphore, #tpu.memory_space<semaphore_mem>>
      %dma_start3A = arith.constant 0 : i32
      %dma_start3A_1226 = tpu.memref_slice %arg3[%run_scoped3A_1219, %dma_start3A] : memref<24x64xi32, #tpu.memory_space<vmem>> -> memref<1x64xi32, #tpu.memory_space<vmem>>
      %dma_start3A_1227 = tpu.memref_squeeze %dma_start3A_1226 : memref<1x64xi32, #tpu.memory_space<vmem>> -> memref<64xi32, #tpu.memory_space<vmem>>
      %dma_start3A_1228 = tpu.memref_slice %arg2[%run_scoped3A_1220, %run_scoped3A_1221, %mul3A_2] : memref<12x2x2048xi32, #tpu.memory_space<hbm>> -> memref<1x1x64xi32, #tpu.memory_space<hbm>>
      %dma_start3A_1229 = tpu.memref_squeeze %dma_start3A_1228 : memref<1x1x64xi32, #tpu.memory_space<hbm>> -> memref<64xi32, #tpu.memory_space<hbm>>
      %dma_start3A_1230 = tpu.memref_slice %arg2[%run_scoped3A_1220, %run_scoped3A_1221, %mul3A_2] : memref<12x2x2048xi32, #tpu.memory_space<hbm>> -> memref<1x1x64xi32, #tpu.memory_space<hbm>>
      %dma_start3A_1231 = tpu.memref_squeeze %dma_start3A_1230 : memref<1x1x64xi32, #tpu.memory_space<hbm>> -> memref<64xi32, #tpu.memory_space<hbm>>
      %dma_start3A_1232 = arith.constant 0 : i32
      %dma_start3A_1233 = tpu.memref_slice %arg3[%run_scoped3A_1219, %dma_start3A_1232] : memref<24x64xi32, #tpu.memory_space<vmem>> -> memref<1x64xi32, #tpu.memory_space<vmem>>
      %dma_start3A_1234 = tpu.memref_squeeze %dma_start3A_1233 : memref<1x64xi32, #tpu.memory_space<vmem>> -> memref<64xi32, #tpu.memory_space<vmem>>
      tpu.enqueue_dma source(%dma_start3A_1234 : memref<64xi32, #tpu.memory_space<vmem>>) target(%dma_start3A_1231 : memref<64xi32, #tpu.memory_space<hbm>>) target_semaphore(%run_scoped3A_1225 : memref<!tpu.dma_semaphore, #tpu.memory_space<semaphore_mem>>)
      %dma_wait3A = arith.constant 0 : i32
      %dma_wait3A_1235 = tpu.memref_slice %arg3[%run_scoped3A_1219, %dma_wait3A] : memref<24x64xi32, #tpu.memory_space<vmem>> -> memref<1x64xi32, #tpu.memory_space<vmem>>
      %dma_wait3A_1236 = tpu.memref_squeeze %dma_wait3A_1235 : memref<1x64xi32, #tpu.memory_space<vmem>> -> memref<64xi32, #tpu.memory_space<vmem>>
      %dma_wait3A_1237 = tpu.memref_slice %arg2[%run_scoped3A_1220, %run_scoped3A_1221, %mul3A_2] : memref<12x2x2048xi32, #tpu.memory_space<hbm>> -> memref<1x1x64xi32, #tpu.memory_space<hbm>>
      %dma_wait3A_1238 = tpu.memref_squeeze %dma_wait3A_1237 : memref<1x1x64xi32, #tpu.memory_space<hbm>> -> memref<64xi32, #tpu.memory_space<hbm>>
      %dma_wait3A_1239 = tpu.memref_slice %arg2[%run_scoped3A_1220, %run_scoped3A_1221, %mul3A_2] : memref<12x2x2048xi32, #tpu.memory_space<hbm>> -> memref<1x1x64xi32, #tpu.memory_space<hbm>>
      %dma_wait3A_1240 = tpu.memref_squeeze %dma_wait3A_1239 : memref<1x1x64xi32, #tpu.memory_space<hbm>> -> memref<64xi32, #tpu.memory_space<hbm>>
      %dma_wait3A_1241 = arith.constant 0 : i32
      %dma_wait3A_1242 = tpu.memref_slice %arg3[%run_scoped3A_1219, %dma_wait3A_1241] : memref<24x64xi32, #tpu.memory_space<vmem>> -> memref<1x64xi32, #tpu.memory_space<vmem>>
      %dma_wait3A_1243 = tpu.memref_squeeze %dma_wait3A_1242 : memref<1x64xi32, #tpu.memory_space<vmem>> -> memref<64xi32, #tpu.memory_space<vmem>>
      tpu.wait_dma2 semaphore(%run_scoped3A_1225 : memref<!tpu.dma_semaphore, #tpu.memory_space<semaphore_mem>>) src(%dma_wait3A_1243 : memref<64xi32, #tpu.memory_space<vmem>>) dst(%dma_wait3A_1240 : memref<64xi32, #tpu.memory_space<hbm>>)
      tpu.yield
    }) : () -> ()
    %run_scoped3A_1222 = arith.constant 23 : i32
    %run_scoped3A_1223 = arith.constant 11 : i32
    %run_scoped3A_1224 = arith.constant 1 : i32
    "tpu.region"() ({
      %run_scoped3A_1225 = tpu.sem_alloc : memref<!tpu.dma_semaphore, #tpu.memory_space<semaphore_mem>>
      %dma_start3A = arith.constant 0 : i32
      %dma_start3A_1226 = tpu.memref_slice %arg3[%run_scoped3A_1222, %dma_start3A] : memref<24x64xi32, #tpu.memory_space<vmem>> -> memref<1x64xi32, #tpu.memory_space<vmem>>
      %dma_start3A_1227 = tpu.memref_squeeze %dma_start3A_1226 : memref<1x64xi32, #tpu.memory_space<vmem>> -> memref<64xi32, #tpu.memory_space<vmem>>
      %dma_start3A_1228 = tpu.memref_slice %arg2[%run_scoped3A_1223, %run_scoped3A_1224, %mul3A_2] : memref<12x2x2048xi32, #tpu.memory_space<hbm>> -> memref<1x1x64xi32, #tpu.memory_space<hbm>>
      %dma_start3A_1229 = tpu.memref_squeeze %dma_start3A_1228 : memref<1x1x64xi32, #tpu.memory_space<hbm>> -> memref<64xi32, #tpu.memory_space<hbm>>
      %dma_start3A_1230 = tpu.memref_slice %arg2[%run_scoped3A_1223, %run_scoped3A_1224, %mul3A_2] : memref<12x2x2048xi32, #tpu.memory_space<hbm>> -> memref<1x1x64xi32, #tpu.memory_space<hbm>>
      %dma_start3A_1231 = tpu.memref_squeeze %dma_start3A_1230 : memref<1x1x64xi32, #tpu.memory_space<hbm>> -> memref<64xi32, #tpu.memory_space<hbm>>
      %dma_start3A_1232 = arith.constant 0 : i32
      %dma_start3A_1233 = tpu.memref_slice %arg3[%run_scoped3A_1222, %dma_start3A_1232] : memref<24x64xi32, #tpu.memory_space<vmem>> -> memref<1x64xi32, #tpu.memory_space<vmem>>
      %dma_start3A_1234 = tpu.memref_squeeze %dma_start3A_1233 : memref<1x64xi32, #tpu.memory_space<vmem>> -> memref<64xi32, #tpu.memory_space<vmem>>
      tpu.enqueue_dma source(%dma_start3A_1234 : memref<64xi32, #tpu.memory_space<vmem>>) target(%dma_start3A_1231 : memref<64xi32, #tpu.memory_space<hbm>>) target_semaphore(%run_scoped3A_1225 : memref<!tpu.dma_semaphore, #tpu.memory_space<semaphore_mem>>)
      %dma_wait3A = arith.constant 0 : i32
      %dma_wait3A_1235 = tpu.memref_slice %arg3[%run_scoped3A_1222, %dma_wait3A] : memref<24x64xi32, #tpu.memory_space<vmem>> -> memref<1x64xi32, #tpu.memory_space<vmem>>
      %dma_wait3A_1236 = tpu.memref_squeeze %dma_wait3A_1235 : memref<1x64xi32, #tpu.memory_space<vmem>> -> memref<64xi32, #tpu.memory_space<vmem>>
      %dma_wait3A_1237 = tpu.memref_slice %arg2[%run_scoped3A_1223, %run_scoped3A_1224, %mul3A_2] : memref<12x2x2048xi32, #tpu.memory_space<hbm>> -> memref<1x1x64xi32, #tpu.memory_space<hbm>>
      %dma_wait3A_1238 = tpu.memref_squeeze %dma_wait3A_1237 : memref<1x1x64xi32, #tpu.memory_space<hbm>> -> memref<64xi32, #tpu.memory_space<hbm>>
      %dma_wait3A_1239 = tpu.memref_slice %arg2[%run_scoped3A_1223, %run_scoped3A_1224, %mul3A_2] : memref<12x2x2048xi32, #tpu.memory_space<hbm>> -> memref<1x1x64xi32, #tpu.memory_space<hbm>>
      %dma_wait3A_1240 = tpu.memref_squeeze %dma_wait3A_1239 : memref<1x1x64xi32, #tpu.memory_space<hbm>> -> memref<64xi32, #tpu.memory_space<hbm>>
      %dma_wait3A_1241 = arith.constant 0 : i32
      %dma_wait3A_1242 = tpu.memref_slice %arg3[%run_scoped3A_1222, %dma_wait3A_1241] : memref<24x64xi32, #tpu.memory_space<vmem>> -> memref<1x64xi32, #tpu.memory_space<vmem>>
      %dma_wait3A_1243 = tpu.memref_squeeze %dma_wait3A_1242 : memref<1x64xi32, #tpu.memory_space<vmem>> -> memref<64xi32, #tpu.memory_space<vmem>>
      tpu.wait_dma2 semaphore(%run_scoped3A_1225 : memref<!tpu.dma_semaphore, #tpu.memory_space<semaphore_mem>>) src(%dma_wait3A_1243 : memref<64xi32, #tpu.memory_space<vmem>>) dst(%dma_wait3A_1240 : memref<64xi32, #tpu.memory_space<hbm>>)
      tpu.yield
    }) : () -> ()
    return
  }
}

module attributes {stable_mosaic.version = 14 : i64} {
  func.func @_span_body(%arg0: i32, %arg1: memref<256x768xf32, #tpu.memory_space<vmem>>, %arg2: memref<256x768xf32, #tpu.memory_space<vmem>>, %arg3: memref<12x256x768xf32, #tpu.memory_space<vmem>>) attributes {dimension_semantics = [#tpu.dimension_semantics<arbitrary>], iteration_bounds = array<i64: 8>, scalar_prefetch = 0 : i64, scratch_operands = 0 : i64, tpu.core_type = #tpu.core_type<tc>, window_params = [{transform_indices = @transform_0, window_bounds = array<i64: 256, 768>}, {transform_indices = @transform_1, window_bounds = array<i64: 256, 768>}, {transform_indices = @transform_2, window_bounds = array<i64: 12, 256, 768>}]} {
    %mul3A = arith.constant 256 : i32
    %mul3A_0 = arith.muli %arg0, %mul3A : i32
    %get3A = arith.constant 0 : index
    %get3A_1 = arith.constant 0 : index
    %get3A_2 = vector.load %arg1[%get3A, %get3A_1] : memref<256x768xf32, #tpu.memory_space<vmem>>, vector<256x768xf32>
    %get3A_3 = arith.constant 0 : index
    %get3A_4 = arith.constant 0 : index
    %get3A_5 = vector.load %arg2[%get3A_3, %get3A_4] : memref<256x768xf32, #tpu.memory_space<vmem>>, vector<16x768xf32>
    %add3A = arith.constant 256 : i32
    %add3A_6 = arith.addi %mul3A_0, %add3A : i32
    %iota3A = tpu.iota {dimensions = array<i32: 0>} : vector<16x768xi32>
    %add3A_7 = vector.broadcast %add3A_6 : i32 to vector<16x768xi32>
    %add3A_8 = arith.addi %add3A_7, %iota3A : vector<16x768xi32>
    %lt3A = arith.constant 2048 : i32
    %lt3A_9 = vector.broadcast %lt3A : i32 to vector<16x768xi32>
    %lt3A_10 = arith.cmpi slt, %add3A_8, %lt3A_9 : vector<16x768xi32>
    %jit3A = arith.constant 0.000000e+00 : f32
    %broadcast_in_dim3A = vector.broadcast %jit3A : f32 to vector<16x768xf32>
    %select_n3A = arith.select %lt3A_10, %get3A_5, %broadcast_in_dim3A : vector<16x768xi1>, vector<16x768xf32>
    %concatenate3A = tpu.concatenate %get3A_2, %select_n3A in 0 : vector<256x768xf32>, vector<16x768xf32> -> vector<272x768xf32>
    %add3A_11 = arith.constant 0.693147182 : f32
    %add3A_12 = vector.broadcast %add3A_11 : f32 to vector<256x768xf32>
    %add3A_13 = arith.addf %get3A_2, %add3A_12 : vector<256x768xf32>
    %swap3A = arith.constant 0 : index
    %swap3A_14 = arith.constant 0 : index
    %swap3A_15 = arith.constant 0 : index
    %swap3A_16 = vector.load %arg3[%swap3A, %swap3A_14, %swap3A_15] : memref<12x256x768xf32, #tpu.memory_space<vmem>>, vector<1x256x768xf32>
    %swap3A_17 = vector.shape_cast %swap3A_16 : vector<1x256x768xf32> to vector<256x768xf32>
    %swap3A_18 = vector.shape_cast %add3A_13 : vector<256x768xf32> to vector<1x256x768xf32>
    tpu.vector_store %arg3[%swap3A, %swap3A_14, %swap3A_15], %swap3A_18 {strides = array<i32>} : memref<12x256x768xf32, #tpu.memory_space<vmem>>, vector<1x256x768xf32>,
    %mul3A_19 = arith.constant 1.44269502 : f32
    %mul3A_20 = vector.broadcast %mul3A_19 : f32 to vector<272x768xf32>
    %mul3A_21 = arith.mulf %concatenate3A, %mul3A_20 : vector<272x768xf32>
    %exp23A = math.exp2 %mul3A_21 : vector<272x768xf32>
    %slice3A = vector.extract_strided_slice %exp23A {offsets = [0, 0], sizes = [256, 768], strides = [1, 1]} : vector<272x768xf32> to vector<256x768xf32>
    %slice3A_22 = vector.extract_strided_slice %exp23A {offsets = [1, 0], sizes = [256, 768], strides = [1, 1]} : vector<272x768xf32> to vector<256x768xf32>
    %add3A_23 = arith.addf %slice3A, %slice3A_22 : vector<256x768xf32>
    %log3A = math.log %add3A_23 : vector<256x768xf32>
    %log3A_24 = arith.constant 2.000000e+00 : f32
    %log3A_25 = math.log %log3A_24 : f32
    %div3A = vector.broadcast %log3A_25 : f32 to vector<256x768xf32>
    %div3A_26 = arith.divf %log3A, %div3A : vector<256x768xf32>
    %mul3A_27 = arith.constant 0.693147182 : f32
    %mul3A_28 = vector.broadcast %mul3A_27 : f32 to vector<256x768xf32>
    %mul3A_29 = arith.mulf %div3A_26, %mul3A_28 : vector<256x768xf32>
    %swap3A_30 = arith.constant 1 : index
    %swap3A_31 = arith.constant 0 : index
    %swap3A_32 = arith.constant 0 : index
    %swap3A_33 = vector.load %arg3[%swap3A_30, %swap3A_31, %swap3A_32] : memref<12x256x768xf32, #tpu.memory_space<vmem>>, vector<1x256x768xf32>
    %swap3A_34 = vector.shape_cast %swap3A_33 : vector<1x256x768xf32> to vector<256x768xf32>
    %swap3A_35 = vector.shape_cast %mul3A_29 : vector<256x768xf32> to vector<1x256x768xf32>
    tpu.vector_store %arg3[%swap3A_30, %swap3A_31, %swap3A_32], %swap3A_35 {strides = array<i32>} : memref<12x256x768xf32, #tpu.memory_space<vmem>>, vector<1x256x768xf32>,
    %slice3A_36 = vector.extract_strided_slice %exp23A {offsets = [2, 0], sizes = [256, 768], strides = [1, 1]} : vector<272x768xf32> to vector<256x768xf32>
    %add3A_37 = arith.addf %slice3A, %slice3A_36 : vector<256x768xf32>
    %log3A_38 = math.log %add3A_37 : vector<256x768xf32>
    %log3A_39 = arith.constant 2.000000e+00 : f32
    %log3A_40 = math.log %log3A_39 : f32
    %div3A_41 = vector.broadcast %log3A_40 : f32 to vector<256x768xf32>
    %div3A_42 = arith.divf %log3A_38, %div3A_41 : vector<256x768xf32>
    %mul3A_43 = arith.constant 0.693147182 : f32
    %mul3A_44 = vector.broadcast %mul3A_43 : f32 to vector<256x768xf32>
    %mul3A_45 = arith.mulf %div3A_42, %mul3A_44 : vector<256x768xf32>
    %swap3A_46 = arith.constant 2 : index
    %swap3A_47 = arith.constant 0 : index
    %swap3A_48 = arith.constant 0 : index
    %swap3A_49 = vector.load %arg3[%swap3A_46, %swap3A_47, %swap3A_48] : memref<12x256x768xf32, #tpu.memory_space<vmem>>, vector<1x256x768xf32>
    %swap3A_50 = vector.shape_cast %swap3A_49 : vector<1x256x768xf32> to vector<256x768xf32>
    %swap3A_51 = vector.shape_cast %mul3A_45 : vector<256x768xf32> to vector<1x256x768xf32>
    tpu.vector_store %arg3[%swap3A_46, %swap3A_47, %swap3A_48], %swap3A_51 {strides = array<i32>} : memref<12x256x768xf32, #tpu.memory_space<vmem>>, vector<1x256x768xf32>,
    %slice3A_52 = vector.extract_strided_slice %exp23A {offsets = [3, 0], sizes = [256, 768], strides = [1, 1]} : vector<272x768xf32> to vector<256x768xf32>
    %add3A_53 = arith.addf %slice3A, %slice3A_52 : vector<256x768xf32>
    %log3A_54 = math.log %add3A_53 : vector<256x768xf32>
    %log3A_55 = arith.constant 2.000000e+00 : f32
    %log3A_56 = math.log %log3A_55 : f32
    %div3A_57 = vector.broadcast %log3A_56 : f32 to vector<256x768xf32>
    %div3A_58 = arith.divf %log3A_54, %div3A_57 : vector<256x768xf32>
    %mul3A_59 = arith.constant 0.693147182 : f32
    %mul3A_60 = vector.broadcast %mul3A_59 : f32 to vector<256x768xf32>
    %mul3A_61 = arith.mulf %div3A_58, %mul3A_60 : vector<256x768xf32>
    %swap3A_62 = arith.constant 3 : index
    %swap3A_63 = arith.constant 0 : index
    %swap3A_64 = arith.constant 0 : index
    %swap3A_65 = vector.load %arg3[%swap3A_62, %swap3A_63, %swap3A_64] : memref<12x256x768xf32, #tpu.memory_space<vmem>>, vector<1x256x768xf32>
    %swap3A_66 = vector.shape_cast %swap3A_65 : vector<1x256x768xf32> to vector<256x768xf32>
    %swap3A_67 = vector.shape_cast %mul3A_61 : vector<256x768xf32> to vector<1x256x768xf32>
    tpu.vector_store %arg3[%swap3A_62, %swap3A_63, %swap3A_64], %swap3A_67 {strides = array<i32>} : memref<12x256x768xf32, #tpu.memory_space<vmem>>, vector<1x256x768xf32>,
    %slice3A_68 = vector.extract_strided_slice %exp23A {offsets = [4, 0], sizes = [256, 768], strides = [1, 1]} : vector<272x768xf32> to vector<256x768xf32>
    %add3A_69 = arith.addf %slice3A, %slice3A_68 : vector<256x768xf32>
    %log3A_70 = math.log %add3A_69 : vector<256x768xf32>
    %log3A_71 = arith.constant 2.000000e+00 : f32
    %log3A_72 = math.log %log3A_71 : f32
    %div3A_73 = vector.broadcast %log3A_72 : f32 to vector<256x768xf32>
    %div3A_74 = arith.divf %log3A_70, %div3A_73 : vector<256x768xf32>
    %mul3A_75 = arith.constant 0.693147182 : f32
    %mul3A_76 = vector.broadcast %mul3A_75 : f32 to vector<256x768xf32>
    %mul3A_77 = arith.mulf %div3A_74, %mul3A_76 : vector<256x768xf32>
    %swap3A_78 = arith.constant 4 : index
    %swap3A_79 = arith.constant 0 : index
    %swap3A_80 = arith.constant 0 : index
    %swap3A_81 = vector.load %arg3[%swap3A_78, %swap3A_79, %swap3A_80] : memref<12x256x768xf32, #tpu.memory_space<vmem>>, vector<1x256x768xf32>
    %swap3A_82 = vector.shape_cast %swap3A_81 : vector<1x256x768xf32> to vector<256x768xf32>
    %swap3A_83 = vector.shape_cast %mul3A_77 : vector<256x768xf32> to vector<1x256x768xf32>
    tpu.vector_store %arg3[%swap3A_78, %swap3A_79, %swap3A_80], %swap3A_83 {strides = array<i32>} : memref<12x256x768xf32, #tpu.memory_space<vmem>>, vector<1x256x768xf32>,
    %slice3A_84 = vector.extract_strided_slice %exp23A {offsets = [5, 0], sizes = [256, 768], strides = [1, 1]} : vector<272x768xf32> to vector<256x768xf32>
    %add3A_85 = arith.addf %slice3A, %slice3A_84 : vector<256x768xf32>
    %log3A_86 = math.log %add3A_85 : vector<256x768xf32>
    %log3A_87 = arith.constant 2.000000e+00 : f32
    %log3A_88 = math.log %log3A_87 : f32
    %div3A_89 = vector.broadcast %log3A_88 : f32 to vector<256x768xf32>
    %div3A_90 = arith.divf %log3A_86, %div3A_89 : vector<256x768xf32>
    %mul3A_91 = arith.constant 0.693147182 : f32
    %mul3A_92 = vector.broadcast %mul3A_91 : f32 to vector<256x768xf32>
    %mul3A_93 = arith.mulf %div3A_90, %mul3A_92 : vector<256x768xf32>
    %swap3A_94 = arith.constant 5 : index
    %swap3A_95 = arith.constant 0 : index
    %swap3A_96 = arith.constant 0 : index
    %swap3A_97 = vector.load %arg3[%swap3A_94, %swap3A_95, %swap3A_96] : memref<12x256x768xf32, #tpu.memory_space<vmem>>, vector<1x256x768xf32>
    %swap3A_98 = vector.shape_cast %swap3A_97 : vector<1x256x768xf32> to vector<256x768xf32>
    %swap3A_99 = vector.shape_cast %mul3A_93 : vector<256x768xf32> to vector<1x256x768xf32>
    tpu.vector_store %arg3[%swap3A_94, %swap3A_95, %swap3A_96], %swap3A_99 {strides = array<i32>} : memref<12x256x768xf32, #tpu.memory_space<vmem>>, vector<1x256x768xf32>,
    %slice3A_100 = vector.extract_strided_slice %exp23A {offsets = [6, 0], sizes = [256, 768], strides = [1, 1]} : vector<272x768xf32> to vector<256x768xf32>
    %add3A_101 = arith.addf %slice3A, %slice3A_100 : vector<256x768xf32>
    %log3A_102 = math.log %add3A_101 : vector<256x768xf32>
    %log3A_103 = arith.constant 2.000000e+00 : f32
    %log3A_104 = math.log %log3A_103 : f32
    %div3A_105 = vector.broadcast %log3A_104 : f32 to vector<256x768xf32>
    %div3A_106 = arith.divf %log3A_102, %div3A_105 : vector<256x768xf32>
    %mul3A_107 = arith.constant 0.693147182 : f32
    %mul3A_108 = vector.broadcast %mul3A_107 : f32 to vector<256x768xf32>
    %mul3A_109 = arith.mulf %div3A_106, %mul3A_108 : vector<256x768xf32>
    %swap3A_110 = arith.constant 6 : index
    %swap3A_111 = arith.constant 0 : index
    %swap3A_112 = arith.constant 0 : index
    %swap3A_113 = vector.load %arg3[%swap3A_110, %swap3A_111, %swap3A_112] : memref<12x256x768xf32, #tpu.memory_space<vmem>>, vector<1x256x768xf32>
    %swap3A_114 = vector.shape_cast %swap3A_113 : vector<1x256x768xf32> to vector<256x768xf32>
    %swap3A_115 = vector.shape_cast %mul3A_109 : vector<256x768xf32> to vector<1x256x768xf32>
    tpu.vector_store %arg3[%swap3A_110, %swap3A_111, %swap3A_112], %swap3A_115 {strides = array<i32>} : memref<12x256x768xf32, #tpu.memory_space<vmem>>, vector<1x256x768xf32>,
    %slice3A_116 = vector.extract_strided_slice %exp23A {offsets = [7, 0], sizes = [256, 768], strides = [1, 1]} : vector<272x768xf32> to vector<256x768xf32>
    %add3A_117 = arith.addf %slice3A, %slice3A_116 : vector<256x768xf32>
    %log3A_118 = math.log %add3A_117 : vector<256x768xf32>
    %log3A_119 = arith.constant 2.000000e+00 : f32
    %log3A_120 = math.log %log3A_119 : f32
    %div3A_121 = vector.broadcast %log3A_120 : f32 to vector<256x768xf32>
    %div3A_122 = arith.divf %log3A_118, %div3A_121 : vector<256x768xf32>
    %mul3A_123 = arith.constant 0.693147182 : f32
    %mul3A_124 = vector.broadcast %mul3A_123 : f32 to vector<256x768xf32>
    %mul3A_125 = arith.mulf %div3A_122, %mul3A_124 : vector<256x768xf32>
    %swap3A_126 = arith.constant 7 : index
    %swap3A_127 = arith.constant 0 : index
    %swap3A_128 = arith.constant 0 : index
    %swap3A_129 = vector.load %arg3[%swap3A_126, %swap3A_127, %swap3A_128] : memref<12x256x768xf32, #tpu.memory_space<vmem>>, vector<1x256x768xf32>
    %swap3A_130 = vector.shape_cast %swap3A_129 : vector<1x256x768xf32> to vector<256x768xf32>
    %swap3A_131 = vector.shape_cast %mul3A_125 : vector<256x768xf32> to vector<1x256x768xf32>
    tpu.vector_store %arg3[%swap3A_126, %swap3A_127, %swap3A_128], %swap3A_131 {strides = array<i32>} : memref<12x256x768xf32, #tpu.memory_space<vmem>>, vector<1x256x768xf32>,
    %slice3A_132 = vector.extract_strided_slice %exp23A {offsets = [8, 0], sizes = [256, 768], strides = [1, 1]} : vector<272x768xf32> to vector<256x768xf32>
    %add3A_133 = arith.addf %slice3A, %slice3A_132 : vector<256x768xf32>
    %log3A_134 = math.log %add3A_133 : vector<256x768xf32>
    %log3A_135 = arith.constant 2.000000e+00 : f32
    %log3A_136 = math.log %log3A_135 : f32
    %div3A_137 = vector.broadcast %log3A_136 : f32 to vector<256x768xf32>
    %div3A_138 = arith.divf %log3A_134, %div3A_137 : vector<256x768xf32>
    %mul3A_139 = arith.constant 0.693147182 : f32
    %mul3A_140 = vector.broadcast %mul3A_139 : f32 to vector<256x768xf32>
    %mul3A_141 = arith.mulf %div3A_138, %mul3A_140 : vector<256x768xf32>
    %swap3A_142 = arith.constant 8 : index
    %swap3A_143 = arith.constant 0 : index
    %swap3A_144 = arith.constant 0 : index
    %swap3A_145 = vector.load %arg3[%swap3A_142, %swap3A_143, %swap3A_144] : memref<12x256x768xf32, #tpu.memory_space<vmem>>, vector<1x256x768xf32>
    %swap3A_146 = vector.shape_cast %swap3A_145 : vector<1x256x768xf32> to vector<256x768xf32>
    %swap3A_147 = vector.shape_cast %mul3A_141 : vector<256x768xf32> to vector<1x256x768xf32>
    tpu.vector_store %arg3[%swap3A_142, %swap3A_143, %swap3A_144], %swap3A_147 {strides = array<i32>} : memref<12x256x768xf32, #tpu.memory_space<vmem>>, vector<1x256x768xf32>,
    %slice3A_148 = vector.extract_strided_slice %exp23A {offsets = [9, 0], sizes = [256, 768], strides = [1, 1]} : vector<272x768xf32> to vector<256x768xf32>
    %add3A_149 = arith.addf %slice3A, %slice3A_148 : vector<256x768xf32>
    %log3A_150 = math.log %add3A_149 : vector<256x768xf32>
    %log3A_151 = arith.constant 2.000000e+00 : f32
    %log3A_152 = math.log %log3A_151 : f32
    %div3A_153 = vector.broadcast %log3A_152 : f32 to vector<256x768xf32>
    %div3A_154 = arith.divf %log3A_150, %div3A_153 : vector<256x768xf32>
    %mul3A_155 = arith.constant 0.693147182 : f32
    %mul3A_156 = vector.broadcast %mul3A_155 : f32 to vector<256x768xf32>
    %mul3A_157 = arith.mulf %div3A_154, %mul3A_156 : vector<256x768xf32>
    %swap3A_158 = arith.constant 9 : index
    %swap3A_159 = arith.constant 0 : index
    %swap3A_160 = arith.constant 0 : index
    %swap3A_161 = vector.load %arg3[%swap3A_158, %swap3A_159, %swap3A_160] : memref<12x256x768xf32, #tpu.memory_space<vmem>>, vector<1x256x768xf32>
    %swap3A_162 = vector.shape_cast %swap3A_161 : vector<1x256x768xf32> to vector<256x768xf32>
    %swap3A_163 = vector.shape_cast %mul3A_157 : vector<256x768xf32> to vector<1x256x768xf32>
    tpu.vector_store %arg3[%swap3A_158, %swap3A_159, %swap3A_160], %swap3A_163 {strides = array<i32>} : memref<12x256x768xf32, #tpu.memory_space<vmem>>, vector<1x256x768xf32>,
    %slice3A_164 = vector.extract_strided_slice %exp23A {offsets = [10, 0], sizes = [256, 768], strides = [1, 1]} : vector<272x768xf32> to vector<256x768xf32>
    %add3A_165 = arith.addf %slice3A, %slice3A_164 : vector<256x768xf32>
    %log3A_166 = math.log %add3A_165 : vector<256x768xf32>
    %log3A_167 = arith.constant 2.000000e+00 : f32
    %log3A_168 = math.log %log3A_167 : f32
    %div3A_169 = vector.broadcast %log3A_168 : f32 to vector<256x768xf32>
    %div3A_170 = arith.divf %log3A_166, %div3A_169 : vector<256x768xf32>
    %mul3A_171 = arith.constant 0.693147182 : f32
    %mul3A_172 = vector.broadcast %mul3A_171 : f32 to vector<256x768xf32>
    %mul3A_173 = arith.mulf %div3A_170, %mul3A_172 : vector<256x768xf32>
    %swap3A_174 = arith.constant 10 : index
    %swap3A_175 = arith.constant 0 : index
    %swap3A_176 = arith.constant 0 : index
    %swap3A_177 = vector.load %arg3[%swap3A_174, %swap3A_175, %swap3A_176] : memref<12x256x768xf32, #tpu.memory_space<vmem>>, vector<1x256x768xf32>
    %swap3A_178 = vector.shape_cast %swap3A_177 : vector<1x256x768xf32> to vector<256x768xf32>
    %swap3A_179 = vector.shape_cast %mul3A_173 : vector<256x768xf32> to vector<1x256x768xf32>
    tpu.vector_store %arg3[%swap3A_174, %swap3A_175, %swap3A_176], %swap3A_179 {strides = array<i32>} : memref<12x256x768xf32, #tpu.memory_space<vmem>>, vector<1x256x768xf32>,
    %slice3A_180 = vector.extract_strided_slice %exp23A {offsets = [11, 0], sizes = [256, 768], strides = [1, 1]} : vector<272x768xf32> to vector<256x768xf32>
    %add3A_181 = arith.addf %slice3A, %slice3A_180 : vector<256x768xf32>
    %log3A_182 = math.log %add3A_181 : vector<256x768xf32>
    %log3A_183 = arith.constant 2.000000e+00 : f32
    %log3A_184 = math.log %log3A_183 : f32
    %div3A_185 = vector.broadcast %log3A_184 : f32 to vector<256x768xf32>
    %div3A_186 = arith.divf %log3A_182, %div3A_185 : vector<256x768xf32>
    %mul3A_187 = arith.constant 0.693147182 : f32
    %mul3A_188 = vector.broadcast %mul3A_187 : f32 to vector<256x768xf32>
    %mul3A_189 = arith.mulf %div3A_186, %mul3A_188 : vector<256x768xf32>
    %swap3A_190 = arith.constant 11 : index
    %swap3A_191 = arith.constant 0 : index
    %swap3A_192 = arith.constant 0 : index
    %swap3A_193 = vector.load %arg3[%swap3A_190, %swap3A_191, %swap3A_192] : memref<12x256x768xf32, #tpu.memory_space<vmem>>, vector<1x256x768xf32>
    %swap3A_194 = vector.shape_cast %swap3A_193 : vector<1x256x768xf32> to vector<256x768xf32>
    %swap3A_195 = vector.shape_cast %mul3A_189 : vector<256x768xf32> to vector<1x256x768xf32>
    tpu.vector_store %arg3[%swap3A_190, %swap3A_191, %swap3A_192], %swap3A_195 {strides = array<i32>} : memref<12x256x768xf32, #tpu.memory_space<vmem>>, vector<1x256x768xf32>,
    return
  }
  func.func @transform_0(%arg0: i32) -> (i32, i32) {
    %c0_i32 = arith.constant 0 : i32
    %c0_i32_0 = arith.constant 0 : i32
    return %arg0, %c0_i32 : i32, i32
  }
  func.func @transform_1(%arg0: i32) -> (i32, i32) {
    %add3A = arith.constant 1 : i32
    %add3A_0 = arith.addi %arg0, %add3A : i32
    %min3A = arith.constant 7 : i32
    %min3A_1 = arith.minsi %add3A_0, %min3A : i32
    %c0_i32 = arith.constant 0 : i32
    %c0_i32_2 = arith.constant 0 : i32
    return %min3A_1, %c0_i32 : i32, i32
  }
  func.func @transform_2(%arg0: i32) -> (i32, i32, i32) {
    %c0_i32 = arith.constant 0 : i32
    %c0_i32_0 = arith.constant 0 : i32
    %c0_i32_1 = arith.constant 0 : i32
    return %c0_i32, %arg0, %c0_i32_0 : i32, i32, i32
  }
}

</mosaic_0001>

<sc_bundles>
// kernel: kernel.4.cloned.1.call-start
scs
__scs_entry_jumppad:
0x0: {  	(pc) =	sbr.rel $0x88, $3  }
0x1: {  	(tag) =	ssettag $0x0;
	lr =	simm.s32 $0x1  }
0x2: {  	[smem:$0x3FA0] =	sst lr;
	_ =	strace $0xD0000000  }
0x3: {  	_ = 	snop  }
0x4: {  	_ = 	snop  }
0x5: {  	_ = 	snop  }
0x6: {  	_ = 	snop  }
0x7: {  	_ = 	snop  }
__scs_overlays_trampoline_lowered:
0x8: {  	[smem:$0x3FAF] =	sst s0  }
0x9: {  	[smem:$0x3FB0] =	sst s1  }
0xa: {  	[smem:$0x3FB1] =	sst s2  }
0xb: {  	[smem:$0x3FB2] =	sst s3  }
0xc: {  	[smem:$0x3FB3] =	sst s4  }
0xd: {  	[smem:$0x3FB4] =	sst s5  }
0xe: {  	[smem:$0x3FB5] =	sst s6  }
0xf: {  	[smem:$0x3FB6] =	sst s7  }
0x10: {  	[smem:$0x3FB7] =	sst s8  }
0x11: {  	[smem:$0x3FB8] =	sst s9;
	s0 =	simm.s32 @!p0 $0x0  }
0x12: {  	s1 =	sld [smem:$0x3F9E];
	s0 =	simm.s32 @p0 $0x1  }
0x13: {  	[smem:$0x3FB9] =	sst s0;
	s0 =	simm.s32 @!p1 $0x0  }
0x14: {  	s2 =	sld [smem:$0x3F9D];
	s0 =	simm.s32 @p1 $0x1  }
0x15: {  	[smem:$0x3FBA] =	sst s0;
	s0 =	simm.s32 @!p2 $0x0  }
0x16: {  	s3 =	sld [smem:$0x3FDB];
	s0 =	simm.s32 @p2 $0x1  }
0x17: {  	s4 =	simm.s32 $0x1BF5;
	[smem:$0x3FBC] =	sst s0  }
0x18: {  	s0 =	sld [smem:$0x3F9F];
	_ =	swait.ge [sflag:s4], $0x0  }
0x19: {  	s7 =	sld [smem:$0x3FA0]  }
0x1a: {  	s8 =	sadd.s32 $0xFFFFE003, lr  }
0x1b: {  	s9 =	sadd.s32 $0xFFFFFEF7, lr;
	s5 =	simm.s32 $0xFFFFFFFF;
	p2 =	slt.u32 s8, $0xFFFFF086  }
0x1c: {  	p1 =	slt.u32 s9, $0xF7A;
	s5 =	simm.s32 @!p2 $0x0  }
0x1d: {  	s5 =	simm.s32 @p1 $0x1;
	p0 =	seq.s32 s7, s2  }
0x1e: {  	s7 =	smul.u32 @!p0 $0xF7A, s2;
	p2 =	seq.s32 @!p0 s5, $0x0  }
0x1f: {  	s9 =	smul.u32 $0xF7A, s1;
	s8 =	simm.s32 @!p0 $0x1BF5;
	p2 =	por !p2, p0  }
0x20: {  	[sflag:s8] =	ssyncset.s32 @!p0 $0xFFFFF086;
	s6 =	sadd.s32 @!p0 s3, s7;
	s7 =	simm.s32 @!p0 $0x108  }
0x21: {  	s3 =	sadd.s32 s3, s9;
	s6 =	sadd.s32 @!p0 $0x88, s6;
	s7 =	simm.s32 @p2 $0x1082  }
0x22: {  	[simem:s7], [sflag:s8] =	dma.local @!p0 [hbm:s6], $0xF7A  }
0x23: {  	s9 =	sor.u32 $0xD0000000, s2;
	s6 =	simm.s32 $0x108;
	_ =	swait.ge @!p0 [sflag:s8], $0x0  }
0x24: {  	s3 =	sadd.s32 $0x88, s3;
	s6 =	simm.s32 @!p1 $0x1082;
	[sflag:s4] =	ssyncset.s32 $0xFFFFF086  }
0x25: {  	[simem:s6], [sflag:s4] =	dma.local [hbm:s3], $0xF7A  }
0x26: {  	[smem:$0x3FA0] =	sst s1;
	(tag) =	ssettag s2;
	_ =	strace s9  }
0x27: {  	s1 =	sld [smem:$0x3FB0]  }
0x28: {  	s2 =	sld [smem:$0x3FB1]  }
0x29: {  	s4 =	sld [smem:$0x3FB3]  }
0x2a: {  	p0 =	seq.s32 s5, $0x0;
	s5 =	sld [smem:$0x3FB4]  }
0x2b: {  	s6 =	sld [smem:$0x3FB5]  }
0x2c: {  	s7 =	sld [smem:$0x3FB6]  }
0x2d: {  	s3 =	simm.s32 $0x108;
	s8 =	sld [smem:$0x3FB7]  }
0x2e: {  	s3 =	simm.s32 @!p0 $0x1082;
	s9 =	sld [smem:$0x3FB8]  }
0x2f: {  	lr =	sadd.s32 s0, s3;
	s0 =	sld [smem:$0x3FAF]  }
0x30: {  	s3 =	sld [smem:$0x3FB2]  }
0x31: {  	[smem:$0x3FBB] =	sst s10  }
0x32: {  	s10 =	sld [smem:$0x3FB9];
	_ =	sdelay $0x3  }
0x33: {  	p0 =	seq.s32 s10, $0x1;
	s10 =	sld [smem:$0x3FBB];
	_ =	sdelay $0x3  }
0x34: {  	[smem:$0x3FBB] =	sst s10  }
0x35: {  	s10 =	sld [smem:$0x3FBA];
	_ =	sdelay $0x3  }
0x36: {  	p1 =	seq.s32 s10, $0x1;
	s10 =	sld [smem:$0x3FBB];
	_ =	sdelay $0x3  }
0x37: {  	[smem:$0x3FBB] =	sst s10  }
0x38: {  	s10 =	sld [smem:$0x3FBC]  }
0x39: {  	_ = 	snop;
	(pc) =	sbr.ind lr, $3  }
0x3a: {  	_ = 	snop  }
0x3b: {  	_ = 	snop  }
0x3c: {  	p2 =	seq.s32 s10, $0x1;
	s10 =	sld [smem:$0x3FBB]  }
0x3d: {  	_ =	shalt  }
0x3e: {  	_ =	shalt  }
0x3f: {  	_ =	shalt  }
0x40: {  	_ =	shalt  }
0x41: {  	_ =	shalt  }
0x42: {  	_ =	shalt  }
0x43: {  	_ =	shalt  }
0x44: {  	_ =	shalt  }
0x45: {  	_ =	shalt  }
0x46: {  	_ =	shalt  }
0x47: {  	_ =	shalt  }
0x48: {  	_ =	shalt  }
0x49: {  	_ =	shalt  }
0x4a: {  	_ =	shalt  }
0x4b: {  	_ =	shalt  }
0x4c: {  	_ =	shalt  }
0x4d: {  	_ =	shalt  }
0x4e: {  	_ =	shalt  }
0x4f: {  	_ =	shalt  }
0x50: {  	_ =	shalt  }
0x51: {  	_ =	shalt  }
0x52: {  	_ =	shalt  }
0x53: {  	_ =	shalt  }
0x54: {  	_ =	shalt  }
0x55: {  	_ =	shalt  }
0x56: {  	_ =	shalt  }
0x57: {  	_ =	shalt  }
0x58: {  	_ =	shalt  }
0x59: {  	_ =	shalt  }
0x5a: {  	_ =	shalt  }
0x5b: {  	_ =	shalt  }
0x5c: {  	_ =	shalt  }
0x5d: {  	_ =	shalt  }
0x5e: {  	_ =	shalt  }
0x5f: {  	_ =	shalt  }
0x60: {  	_ =	shalt  }
0x61: {  	_ =	shalt  }
0x62: {  	_ =	shalt  }
0x63: {  	_ =	shalt  }
0x64: {  	_ =	shalt  }
0x65: {  	_ =	shalt  }
0x66: {  	_ =	shalt  }
0x67: {  	_ =	shalt  }
0x68: {  	_ =	shalt  }
0x69: {  	_ =	shalt  }
0x6a: {  	_ =	shalt  }
0x6b: {  	_ =	shalt  }
0x6c: {  	_ =	shalt  }
0x6d: {  	_ =	shalt  }
0x6e: {  	_ =	shalt  }
0x6f: {  	_ =	shalt  }
0x70: {  	_ =	shalt  }
0x71: {  	_ =	shalt  }
0x72: {  	_ =	shalt  }
0x73: {  	_ =	shalt  }
0x74: {  	_ =	shalt  }
0x75: {  	_ =	shalt  }
0x76: {  	_ =	shalt  }
0x77: {  	_ =	shalt  }
0x78: {  	_ =	shalt  }
0x79: {  	_ =	shalt  }
0x7a: {  	_ =	shalt  }
0x7b: {  	_ =	shalt  }
0x7c: {  	_ =	shalt  }
0x7d: {  	_ =	shalt  }
0x7e: {  	_ =	shalt  }
0x7f: {  	_ =	shalt  }
0x80: {  	_ =	shalt  }
0x81: {  	_ =	shalt  }
0x82: {  	_ =	shalt  }
0x83: {  	_ =	shalt  }
0x84: {  	_ =	shalt  }
0x85: {  	_ =	shalt  }
0x86: {  	_ =	shalt  }
0x87: {  	_ =	shalt  }
.Lfunc_end0:
.L_simem_size_0:
called_computation_lowered:
.L_overlay_start_0:
0x88: {  	s2 =	sld [smem:$0x3FD9]  }
0x89: {  	s3 =	sld [smem:$0x3FFE];
	_ =	sdelay $0x1  }
0x8a: {  	s1 =	srdreg.scid  }
0x8b: {  	s0 =	sand.u32 $0x1, s1  }
0x8c: {  	s15 =	sshll.u32 s0, $0xA;
	s2 =	sadd.s32 s3, s2  }
0x8d: {  	s2 =	sadd.s32 s2, s15  }
0x8e: {  	[smem:$0x3FC7] =	sst s2  }
0x8f: {  	_ = 	snop  }
0x90: {  	s2 =	sld [smem:$0x3FD0];
	_ =	sdelay $0x2  }
0x91: {  	s16 =	simm.s32 $0xA;
	s4 =	simm.s32 $0x10  }
0x92: {  	[smem:s4], [sflag:s16] =	dma.local [hbm:s2], $0x1  }
0x93: {  	_ =	swait.eq [sflag:s16], $0x1  }
0x94: {  	[sflag:s16] =	ssyncset.done $0x0  }
0x95: {  	[sflag:s16] =	ssyncadd.s32 $0xFFFFFFFF  }
0x96: {  	s17 =	sld [smem:$0x11];
	(tm) =	ssettm $0x1  }
0x97: {  	s18 =	sld [smem:$0x3FFB];
	_ =	sdelay $0x3  }
0x98: {  	_ =	strace s18  }
0x99: {  	s3 =	sld [smem:$0x3FFC];
	_ =	sdelay $0x3  }
0x9a: {  	_ =	strace s3  }
0x9b: {  	s3 =	sld [smem:$0x3FFD];
	_ =	sdelay $0x3  }
0x9c: {  	_ =	strace s3  }
0x9d: {  	_ =	strace $0x8FFFFFFF  }
0x9e: {  	s19 =	sld [smem:$0x3FDB];
	_ =	sdelay $0x1  }
0x9f: {  	s20 =	simm.s32 $_scs_section_size  }
0xa0: {  	s5 =	simm.s32 $_size__tile_overlayer_lowered;
	s6 =	simm.s32 $_tile_overlayer_lowered  }
0xa1: {  	s23 =	simm.s32 $0x1BFF;
	s22 =	sshll.u32 s6, $0x1;
	s3 =	sadd.s32 s20, s19  }
0xa2: {  	s7 =	simm.s32 $0x0;
	s21 =	sshll.u32 s5, $0x1;
	s5 =	sadd.s32 s22, s3  }
0xa3: {  	[timem:s7], [sflag:s23] =	dma.local [hbm:s5], s21  }
0xa4: {  	_ =	swait.ge [sflag:s23], s21  }
0xa5: {  	s4 =	ssub.s32 $0x0, s21;
	[sflag:s23] =	ssyncset.done $0x0  }
0xa6: {  	[sflag:s23] =	ssyncadd.s32 s4;
	_ =	sdelay $0x1  }
0xa7: {  	s24 =	simm.s32 $0x1B8B  }
0xa8: {  	_ =	swait.ge [sflag:s24], $0x1  }
0xa9: {  	[sflag:s24] =	ssyncset.done $0x0  }
0xaa: {  	s25 =	simm.s32 $0x1B8E;
	[sflag:s24] =	ssyncadd.s32 $0xFFFFFFFF  }
0xab: {  	s26 =	simm.s32 $execute0_lowered;
	[smem:$0x3FD2] =	sst s25  }
0xac: {  	s4 =	sshll.u32 s26, $0x1;
	_ =	strace $0x80000046;
	[dreg:$0x1] =	wrdreg $0xFFFFFFFF  }
0xad: {  	s28 =	simm.s32 $_size_execute0_lowered;
	s3 =	sadd.s32 s3, s4;
	[dreg:$0x0] =	wrdreg $0x0  }
0xae: {  	s4 =	sshll.u32 s28, $0x1;
	[dreg:$0x2] =	wrdreg s3  }
0xaf: {  	[dreg:$0x3] =	wrdreg s4  }
0xb0: {  	[dreg:$0x4] =	wrdreg $0xC0  }
0xb1: {  	_ =	task [dreg:s7], $0x5FFFF  }
0xb2: {  	[dreg:$0x1] =	wrdreg $0xFFFFFFFF  }
0xb3: {  	[dreg:$0x0] =	wrdreg $0x60  }
0xb4: {  	[dreg:$0x2] =	wrdreg s17  }
0xb5: {  	[dreg:$0x3] =	wrdreg $0x9  }
0xb6: {  	_ =	task.clear_ibuf [dreg:s7], $0x4FFFF;
	_ =	strace $0x90000046  }
0xb7: {  	s29 =	simm.s32 $0x9;
	_ =	strace $0x80000048  }
0xb8: {  	_ =	swait.ge [sflag:s29], $0x1  }
0xb9: {  	[sflag:s29] =	ssyncadd.s32 $0xFFFFFFFF  }
0xba: {  	_ =	strace $0x90000048  }
0xbb: {  	_ =	sfence  }
0xbc: {  	s30 =	sld [smem:$0x0];
	_ =	sdelay $0x2  }
0xbd: {  	s31 =	sshll.u32 s1, $0xD;
	s1 =	sshrl.u32 s1, $0x2  }
0xbe: {  	s3 =	sand.u32 $0x4000, s31;
	s1 =	sadd.s32 s1, s30  }
0xbf: {  	s0 =	sor.u32 s3, s0;
	s1 =	sshll.u32 s1, $0x11  }
0xc0: {  	s0 =	sor.u32 s1, s0  }
0xc1: {  	s0 =	sadd.s32 $0x8F2B, s0  }
0xc2: {  	[sflag:s0] =	ssyncadd.remote.s32 $0x1  }
0xc3: {  	_ =	sfence.sel $0xFFFF  }
0xc4: {  	[dreg:$0x0] =	wrdreg $0xFFFFFFFF;
	(pc) =	sbr.abs _section_cstart, $3  }
0xc5: {  	[dreg:$0x1] =	wrdreg $0xFFFFFFFF  }
0xc6: {  	_ =	task.clear_ibuf [dreg:s7], $0x2FFFF;
	_ =	strace $0x9FFFFFFF  }
0xc7: {  	(tm) =	ssettm $0x7FFFFFFF  }
tec
execute0_lowered:
.L_overlay_start_1:
0x0: {  	(tag) =	ssettag $0x1  }
0x1: {  	s1 =	srdreg.scid  }
0x2: {  	s0 =	stileid.u32;
	s28 =	sand.u32 $0x1, s1  }
0x3: {  	s4 =	sshll.u32 s0, $0x7;
	s3 =	sshll.u32 s28, $0x6  }
0x4: {  	s2 =	simm.s32 $0x0;
	v47 =	vlaneseq.u32;
	s4 =	sor.u32 s3, s4  }
0x5: {  	[smem:$0x7FF] =	sst s2;
	v2 =	vor.u32 s4, v47  }
0x6: {  	s1 =	rddreg [dreg:$0x0];
	_ =	strace $0x80000047;
	[tilespmem:$0x80] =	vst v2  }
0x7: {  	[tilespmem:$0x100] =	vst v2  }
0x8: {  	[tilespmem:$0x200] =	vst v2  }
0x9: {  	[tilespmem:$0x0] =	vst v2  }
0xa: {  	[tilespmem:$0xB00] =	vst v2  }
0xb: {  	[tilespmem:$0xA00] =	vst v2  }
0xc: {  	[tilespmem:$0x900] =	vst v2  }
0xd: {  	[tilespmem:$0x800] =	vst v2  }
0xe: {  	[tilespmem:$0x700] =	vst v2  }
0xf: {  	[tilespmem:$0x600] =	vst v2  }
0x10: {  	[tilespmem:$0x500] =	vst v2  }
0x11: {  	s5 =	sor.u32 $0x20, s4;
	[tilespmem:$0x400] =	vst v2  }
0x12: {  	s11 =	sor.u32 $0x30, s4;
	v0 =	vor.u32 s5, v47;
	[tilespmem:$0x300] =	vst v2  }
0x13: {  	s12 =	sor.u32 $0x10, s4;
	v1 =	vor.u32 s11, v47;
	[tilespmem:$0x20] =	vst v0  }
0x14: {  	v3 =	vor.u32 s12, v47;
	[tilespmem:$0x30] =	vst v1  }
0x15: {  	[tilespmem:$0x90] =	vst v3  }
0x16: {  	[tilespmem:$0xA0] =	vst v0  }
0x17: {  	[tilespmem:$0xB0] =	vst v1  }
0x18: {  	[tilespmem:$0x110] =	vst v3  }
0x19: {  	s13 =	sor.u32 $0x1, s4;
	[tilespmem:$0x120] =	vst v0  }
0x1a: {  	s14 =	sor.u32 $0x11, s4;
	v4 =	vadd.s32 s13, v47;
	[tilespmem:$0x130] =	vst v1  }
0x1b: {  	s15 =	sor.u32 $0x21, s4;
	v5 =	vadd.s32 s14, v47;
	[tilespmem:$0x180] =	vst v4  }
0x1c: {  	s16 =	sor.u32 $0x31, s4;
	v6 =	vadd.s32 s15, v47;
	[tilespmem:$0x190] =	vst v5  }
0x1d: {  	v7 =	vadd.s32 s16, v47;
	[tilespmem:$0x1A0] =	vst v6  }
0x1e: {  	[tilespmem:$0x1B0] =	vst v7  }
0x1f: {  	[tilespmem:$0x210] =	vst v3  }
0x20: {  	s17 =	sor.u32 $0x2, s4;
	[tilespmem:$0x220] =	vst v0  }
0x21: {  	s18 =	sor.u32 $0x12, s4;
	v8 =	vadd.s32 s17, v47;
	[tilespmem:$0x230] =	vst v1  }
0x22: {  	s19 =	sor.u32 $0x3B, s4;
	v9 =	vadd.s32 s18, v47;
	[tilespmem:$0x280] =	vst v8  }
0x23: {  	s6 =	sor.u32 $0x2B, s4;
	v10 =	vadd.s32 s19, v47;
	[tilespmem:$0x290] =	vst v9  }
0x24: {  	s20 =	sor.u32 $0x1B, s4;
	v11 =	vadd.s32 s6, v47;
	[tilespmem:$0xBB0] =	vst v10  }
0x25: {  	s21 =	sor.u32 $0xB, s4;
	v12 =	vadd.s32 s20, v47;
	[tilespmem:$0xBA0] =	vst v11  }
0x26: {  	v13 =	vadd.s32 s21, v47;
	[tilespmem:$0xB90] =	vst v12  }
0x27: {  	[tilespmem:$0xB80] =	vst v13  }
0x28: {  	[tilespmem:$0xB30] =	vst v1  }
0x29: {  	s22 =	sor.u32 $0x3A, s4;
	[tilespmem:$0xB20] =	vst v0  }
0x2a: {  	s23 =	sor.u32 $0x2A, s4;
	v14 =	vadd.s32 s22, v47;
	[tilespmem:$0xB10] =	vst v3  }
0x2b: {  	s24 =	sor.u32 $0x1A, s4;
	v15 =	vadd.s32 s23, v47;
	[tilespmem:$0xAB0] =	vst v14  }
0x2c: {  	s25 =	sor.u32 $0xA, s4;
	v16 =	vadd.s32 s24, v47;
	[tilespmem:$0xAA0] =	vst v15  }
0x2d: {  	v17 =	vadd.s32 s25, v47;
	[tilespmem:$0xA90] =	vst v16  }
0x2e: {  	[tilespmem:$0xA80] =	vst v17  }
0x2f: {  	[tilespmem:$0xA30] =	vst v1  }
0x30: {  	s26 =	sor.u32 $0x39, s4;
	[tilespmem:$0xA20] =	vst v0  }
0x31: {  	s0 =	sor.u32 $0x29, s4;
	v18 =	vadd.s32 s26, v47;
	[tilespmem:$0xA10] =	vst v3  }
0x32: {  	s7 =	sor.u32 $0x19, s4;
	v19 =	vadd.s32 s0, v47;
	[tilespmem:$0x9B0] =	vst v18  }
0x33: {  	s8 =	sor.u32 $0x9, s4;
	v20 =	vadd.s32 s7, v47;
	[tilespmem:$0x9A0] =	vst v19  }
0x34: {  	v21 =	vadd.s32 s8, v47;
	[tilespmem:$0x990] =	vst v20  }
0x35: {  	[tilespmem:$0x980] =	vst v21  }
0x36: {  	[tilespmem:$0x930] =	vst v1  }
0x37: {  	s9 =	sor.u32 $0x38, s4;
	[tilespmem:$0x920] =	vst v0  }
0x38: {  	s10 =	sor.u32 $0x28, s4;
	v22 =	vadd.s32 s9, v47;
	[tilespmem:$0x910] =	vst v3  }
0x39: {  	v23 =	vadd.s32 s10, v47;
	[tilespmem:$0x8B0] =	vst v22  }
0x3a: {  	[tilespmem:$0x8A0] =	vst v23  }
0x3b: {  	[tilespmem:$0x830] =	vst v1  }
0x3c: {  	[tilespmem:$0x820] =	vst v0  }
0x3d: {  	[tilespmem:$0x810] =	vst v3  }
0x3e: {  	[tilespmem:$0x730] =	vst v1  }
0x3f: {  	[tilespmem:$0x720] =	vst v0  }
0x40: {  	[tilespmem:$0x710] =	vst v3  }
0x41: {  	[tilespmem:$0x630] =	vst v1  }
0x42: {  	[tilespmem:$0x620] =	vst v0  }
0x43: {  	[tilespmem:$0x610] =	vst v3  }
0x44: {  	[tilespmem:$0x530] =	vst v1  }
0x45: {  	[tilespmem:$0x520] =	vst v0  }
0x46: {  	[tilespmem:$0x510] =	vst v3  }
0x47: {  	[tilespmem:$0x430] =	vst v1  }
0x48: {  	[tilespmem:$0x420] =	vst v0  }
0x49: {  	s11 =	sor.u32 $0x18, s4;
	[tilespmem:$0x410] =	vst v3  }
0x4a: {  	s12 =	sor.u32 $0x8, s4;
	s13 =	sor.u32 $0x37, s4;
	s14 =	sor.u32 $0x27, s4;
	[tilespmem:$0x330] =	vst v1  }
0x4b: {  	s15 =	sor.u32 $0x17, s4;
	s16 =	sor.u32 $0x7, s4;
	s17 =	sor.u32 $0x36, s4;
	[tilespmem:$0x320] =	vst v0  }
0x4c: {  	s18 =	sor.u32 $0x26, s4;
	s19 =	sor.u32 $0x16, s4;
	s20 =	sor.u32 $0x6, s4;
	[tilespmem:$0x310] =	vst v3  }
0x4d: {  	s21 =	sor.u32 $0x35, s4;
	s22 =	sor.u32 $0x25, s4;
	s25 =	sshll.u32 s4, $0x1;
	v24 =	vadd.s32 s11, v47;
	[tilespmem:$0x10] =	vst v3  }
0x4e: {  	s23 =	sor.u32 $0x15, s4;
	s24 =	sor.u32 $0x5, s4;
	v25 =	vadd.s32 s12, v47;
	s5 =	sor.u32 s3, s25;
	[tilespmem:$0x890] =	vst v24  }
0x4f: {  	s7 =	sor.u32 $0x4, s4;
	v26 =	vadd.s32 s13, v47;
	s26 =	sand.u32 $0xF00, s25;
	[tilespmem:$0x880] =	vst v25;
	s30 =	sshrl.u32 s5, $0x3  }
0x50: {  	s0 =	sor.u32 $0x24, s4;
	v27 =	vadd.s32 s14, v47;
	[tilespmem:$0x7B0] =	vst v26;
	s3 =	sor.u32 s3, s26;
	s9 =	sor.u32 $0x10, s30  }
0x51: {  	v28 =	vadd.s32 s15, v47;
	[tilespmem:$0x7A0] =	vst v27;
	s3 =	sshrl.u32 s3, $0x3;
	s11 =	sor.u32 $0x210, s30;
	s6 =	sadd.s32 s1, s9  }
0x52: {  	v29 =	vadd.s32 s16, v47;
	[tilespmem:$0x790] =	vst v28;
	s14 =	sor.u32 $0x410, s30;
	s12 =	sadd.s32 s1, s11;
	[dreg:$0x2] =	wrdreg s6  }
0x53: {  	v30 =	vadd.s32 s17, v47;
	v31 =	vadd.s32 s18, v47;
	[tilespmem:$0x780] =	vst v29;
	s18 =	sor.u32 $0x610, s30;
	s16 =	sadd.s32 s1, s14;
	[dreg:$0x4] =	wrdreg s12  }
0x54: {  	v33 =	vadd.s32 s20, v47;
	v35 =	vadd.s32 s22, v47;
	[tilespmem:$0x6B0] =	vst v30;
	s22 =	sor.u32 $0x810, s30;
	s20 =	sadd.s32 s1, s18;
	[dreg:$0x6] =	wrdreg s16  }
0x55: {  	v32 =	vadd.s32 s19, v47;
	v37 =	vadd.s32 s24, v47;
	[tilespmem:$0x6A0] =	vst v31;
	s3 =	sadd.s32 s1, s3;
	s24 =	sadd.s32 s1, s22;
	[dreg:$0x8] =	wrdreg s20  }
0x56: {  	s8 =	sor.u32 $0x34, s4;
	[tilespmem:$0x690] =	vst v32;
	s10 =	sadd.s32 $0x200, s3;
	[dreg:$0xa] =	wrdreg s24  }
0x57: {  	v34 =	vadd.s32 s21, v47;
	s15 =	sor.u32 $0x3, s4;
	[tilespmem:$0x680] =	vst v33;
	s13 =	sadd.s32 $0x400, s3;
	[dreg:$0x3] =	wrdreg s10  }
0x58: {  	s19 =	sor.u32 $0x23, s4;
	[tilespmem:$0x5B0] =	vst v34;
	s17 =	sadd.s32 $0x600, s3;
	[dreg:$0x5] =	wrdreg s13  }
0x59: {  	v36 =	vadd.s32 s23, v47;
	s23 =	sor.u32 $0x33, s4;
	[tilespmem:$0x5A0] =	vst v35;
	s21 =	sadd.s32 $0x800, s3;
	[dreg:$0x7] =	wrdreg s17  }
0x5a: {  	[tilespmem:$0x590] =	vst v36;
	s26 =	sor.u32 $0xA10, s30;
	s25 =	sadd.s32 $0xA00, s3;
	[dreg:$0x9] =	wrdreg s21  }
0x5b: {  	v38 =	vadd.s32 s8, v47;
	v39 =	vadd.s32 s0, v47;
	s0 =	sor.u32 $0x13, s4;
	[tilespmem:$0x580] =	vst v37;
	s6 =	sadd.s32 s1, s26;
	[dreg:$0xb] =	wrdreg s25  }
0x5c: {  	v41 =	vadd.s32 s7, v47;
	[tilespmem:$0x4B0] =	vst v38;
	v43 =	vadd.s32 s19, v47;
	s19 =	sor.u32 $0x1210, s30;
	s7 =	sadd.s32 $0xC00, s3;
	[dreg:$0xc] =	wrdreg s6  }
0x5d: {  	[tilespmem:$0x4A0] =	vst v39;
	s9 =	sor.u32 $0x14, s4;
	s11 =	sadd.s32 $0xE00, s3;
	[dreg:$0xd] =	wrdreg s7  }
0x5e: {  	[tilespmem:$0x480] =	vst v41;
	v42 =	vadd.s32 s23, v47;
	v45 =	vadd.s32 s15, v47;
	v40 =	vadd.s32 s9, v47;
	s9 =	sor.u32 $0xC10, s30;
	s15 =	sadd.s32 $0x1000, s3;
	[dreg:$0xf] =	wrdreg s11  }
0x5f: {  	[tilespmem:$0x3B0] =	vst v42;
	s12 =	sor.u32 $0xE10, s30;
	s18 =	sadd.s32 $0x1200, s3;
	[dreg:$0x11] =	wrdreg s15  }
0x60: {  	v44 =	vadd.s32 s0, v47;
	[tilespmem:$0x3A0] =	vst v43;
	s16 =	sor.u32 $0x1010, s30;
	s20 =	sadd.s32 s1, s19;
	[dreg:$0x13] =	wrdreg s18  }
0x61: {  	[tilespmem:$0x390] =	vst v44;
	s10 =	sadd.s32 s1, s9;
	s13 =	sor.u32 $0x22, s4;
	[dreg:$0x14] =	wrdreg s20  }
0x62: {  	[tilespmem:$0x380] =	vst v45;
	s14 =	sadd.s32 s1, s12;
	s4 =	sor.u32 $0x32, s4;
	[dreg:$0xe] =	wrdreg s10  }
0x63: {  	[tilespmem:$0x490] =	vst v40;
	s17 =	sadd.s32 s1, s16;
	[dreg:$0x10] =	wrdreg s14;
	v46 =	vadd.s32 s4, v47  }
0x64: {  	s21 =	sadd.s32 $0x1400, s3;
	[dreg:$0x12] =	wrdreg s17;
	v47 =	vadd.s32 s13, v47;
	[tilespmem:$0x2B0] =	vst v46  }
0x65: {  	[dreg:$0x15] =	wrdreg s21;
	s4 =	simm.s32 $0x1;
	[tilespmem:$0x2A0] =	vst v47  }
0x66: {  	[hbm4b:s3+s2] =	stream.linear.scatter [tilespmem:s2], [sflag:$0x1], $0x40, $0x38;
	[tilespmem:$0xC00] =	vst v63  }
0x67: {  	_ =	swait.ge [sflag:s4], $0x40  }
0x68: {  	[sflag:s4] =	ssyncset.done $0x0  }
0x69: {  	s5 =	simm.s32 $0x80;
	s22 =	rddreg [dreg:$0x2];
	[sflag:s4] =	ssyncadd.s32 $0xFFFFFFC0  }
0x6a: {  	[hbm4b:s22+s2] =	stream.linear.scatter [tilespmem:s5], [sflag:$0x1], $0x40, $0x38;
	[tilespmem:$0xC00] =	vst v63  }
0x6b: {  	_ =	swait.ge [sflag:s4], $0x40  }
0x6c: {  	[sflag:s4] =	ssyncset.done $0x0  }
0x6d: {  	s6 =	simm.s32 $0x100;
	s23 =	rddreg [dreg:$0x3];
	[sflag:s4] =	ssyncadd.s32 $0xFFFFFFC0  }
0x6e: {  	[hbm4b:s23+s2] =	stream.linear.scatter [tilespmem:s6], [sflag:$0x1], $0x40, $0x38;
	[tilespmem:$0xC00] =	vst v63  }
0x6f: {  	_ =	swait.ge [sflag:s4], $0x40  }
0x70: {  	[sflag:s4] =	ssyncset.done $0x0  }
0x71: {  	s7 =	simm.s32 $0x180;
	s24 =	rddreg [dreg:$0x4];
	[sflag:s4] =	ssyncadd.s32 $0xFFFFFFC0  }
0x72: {  	[hbm4b:s24+s2] =	stream.linear.scatter [tilespmem:s7], [sflag:$0x1], $0x40, $0x38;
	[tilespmem:$0xC00] =	vst v63  }
0x73: {  	_ =	swait.ge [sflag:s4], $0x40  }
0x74: {  	[sflag:s4] =	ssyncset.done $0x0  }
0x75: {  	s8 =	simm.s32 $0x200;
	s25 =	rddreg [dreg:$0x5];
	[sflag:s4] =	ssyncadd.s32 $0xFFFFFFC0  }
0x76: {  	[hbm4b:s25+s2] =	stream.linear.scatter [tilespmem:s8], [sflag:$0x1], $0x40, $0x38;
	[tilespmem:$0xC00] =	vst v63  }
0x77: {  	_ =	swait.ge [sflag:s4], $0x40  }
0x78: {  	[sflag:s4] =	ssyncset.done $0x0  }
0x79: {  	s9 =	simm.s32 $0x280;
	s10 =	rddreg [dreg:$0x6];
	[sflag:s4] =	ssyncadd.s32 $0xFFFFFFC0  }
0x7a: {  	[hbm4b:s10+s2] =	stream.linear.scatter [tilespmem:s9], [sflag:$0x1], $0x40, $0x38;
	[tilespmem:$0xC00] =	vst v63  }
0x7b: {  	_ =	swait.ge [sflag:s4], $0x40  }
0x7c: {  	[sflag:s4] =	ssyncset.done $0x0  }
0x7d: {  	s10 =	simm.s32 $0x300;
	s11 =	rddreg [dreg:$0x7];
	[sflag:s4] =	ssyncadd.s32 $0xFFFFFFC0  }
0x7e: {  	[hbm4b:s11+s2] =	stream.linear.scatter [tilespmem:s10], [sflag:$0x1], $0x40, $0x38;
	[tilespmem:$0xC00] =	vst v63  }
0x7f: {  	_ =	swait.ge [sflag:s4], $0x40  }
0x80: {  	[sflag:s4] =	ssyncset.done $0x0  }
0x81: {  	s11 =	simm.s32 $0x380;
	s12 =	rddreg [dreg:$0x8];
	[sflag:s4] =	ssyncadd.s32 $0xFFFFFFC0  }
0x82: {  	[hbm4b:s12+s2] =	stream.linear.scatter [tilespmem:s11], [sflag:$0x1], $0x40, $0x38;
	[tilespmem:$0xC00] =	vst v63  }
0x83: {  	_ =	swait.ge [sflag:s4], $0x40  }
0x84: {  	[sflag:s4] =	ssyncset.done $0x0  }
0x85: {  	s12 =	simm.s32 $0x400;
	s13 =	rddreg [dreg:$0x9];
	[sflag:s4] =	ssyncadd.s32 $0xFFFFFFC0  }
0x86: {  	[hbm4b:s13+s2] =	stream.linear.scatter [tilespmem:s12], [sflag:$0x1], $0x40, $0x38;
	[tilespmem:$0xC00] =	vst v63  }
0x87: {  	_ =	swait.ge [sflag:s4], $0x40  }
0x88: {  	[sflag:s4] =	ssyncset.done $0x0  }
0x89: {  	s13 =	simm.s32 $0x480;
	s14 =	rddreg [dreg:$0xa];
	[sflag:s4] =	ssyncadd.s32 $0xFFFFFFC0  }
0x8a: {  	[hbm4b:s14+s2] =	stream.linear.scatter [tilespmem:s13], [sflag:$0x1], $0x40, $0x38;
	[tilespmem:$0xC00] =	vst v63  }
0x8b: {  	_ =	swait.ge [sflag:s4], $0x40  }
0x8c: {  	[sflag:s4] =	ssyncset.done $0x0  }
0x8d: {  	s14 =	simm.s32 $0x500;
	s15 =	rddreg [dreg:$0xb];
	[sflag:s4] =	ssyncadd.s32 $0xFFFFFFC0  }
0x8e: {  	[hbm4b:s15+s2] =	stream.linear.scatter [tilespmem:s14], [sflag:$0x1], $0x40, $0x38;
	[tilespmem:$0xC00] =	vst v63  }
0x8f: {  	_ =	swait.ge [sflag:s4], $0x40  }
0x90: {  	[sflag:s4] =	ssyncset.done $0x0  }
0x91: {  	s15 =	simm.s32 $0x580;
	s16 =	rddreg [dreg:$0xc];
	[sflag:s4] =	ssyncadd.s32 $0xFFFFFFC0  }
0x92: {  	[hbm4b:s16+s2] =	stream.linear.scatter [tilespmem:s15], [sflag:$0x1], $0x40, $0x38;
	[tilespmem:$0xC00] =	vst v63  }
0x93: {  	_ =	swait.ge [sflag:s4], $0x40  }
0x94: {  	[sflag:s4] =	ssyncset.done $0x0  }
0x95: {  	s16 =	simm.s32 $0x600;
	s17 =	rddreg [dreg:$0xd];
	[sflag:s4] =	ssyncadd.s32 $0xFFFFFFC0  }
0x96: {  	[hbm4b:s17+s2] =	stream.linear.scatter [tilespmem:s16], [sflag:$0x1], $0x40, $0x38;
	[tilespmem:$0xC00] =	vst v63  }
0x97: {  	_ =	swait.ge [sflag:s4], $0x40  }
0x98: {  	[sflag:s4] =	ssyncset.done $0x0  }
0x99: {  	s17 =	simm.s32 $0x680;
	s18 =	rddreg [dreg:$0xe];
	[sflag:s4] =	ssyncadd.s32 $0xFFFFFFC0  }
0x9a: {  	[hbm4b:s18+s2] =	stream.linear.scatter [tilespmem:s17], [sflag:$0x1], $0x40, $0x38;
	[tilespmem:$0xC00] =	vst v63  }
0x9b: {  	_ =	swait.ge [sflag:s4], $0x40  }
0x9c: {  	[sflag:s4] =	ssyncset.done $0x0  }
0x9d: {  	s18 =	simm.s32 $0x700;
	s19 =	rddreg [dreg:$0xf];
	[sflag:s4] =	ssyncadd.s32 $0xFFFFFFC0  }
0x9e: {  	[hbm4b:s19+s2] =	stream.linear.scatter [tilespmem:s18], [sflag:$0x1], $0x40, $0x38;
	[tilespmem:$0xC00] =	vst v63  }
0x9f: {  	_ =	swait.ge [sflag:s4], $0x40  }
0xa0: {  	[sflag:s4] =	ssyncset.done $0x0  }
0xa1: {  	s19 =	simm.s32 $0x780;
	s20 =	rddreg [dreg:$0x10];
	[sflag:s4] =	ssyncadd.s32 $0xFFFFFFC0  }
0xa2: {  	[hbm4b:s20+s2] =	stream.linear.scatter [tilespmem:s19], [sflag:$0x1], $0x40, $0x38;
	[tilespmem:$0xC00] =	vst v63  }
0xa3: {  	_ =	swait.ge [sflag:s4], $0x40  }
0xa4: {  	[sflag:s4] =	ssyncset.done $0x0  }
0xa5: {  	s20 =	simm.s32 $0x800;
	s21 =	rddreg [dreg:$0x11];
	[sflag:s4] =	ssyncadd.s32 $0xFFFFFFC0  }
0xa6: {  	[hbm4b:s21+s2] =	stream.linear.scatter [tilespmem:s20], [sflag:$0x1], $0x40, $0x38;
	[tilespmem:$0xC00] =	vst v63  }
0xa7: {  	_ =	swait.ge [sflag:s4], $0x40  }
0xa8: {  	[sflag:s4] =	ssyncset.done $0x0  }
0xa9: {  	s21 =	simm.s32 $0x880;
	s22 =	rddreg [dreg:$0x12];
	[sflag:s4] =	ssyncadd.s32 $0xFFFFFFC0  }
0xaa: {  	[hbm4b:s22+s2] =	stream.linear.scatter [tilespmem:s21], [sflag:$0x1], $0x40, $0x38;
	[tilespmem:$0xC00] =	vst v63  }
0xab: {  	_ =	swait.ge [sflag:s4], $0x40  }
0xac: {  	[sflag:s4] =	ssyncset.done $0x0  }
0xad: {  	s22 =	simm.s32 $0x900;
	s23 =	rddreg [dreg:$0x13];
	[sflag:s4] =	ssyncadd.s32 $0xFFFFFFC0  }
0xae: {  	[hbm4b:s23+s2] =	stream.linear.scatter [tilespmem:s22], [sflag:$0x1], $0x40, $0x38;
	[tilespmem:$0xC00] =	vst v63  }
0xaf: {  	_ =	swait.ge [sflag:s4], $0x40  }
0xb0: {  	[sflag:s4] =	ssyncset.done $0x0  }
0xb1: {  	s23 =	simm.s32 $0x980;
	s24 =	rddreg [dreg:$0x14];
	[sflag:s4] =	ssyncadd.s32 $0xFFFFFFC0  }
0xb2: {  	[hbm4b:s24+s2] =	stream.linear.scatter [tilespmem:s23], [sflag:$0x1], $0x40, $0x38;
	[tilespmem:$0xC00] =	vst v63  }
0xb3: {  	_ =	swait.ge [sflag:s4], $0x40  }
0xb4: {  	[sflag:s4] =	ssyncset.done $0x0  }
0xb5: {  	s24 =	simm.s32 $0xA00;
	s25 =	rddreg [dreg:$0x15];
	[sflag:s4] =	ssyncadd.s32 $0xFFFFFFC0  }
0xb6: {  	[hbm4b:s25+s2] =	stream.linear.scatter [tilespmem:s24], [sflag:$0x1], $0x40, $0x38;
	[tilespmem:$0xC00] =	vst v63  }
0xb7: {  	_ =	swait.ge [sflag:s4], $0x40  }
0xb8: {  	s31 =	ssub.s32 $0x2, s28;
	s26 =	sor.u32 $0x1410, s30;
	[sflag:s4] =	ssyncset.done $0x0  }
0xb9: {  	s25 =	sadd.s32 s1, s26;
	s26 =	simm.s32 $0xA80;
	[sflag:s4] =	ssyncadd.s32 $0xFFFFFFC0  }
0xba: {  	[hbm4b:s25+s2] =	stream.linear.scatter [tilespmem:s26], [sflag:$0x1], $0x40, $0x38;
	[tilespmem:$0xC00] =	vst v63  }
0xbb: {  	s0 =	sshrl.u32 s31, $0x1;
	_ =	swait.ge [sflag:s4], $0x40  }
0xbc: {  	s29 =	simm.s32 $0xB00;
	s0 =	ssub.s32 s31, s0;
	[sflag:s4] =	ssyncset.done $0x0  }
0xbd: {  	s0 =	smax.u32 s0, $0x1;
	s28 =	sadd.s32 $0x1600, s3;
	[sflag:s4] =	ssyncadd.s32 $0xFFFFFFC0  }
0xbe: {  	[hbm4b:s28+s2] =	stream.linear.scatter [tilespmem:s29], [sflag:$0x1], $0x40, $0x38;
	[tilespmem:$0xC00] =	vst v63  }
0xbf: {  	p0 =	sne.s32 s0, $0x1;
	_ =	swait.ge [sflag:s4], $0x40  }
.Ltmp0:
0xc0: {  	s30 =	sor.u32 $0x1610, s30;
	[sflag:s4] =	ssyncset.done $0x0;
	(pc) =	sbr.rel @!p0 .LBB2_2-.Ltmp0, $4  }
0xc1: {  	s31 =	simm.s32 $0xB80;
	s30 =	sadd.s32 s1, s30;
	[sflag:s4] =	ssyncadd.s32 $0xFFFFFFC0  }
0xc2: {  	[hbm4b:s30+s2] =	stream.linear.scatter [tilespmem:s31], [sflag:$0x1], $0x40, $0x38;
	[tilespmem:$0xC00] =	vst v63  }
0xc3: {  	_ =	swait.ge [sflag:s4], $0x40  }
0xc4: {  	s1 =	sadd.s32 $0xFFFFFFFF, s0;
	[sflag:s4] =	ssyncset.done $0x0  }
.LBB2_1:
0xc5: {  	[sflag:s4] =	ssyncadd.s32 $0xFFFFFFC0  }
0xc6: {  	[tilespmem:$0x20] =	vst v0  }
0xc7: {  	[tilespmem:$0x30] =	vst v1  }
0xc8: {  	[tilespmem:$0x80] =	vst v2  }
0xc9: {  	[tilespmem:$0x90] =	vst v3  }
0xca: {  	[tilespmem:$0xA0] =	vst v0  }
0xcb: {  	[tilespmem:$0xB0] =	vst v1  }
0xcc: {  	[tilespmem:$0x100] =	vst v2  }
0xcd: {  	[tilespmem:$0x110] =	vst v3  }
0xce: {  	[tilespmem:$0x120] =	vst v0  }
0xcf: {  	[tilespmem:$0x130] =	vst v1  }
0xd0: {  	[tilespmem:$0x180] =	vst v4  }
0xd1: {  	[tilespmem:$0x190] =	vst v5  }
0xd2: {  	[tilespmem:$0x1A0] =	vst v6  }
0xd3: {  	[tilespmem:$0x1B0] =	vst v7  }
0xd4: {  	[tilespmem:$0x200] =	vst v2  }
0xd5: {  	[tilespmem:$0x210] =	vst v3  }
0xd6: {  	[tilespmem:$0x220] =	vst v0  }
0xd7: {  	[tilespmem:$0x230] =	vst v1  }
0xd8: {  	[tilespmem:$0x280] =	vst v8  }
0xd9: {  	[tilespmem:$0x290] =	vst v9  }
0xda: {  	[tilespmem:$0x0] =	vst v2  }
0xdb: {  	[tilespmem:$0xBB0] =	vst v10  }
0xdc: {  	[tilespmem:$0xBA0] =	vst v11  }
0xdd: {  	[tilespmem:$0xB90] =	vst v12  }
0xde: {  	[tilespmem:$0xB80] =	vst v13  }
0xdf: {  	[tilespmem:$0xB30] =	vst v1  }
0xe0: {  	[tilespmem:$0xB20] =	vst v0  }
0xe1: {  	[tilespmem:$0xB10] =	vst v3  }
0xe2: {  	[tilespmem:$0xB00] =	vst v2  }
0xe3: {  	[tilespmem:$0xAB0] =	vst v14  }
0xe4: {  	[tilespmem:$0xAA0] =	vst v15  }
0xe5: {  	[tilespmem:$0xA90] =	vst v16  }
0xe6: {  	[tilespmem:$0xA80] =	vst v17  }
0xe7: {  	[tilespmem:$0xA30] =	vst v1  }
0xe8: {  	[tilespmem:$0xA20] =	vst v0  }
0xe9: {  	[tilespmem:$0xA10] =	vst v3  }
0xea: {  	[tilespmem:$0xA00] =	vst v2  }
0xeb: {  	[tilespmem:$0x9B0] =	vst v18  }
0xec: {  	[tilespmem:$0x9A0] =	vst v19  }
0xed: {  	[tilespmem:$0x990] =	vst v20  }
0xee: {  	[tilespmem:$0x980] =	vst v21  }
0xef: {  	[tilespmem:$0x930] =	vst v1  }
0xf0: {  	[tilespmem:$0x920] =	vst v0  }
0xf1: {  	[tilespmem:$0x910] =	vst v3  }
0xf2: {  	[tilespmem:$0x900] =	vst v2  }
0xf3: {  	[tilespmem:$0x8B0] =	vst v22  }
0xf4: {  	[tilespmem:$0x8A0] =	vst v23  }
0xf5: {  	[tilespmem:$0x890] =	vst v24  }
0xf6: {  	[tilespmem:$0x880] =	vst v25  }
0xf7: {  	[tilespmem:$0x830] =	vst v1  }
0xf8: {  	[tilespmem:$0x820] =	vst v0  }
0xf9: {  	[tilespmem:$0x810] =	vst v3  }
0xfa: {  	[tilespmem:$0x800] =	vst v2  }
0xfb: {  	[tilespmem:$0x7B0] =	vst v26  }
0xfc: {  	[tilespmem:$0x7A0] =	vst v27  }
0xfd: {  	[tilespmem:$0x790] =	vst v28  }
0xfe: {  	[tilespmem:$0x780] =	vst v29  }
0xff: {  	[tilespmem:$0x730] =	vst v1  }
0x100: {  	[tilespmem:$0x720] =	vst v0  }
0x101: {  	[tilespmem:$0x710] =	vst v3  }
0x102: {  	[tilespmem:$0x700] =	vst v2  }
0x103: {  	[tilespmem:$0x6B0] =	vst v30  }
0x104: {  	[tilespmem:$0x6A0] =	vst v31  }
0x105: {  	[tilespmem:$0x690] =	vst v32  }
0x106: {  	[tilespmem:$0x680] =	vst v33  }
0x107: {  	[tilespmem:$0x630] =	vst v1  }
0x108: {  	[tilespmem:$0x620] =	vst v0  }
0x109: {  	[tilespmem:$0x610] =	vst v3  }
0x10a: {  	[tilespmem:$0x600] =	vst v2  }
0x10b: {  	[tilespmem:$0x5B0] =	vst v34  }
0x10c: {  	[tilespmem:$0x5A0] =	vst v35  }
0x10d: {  	[tilespmem:$0x590] =	vst v36  }
0x10e: {  	[tilespmem:$0x580] =	vst v37  }
0x10f: {  	[tilespmem:$0x530] =	vst v1  }
0x110: {  	[tilespmem:$0x520] =	vst v0  }
0x111: {  	[tilespmem:$0x510] =	vst v3  }
0x112: {  	[tilespmem:$0x500] =	vst v2  }
0x113: {  	[tilespmem:$0x4B0] =	vst v38  }
0x114: {  	[tilespmem:$0x4A0] =	vst v39  }
0x115: {  	[tilespmem:$0x490] =	vst v40  }
0x116: {  	[tilespmem:$0x480] =	vst v41  }
0x117: {  	[tilespmem:$0x430] =	vst v1  }
0x118: {  	[tilespmem:$0x420] =	vst v0  }
0x119: {  	[tilespmem:$0x410] =	vst v3  }
0x11a: {  	[tilespmem:$0x400] =	vst v2  }
0x11b: {  	[tilespmem:$0x3B0] =	vst v42  }
0x11c: {  	[tilespmem:$0x3A0] =	vst v43  }
0x11d: {  	[tilespmem:$0x390] =	vst v44  }
0x11e: {  	[tilespmem:$0x380] =	vst v45  }
0x11f: {  	[tilespmem:$0x330] =	vst v1  }
0x120: {  	[tilespmem:$0x320] =	vst v0  }
0x121: {  	[tilespmem:$0x310] =	vst v3  }
0x122: {  	[tilespmem:$0x300] =	vst v2  }
0x123: {  	[tilespmem:$0x2B0] =	vst v46  }
0x124: {  	[tilespmem:$0x2A0] =	vst v47  }
0x125: {  	[tilespmem:$0x10] =	vst v3  }
0x126: {  	[hbm4b:s3+s2] =	stream.linear.scatter [tilespmem:s2], [sflag:$0x1], $0x40, $0x38;
	[tilespmem:$0xC00] =	vst v63  }
0x127: {  	_ =	swait.ge [sflag:s4], $0x40  }
0x128: {  	[sflag:s4] =	ssyncset.done $0x0  }
0x129: {  	s0 =	rddreg [dreg:$0x2];
	[sflag:s4] =	ssyncadd.s32 $0xFFFFFFC0  }
0x12a: {  	[hbm4b:s0+s2] =	stream.linear.scatter [tilespmem:s5], [sflag:$0x1], $0x40, $0x38;
	[tilespmem:$0xC00] =	vst v63  }
0x12b: {  	_ =	swait.ge [sflag:s4], $0x40  }
0x12c: {  	[sflag:s4] =	ssyncset.done $0x0  }
0x12d: {  	s0 =	rddreg [dreg:$0x3];
	[sflag:s4] =	ssyncadd.s32 $0xFFFFFFC0  }
0x12e: {  	[hbm4b:s0+s2] =	stream.linear.scatter [tilespmem:s6], [sflag:$0x1], $0x40, $0x38;
	[tilespmem:$0xC00] =	vst v63  }
0x12f: {  	_ =	swait.ge [sflag:s4], $0x40  }
0x130: {  	[sflag:s4] =	ssyncset.done $0x0  }
0x131: {  	s0 =	rddreg [dreg:$0x4];
	[sflag:s4] =	ssyncadd.s32 $0xFFFFFFC0  }
0x132: {  	[hbm4b:s0+s2] =	stream.linear.scatter [tilespmem:s7], [sflag:$0x1], $0x40, $0x38;
	[tilespmem:$0xC00] =	vst v63  }
0x133: {  	_ =	swait.ge [sflag:s4], $0x40  }
0x134: {  	[sflag:s4] =	ssyncset.done $0x0  }
0x135: {  	s0 =	rddreg [dreg:$0x5];
	[sflag:s4] =	ssyncadd.s32 $0xFFFFFFC0  }
0x136: {  	[hbm4b:s0+s2] =	stream.linear.scatter [tilespmem:s8], [sflag:$0x1], $0x40, $0x38;
	[tilespmem:$0xC00] =	vst v63  }
0x137: {  	_ =	swait.ge [sflag:s4], $0x40  }
0x138: {  	[sflag:s4] =	ssyncset.done $0x0  }
0x139: {  	s0 =	rddreg [dreg:$0x6];
	[sflag:s4] =	ssyncadd.s32 $0xFFFFFFC0  }
0x13a: {  	[hbm4b:s0+s2] =	stream.linear.scatter [tilespmem:s9], [sflag:$0x1], $0x40, $0x38;
	[tilespmem:$0xC00] =	vst v63  }
0x13b: {  	_ =	swait.ge [sflag:s4], $0x40  }
0x13c: {  	[sflag:s4] =	ssyncset.done $0x0  }
0x13d: {  	s0 =	rddreg [dreg:$0x7];
	[sflag:s4] =	ssyncadd.s32 $0xFFFFFFC0  }
0x13e: {  	[hbm4b:s0+s2] =	stream.linear.scatter [tilespmem:s10], [sflag:$0x1], $0x40, $0x38;
	[tilespmem:$0xC00] =	vst v63  }
0x13f: {  	_ =	swait.ge [sflag:s4], $0x40  }
0x140: {  	[sflag:s4] =	ssyncset.done $0x0  }
0x141: {  	s0 =	rddreg [dreg:$0x8];
	[sflag:s4] =	ssyncadd.s32 $0xFFFFFFC0  }
0x142: {  	[hbm4b:s0+s2] =	stream.linear.scatter [tilespmem:s11], [sflag:$0x1], $0x40, $0x38;
	[tilespmem:$0xC00] =	vst v63  }
0x143: {  	_ =	swait.ge [sflag:s4], $0x40  }
0x144: {  	[sflag:s4] =	ssyncset.done $0x0  }
0x145: {  	s0 =	rddreg [dreg:$0x9];
	[sflag:s4] =	ssyncadd.s32 $0xFFFFFFC0  }
0x146: {  	[hbm4b:s0+s2] =	stream.linear.scatter [tilespmem:s12], [sflag:$0x1], $0x40, $0x38;
	[tilespmem:$0xC00] =	vst v63  }
0x147: {  	_ =	swait.ge [sflag:s4], $0x40  }
0x148: {  	[sflag:s4] =	ssyncset.done $0x0  }
0x149: {  	s0 =	rddreg [dreg:$0xa];
	[sflag:s4] =	ssyncadd.s32 $0xFFFFFFC0  }
0x14a: {  	[hbm4b:s0+s2] =	stream.linear.scatter [tilespmem:s13], [sflag:$0x1], $0x40, $0x38;
	[tilespmem:$0xC00] =	vst v63  }
0x14b: {  	_ =	swait.ge [sflag:s4], $0x40  }
0x14c: {  	[sflag:s4] =	ssyncset.done $0x0  }
0x14d: {  	s0 =	rddreg [dreg:$0xb];
	[sflag:s4] =	ssyncadd.s32 $0xFFFFFFC0  }
0x14e: {  	[hbm4b:s0+s2] =	stream.linear.scatter [tilespmem:s14], [sflag:$0x1], $0x40, $0x38;
	[tilespmem:$0xC00] =	vst v63  }
0x14f: {  	_ =	swait.ge [sflag:s4], $0x40  }
0x150: {  	[sflag:s4] =	ssyncset.done $0x0  }
0x151: {  	s0 =	rddreg [dreg:$0xc];
	[sflag:s4] =	ssyncadd.s32 $0xFFFFFFC0  }
0x152: {  	[hbm4b:s0+s2] =	stream.linear.scatter [tilespmem:s15], [sflag:$0x1], $0x40, $0x38;
	[tilespmem:$0xC00] =	vst v63  }
0x153: {  	_ =	swait.ge [sflag:s4], $0x40  }
0x154: {  	[sflag:s4] =	ssyncset.done $0x0  }
0x155: {  	s0 =	rddreg [dreg:$0xd];
	[sflag:s4] =	ssyncadd.s32 $0xFFFFFFC0  }
0x156: {  	[hbm4b:s0+s2] =	stream.linear.scatter [tilespmem:s16], [sflag:$0x1], $0x40, $0x38;
	[tilespmem:$0xC00] =	vst v63  }
0x157: {  	_ =	swait.ge [sflag:s4], $0x40  }
0x158: {  	[sflag:s4] =	ssyncset.done $0x0  }
0x159: {  	s0 =	rddreg [dreg:$0xe];
	[sflag:s4] =	ssyncadd.s32 $0xFFFFFFC0  }
0x15a: {  	[hbm4b:s0+s2] =	stream.linear.scatter [tilespmem:s17], [sflag:$0x1], $0x40, $0x38;
	[tilespmem:$0xC00] =	vst v63  }
0x15b: {  	_ =	swait.ge [sflag:s4], $0x40  }
0x15c: {  	[sflag:s4] =	ssyncset.done $0x0  }
0x15d: {  	s0 =	rddreg [dreg:$0xf];
	[sflag:s4] =	ssyncadd.s32 $0xFFFFFFC0  }
0x15e: {  	[hbm4b:s0+s2] =	stream.linear.scatter [tilespmem:s18], [sflag:$0x1], $0x40, $0x38;
	[tilespmem:$0xC00] =	vst v63  }
0x15f: {  	_ =	swait.ge [sflag:s4], $0x40  }
0x160: {  	[sflag:s4] =	ssyncset.done $0x0  }
0x161: {  	s0 =	rddreg [dreg:$0x10];
	[sflag:s4] =	ssyncadd.s32 $0xFFFFFFC0  }
0x162: {  	[hbm4b:s0+s2] =	stream.linear.scatter [tilespmem:s19], [sflag:$0x1], $0x40, $0x38;
	[tilespmem:$0xC00] =	vst v63  }
0x163: {  	_ =	swait.ge [sflag:s4], $0x40  }
0x164: {  	[sflag:s4] =	ssyncset.done $0x0  }
0x165: {  	s0 =	rddreg [dreg:$0x11];
	[sflag:s4] =	ssyncadd.s32 $0xFFFFFFC0  }
0x166: {  	[hbm4b:s0+s2] =	stream.linear.scatter [tilespmem:s20], [sflag:$0x1], $0x40, $0x38;
	[tilespmem:$0xC00] =	vst v63  }
0x167: {  	_ =	swait.ge [sflag:s4], $0x40  }
0x168: {  	[sflag:s4] =	ssyncset.done $0x0  }
0x169: {  	s0 =	rddreg [dreg:$0x12];
	[sflag:s4] =	ssyncadd.s32 $0xFFFFFFC0  }
0x16a: {  	[hbm4b:s0+s2] =	stream.linear.scatter [tilespmem:s21], [sflag:$0x1], $0x40, $0x38;
	[tilespmem:$0xC00] =	vst v63  }
0x16b: {  	_ =	swait.ge [sflag:s4], $0x40  }
0x16c: {  	[sflag:s4] =	ssyncset.done $0x0  }
0x16d: {  	s0 =	rddreg [dreg:$0x13];
	[sflag:s4] =	ssyncadd.s32 $0xFFFFFFC0  }
0x16e: {  	[hbm4b:s0+s2] =	stream.linear.scatter [tilespmem:s22], [sflag:$0x1], $0x40, $0x38;
	[tilespmem:$0xC00] =	vst v63  }
0x16f: {  	_ =	swait.ge [sflag:s4], $0x40  }
0x170: {  	[sflag:s4] =	ssyncset.done $0x0  }
0x171: {  	s0 =	rddreg [dreg:$0x14];
	[sflag:s4] =	ssyncadd.s32 $0xFFFFFFC0  }
0x172: {  	[hbm4b:s0+s2] =	stream.linear.scatter [tilespmem:s23], [sflag:$0x1], $0x40, $0x38;
	[tilespmem:$0xC00] =	vst v63  }
0x173: {  	_ =	swait.ge [sflag:s4], $0x40  }
0x174: {  	[sflag:s4] =	ssyncset.done $0x0  }
0x175: {  	s0 =	rddreg [dreg:$0x15];
	[sflag:s4] =	ssyncadd.s32 $0xFFFFFFC0  }
0x176: {  	[hbm4b:s0+s2] =	stream.linear.scatter [tilespmem:s24], [sflag:$0x1], $0x40, $0x38;
	[tilespmem:$0xC00] =	vst v63  }
0x177: {  	_ =	swait.ge [sflag:s4], $0x40  }
0x178: {  	[sflag:s4] =	ssyncset.done $0x0  }
0x179: {  	[sflag:s4] =	ssyncadd.s32 $0xFFFFFFC0  }
0x17a: {  	[hbm4b:s25+s2] =	stream.linear.scatter [tilespmem:s26], [sflag:$0x1], $0x40, $0x38;
	[tilespmem:$0xC00] =	vst v63  }
0x17b: {  	_ =	swait.ge [sflag:s4], $0x40  }
0x17c: {  	[sflag:s4] =	ssyncset.done $0x0  }
0x17d: {  	[sflag:s4] =	ssyncadd.s32 $0xFFFFFFC0  }
0x17e: {  	[hbm4b:s28+s2] =	stream.linear.scatter [tilespmem:s29], [sflag:$0x1], $0x40, $0x38;
	[tilespmem:$0xC00] =	vst v63  }
0x17f: {  	p0 =	sne.s32 s1, $0x1;
	_ =	swait.ge [sflag:s4], $0x40  }
.Ltmp1:
0x180: {  	[sflag:s4] =	ssyncset.done $0x0;
	(pc) =	sbr.rel @p0 .LBB2_1-.Ltmp1, $4  }
0x181: {  	[sflag:s4] =	ssyncadd.s32 $0xFFFFFFC0  }
0x182: {  	[hbm4b:s30+s2] =	stream.linear.scatter [tilespmem:s31], [sflag:$0x1], $0x40, $0x38;
	[tilespmem:$0xC00] =	vst v63  }
0x183: {  	_ =	swait.ge [sflag:s4], $0x40  }
0x184: {  	s1 =	sadd.s32 $0xFFFFFFFF, s1;
	[sflag:s4] =	ssyncset.done $0x0  }
.LBB2_2:
0x185: {  	[sflag:s4] =	ssyncadd.s32 $0xFFFFFFC0  }
0x186: {  	_ =	sfence.sel $0x180000  }
0x187: {  	[bflag:$0x0] =	sbarrier.arrive $0xFFFF  }
0x188: {  	_ =	strace $0x90000047  }
0x189: {  	s0 =	stileid.u32;
	[bflag:$0x2] =	sbarrier.arrive $0xFFFF  }
0x18a: {  	p0 =	sne.s32 s0, $0x0;
	s0 =	rddreg [dreg:$0x1]  }
0x18b: {  	s0 =	sadd.s32 @!p0 $0x100000, s0  }
0x18c: {  	[sflag:s0] =	ssyncadd.tile.s32 @!p0 $0x1;
	_ =	shalt  }
.Lfunc_end2:
_tile_overlayer_lowered:
.L_overlay_start_2:
0x18d: {  	(tag) =	ssettag $0x2  }
0x18e: {  	s0 =	rddreg [dreg:$0x0];
	s2 =	stileid.u32  }
0x18f: {  	s1 =	rddreg [dreg:$0x1];
	p0 =	sne.s32 s2, $0x0  }
0x190: {  	s3 =	rddreg [dreg:$0x2];
	[bflag:$0x3] =	sbarrier.arrive $0xFFFF;
	s2 =	simm.s32 @!p0 $0x1C01  }
0x191: {  	[timem:s3], [sflag:s2] =	dma.local @!p0 [hbm:s0], s1  }
0x192: {  	s0 =	simm.s32 @!p0 $0x1  }
0x193: {  	_ =	swait.ge @!p0 [sflag:s0], s1  }
0x194: {  	s1 =	ssub.s32 @!p0 $0x0, s1;
	[sflag:s0] =	ssyncset.done @!p0 $0x0  }
0x195: {  	[sflag:s0] =	ssyncadd.s32 @!p0 s1  }
0x196: {  	[bflag:$0x3] =	sbarrier.arrive $0xFFFF  }
0x197: {  	_ =	shalt  }

</sc_bundles>
